<compile_context>
chip_gen: v7x
topology: tpu7x:2x2x1
jax: 0.10.2.dev20260603
libtpu: 0.0.44.dev20260713+nightly
codegen_flags: <defaults>
</compile_context>

<pallas_src>
import functools

import jax
import jax.numpy as jnp
from jax import lax
from jax.experimental import pallas as pl
from jax.experimental.pallas import tpu as pltpu
from jax.experimental.pallas import tpu_sc as plsc

N = 10000
NP = 10240
F = 128
E = 320000
O = 40

NC = 2
NS = 16
RPT = NP // NS
RC = 64
EDGES_PER_SC = E // NC
EDGES_PER_TILE = EDGES_PER_SC // NS
SE = 128
EP = 327680
SAC = 10000
EPT = EP // (NC * NS)
NCHUNK = EPT // SE
K = 8
NGROUP = NCHUNK // K
EROWS = EP // SE

CH = 1000
NBLK = N // CH

_MESH = plsc.VectorSubcoreMesh(core_axis_name="c", subcore_axis_name="s")



def _init_acc(c, r0, pos_hbm, zeros_hbm, acc_sh):
    @pl.when(c == 0)
    def _():
        pltpu.sync_copy(pos_hbm.at[pl.ds(r0, RPT)], acc_sh.at[pl.ds(r0, RPT)])

    @pl.when(c != 0)
    def _():
        pltpu.sync_copy(zeros_hbm.at[pl.ds(r0, RPT)], acc_sh.at[pl.ds(r0, RPT)])


def _write_out(c, r0, out_hbm, acc_sh):
    pltpu.sync_copy(acc_sh.at[pl.ds(r0, RPT)], out_hbm.at[c, pl.ds(r0, RPT)])


DW = 128


@functools.partial(
    pl.kernel,
    out_type=jax.ShapeDtypeStruct((NC, NP, DW), jnp.float32),
    mesh=_MESH,
    scratch_types=[
        pltpu.VMEM((NCHUNK, SE), jnp.int32),
        pltpu.VMEM((SE, DW), jnp.float32),
        pltpu.VMEM_SHARED((NP, DW), jnp.float32),
        pltpu.SemaphoreType.DMA((4,)),
    ],
)
def _deg_kernel(dst2_hbm, ones_hbm, zeros_hbm, out_hbm,
                di_all, ones_v, acc_sh, sem_s):
    c = lax.axis_index("c")
    s = lax.axis_index("s")
    r0 = s * RPT
    _init_acc(c, r0, ones_hbm, zeros_hbm, acc_sh)
    pltpu.sync_copy(ones_hbm.at[pl.ds(0, SE)], ones_v)
    row0 = (c * NS + s) * NCHUNK
    pltpu.sync_copy(dst2_hbm.at[pl.ds(row0, NCHUNK)], di_all)
    plsc.subcore_barrier()

    def group(j0, carry):
        base = j0 * 4
        descs = [
            pltpu.async_copy(ones_v, acc_sh.at[di_all.at[base + b]],
                             sem_s.at[b], add=True)
            for b in range(4)
        ]
        for d in descs:
            d.wait()
        return carry

    lax.fori_loop(0, NCHUNK // 4, group, 0)
    plsc.subcore_barrier()
    _write_out(c, r0, out_hbm, acc_sh)


SE2 = 128
NCH2 = EPT // SE2
NPAIR = NCH2 // 2


@functools.partial(
    pl.kernel,
    out_type=jax.ShapeDtypeStruct((NC, NP, F), jnp.float32),
    mesh=_MESH,
    scratch_types=[
        pltpu.VMEM((SE2,), jnp.int32),
        pltpu.VMEM((SE2,), jnp.int32),
        pltpu.VMEM((SE2,), jnp.int32),
        pltpu.VMEM((SE2,), jnp.int32),
        pltpu.VMEM((SE2, F), jnp.float32),
        pltpu.VMEM((SE2, F), jnp.float32),
        pltpu.VMEM_SHARED((NP, F), jnp.float32),
        pltpu.SemaphoreType.DMA((2,)),
        pltpu.SemaphoreType.DMA((2,)),
        pltpu.SemaphoreType.DMA((4,)),
    ],
)
def _scatter_kernel(g_hbm, src_hbm, dst_hbm, zeros_hbm, out_hbm,
                    si_a, di_a, si_b, di_b, rows_a, rows_b,
                    acc_sh, sem_g, sem_s, sem_i):
    c = lax.axis_index("c")
    s = lax.axis_index("s")
    r0 = s * RPT
    _init_acc(c, r0, g_hbm, zeros_hbm, acc_sh)
    e0 = (c * NS + s) * EPT
    plsc.subcore_barrier()

    def pair(q, carry):
        ea = e0 + q * (2 * SE2)
        eb = ea + SE2
        i1 = pltpu.async_copy(src_hbm.at[pl.ds(ea, SE2)], si_a, sem_i.at[0])
        i2 = pltpu.async_copy(dst_hbm.at[pl.ds(ea, SE2)], di_a, sem_i.at[1])
        i3 = pltpu.async_copy(src_hbm.at[pl.ds(eb, SE2)], si_b, sem_i.at[2])
        i4 = pltpu.async_copy(dst_hbm.at[pl.ds(eb, SE2)], di_b, sem_i.at[3])
        i1.wait()
        ga = pltpu.async_copy(g_hbm.at[si_a], rows_a, sem_g.at[0])
        i3.wait()
        gb = pltpu.async_copy(g_hbm.at[si_b], rows_b, sem_g.at[1])
        ga.wait()
        i2.wait()
        sa = pltpu.async_copy(rows_a, acc_sh.at[di_a], sem_s.at[0], add=True)
        gb.wait()
        i4.wait()
        sb = pltpu.async_copy(rows_b, acc_sh.at[di_b], sem_s.at[1], add=True)
        sa.wait()
        sb.wait()
        return carry

    lax.fori_loop(0, NPAIR, pair, 0)
    plsc.subcore_barrier()
    _write_out(c, r0, out_hbm, acc_sh)



def _tc_mm_body(x_ref, w_ref, h_ref):
    h_ref[...] = jnp.dot(x_ref[...], w_ref[...],
                         preferred_element_type=jnp.float32)


def _tc1_body(h_ref, degp_ref, g_ref, dinv_ref):
    d = degp_ref[0][:, 0:1] + degp_ref[1][:, 0:1]
    dv = lax.rsqrt(d)
    g_ref[...] = h_ref[...] * dv
    dinv_ref[...] = dv


def _tc_mid_body(acc_ref, dinv_ref, b_ref, w_ref, g_ref):
    dv = dinv_ref[...]
    h = (acc_ref[0] + acc_ref[1]) * dv + b_ref[...]
    h = jnp.maximum(h, 0.0)
    g_ref[...] = jnp.dot(h, w_ref[...], preferred_element_type=jnp.float32) * dv


def _tc_h3_body(acc_ref, dinv_ref, b_ref, h_ref, st_ref):
    i = pl.program_id(0)
    h = (acc_ref[0] + acc_ref[1]) * dinv_ref[...] + b_ref[...]
    h = jnp.maximum(h, 0.0)
    h_ref[...] = h
    s1 = jnp.sum(h, axis=0, keepdims=True)
    s2 = jnp.sum(h * h, axis=0, keepdims=True)
    st = jnp.concatenate([s1, s2], axis=0)

    @pl.when(i == 0)
    def _():
        st_ref[...] = st

    @pl.when(i != 0)
    def _():
        st_ref[...] += st


def _tc_head_body(h_ref, st_ref, gam_ref, bet_ref, wc_ref, bc_ref,
                  wr_ref, br_ref, o_ref):
    mean = st_ref[0:1] / float(N)
    var = st_ref[1:2] / float(N) - mean * mean
    xn = (h_ref[...] - mean) * lax.rsqrt(var + 1e-5) * gam_ref[...] + bet_ref[...]
    hc = jnp.dot(xn, wc_ref[...], preferred_element_type=jnp.float32) + bc_ref[...]
    hc = jnp.maximum(hc, 0.0)
    o_ref[...] = jnp.dot(hc, wr_ref[...], preferred_element_type=jnp.float32) + br_ref[...]


def _tc_mm(x, W1):
    return pl.pallas_call(
        _tc_mm_body,
        grid=(NBLK,),
        in_specs=[
            pl.BlockSpec((CH, F), lambda i: (i, 0)),
            pl.BlockSpec((F, F), lambda i: (0, 0)),
        ],
        out_specs=pl.BlockSpec((CH, F), lambda i: (i, 0)),
        out_shape=jax.ShapeDtypeStruct((NP, F), jnp.float32),
    )(x, W1)


def _tc1(h1, degp):
    return pl.pallas_call(
        _tc1_body,
        grid=(NBLK,),
        in_specs=[
            pl.BlockSpec((CH, F), lambda i: (i, 0)),
            pl.BlockSpec((2, CH, DW), lambda i: (0, i, 0)),
        ],
        out_specs=[
            pl.BlockSpec((CH, F), lambda i: (i, 0)),
            pl.BlockSpec((CH, 1), lambda i: (i, 0)),
        ],
        out_shape=[
            jax.ShapeDtypeStruct((NP, F), jnp.float32),
            jax.ShapeDtypeStruct((NP, 1), jnp.float32),
        ],
    )(h1, degp)


def _tc_mid(acc, dinv, b, W):
    return pl.pallas_call(
        _tc_mid_body,
        grid=(NBLK,),
        in_specs=[
            pl.BlockSpec((2, CH, F), lambda i: (0, i, 0)),
            pl.BlockSpec((CH, 1), lambda i: (i, 0)),
            pl.BlockSpec((1, F), lambda i: (0, 0)),
            pl.BlockSpec((F, F), lambda i: (0, 0)),
        ],
        out_specs=pl.BlockSpec((CH, F), lambda i: (i, 0)),
        out_shape=jax.ShapeDtypeStruct((NP, F), jnp.float32),
    )(acc, dinv, b, W)


def _tc_h3(acc, dinv, b):
    return pl.pallas_call(
        _tc_h3_body,
        grid=(NBLK,),
        in_specs=[
            pl.BlockSpec((2, CH, F), lambda i: (0, i, 0)),
            pl.BlockSpec((CH, 1), lambda i: (i, 0)),
            pl.BlockSpec((1, F), lambda i: (0, 0)),
        ],
        out_specs=[
            pl.BlockSpec((CH, F), lambda i: (i, 0)),
            pl.BlockSpec((2, F), lambda i: (0, 0)),
        ],
        out_shape=[
            jax.ShapeDtypeStruct((N, F), jnp.float32),
            jax.ShapeDtypeStruct((2, F), jnp.float32),
        ],
    )(acc, dinv, b)


def _tc_head(h3, stats, gamma, beta, Wc, bc, Wr, br):
    return pl.pallas_call(
        _tc_head_body,
        grid=(NBLK,),
        in_specs=[
            pl.BlockSpec((CH, F), lambda i: (i, 0)),
            pl.BlockSpec((2, F), lambda i: (0, 0)),
            pl.BlockSpec((1, F), lambda i: (0, 0)),
            pl.BlockSpec((1, F), lambda i: (0, 0)),
            pl.BlockSpec((F, F), lambda i: (0, 0)),
            pl.BlockSpec((1, F), lambda i: (0, 0)),
            pl.BlockSpec((F, O), lambda i: (0, 0)),
            pl.BlockSpec((1, O), lambda i: (0, 0)),
        ],
        out_specs=pl.BlockSpec((CH, O), lambda i: (i, 0)),
        out_shape=jax.ShapeDtypeStruct((N, O), jnp.float32),
    )(h3, stats, gamma, beta, Wc, bc, Wr, br)



def kernel(x, edge_index, W1, b1, W2, b2, W3, b3, gamma, beta, Wc, bc, Wr, br):
    pad_w = EPT - EDGES_PER_TILE
    pad_src = jnp.broadcast_to(jnp.arange(pad_w, dtype=jnp.int32),
                               (NC * NS, pad_w))
    pad_dst = pad_src + SAC
    src2 = jnp.concatenate(
        [edge_index[0].reshape(NC * NS, EDGES_PER_TILE), pad_src],
        axis=1).reshape(EROWS, SE)
    dst2 = jnp.concatenate(
        [edge_index[1].reshape(NC * NS, EDGES_PER_TILE), pad_dst],
        axis=1).reshape(EROWS, SE)
    zeros = jnp.zeros((NP, F), jnp.float32)
    zeros16 = jnp.zeros((NP, DW), jnp.float32)
    ones16 = jnp.ones((NP, DW), jnp.float32)

    src1p = src2.reshape(EP)
    dst1p = dst2.reshape(EP)
    h1 = _tc_mm(x, W1)
    degp = _deg_kernel(dst2, ones16, zeros16)
    g1, dinv = _tc1(h1, degp)
    acc1 = _scatter_kernel(g1, src1p, dst1p, zeros)
    g2 = _tc_mid(acc1, dinv, b1.reshape(1, F), W2)
    acc2 = _scatter_kernel(g2, src1p, dst1p, zeros)
    g3 = _tc_mid(acc2, dinv, b2.reshape(1, F), W3)
    acc3 = _scatter_kernel(g3, src1p, dst1p, zeros)
    h3, stats = _tc_h3(acc3, dinv, b3.reshape(1, F))
    return _tc_head(h3, stats, gamma.reshape(1, F), beta.reshape(1, F),
                    Wc, bc.reshape(1, F), Wr, br.reshape(1, O))

# --- scband reference (transcript-rebuilt; emitter-appended) ---
"""Pipeline reference for scband-gnn-11785390260977 (READ-ONLY COPY).

The authoritative reference and input builder live on the scoring server;
editing this copy changes nothing except your own understanding.
"""

import jax, jax.numpy as jnp
import numpy as np

N, D, H, O = 10000, 128, 128, 40
E = 320000


def gcn_layer(x, src, dst, W, b):
    n = x.shape[0]
    loop = jnp.arange(n, dtype=src.dtype)
    s = jnp.concatenate([src, loop])
    d = jnp.concatenate([dst, loop])
    deg = jnp.zeros((n,), dtype=jnp.float32).at[d].add(1.0)
    dinv = jnp.where(deg > 0, deg ** -0.5, 0.0)
    norm = dinv[s] * dinv[d]
    h = x @ W
    msg = h[s] * norm[:, None]
    out = jnp.zeros((n, W.shape[1]), dtype=jnp.float32).at[d].add(msg)
    return out + b


def batchnorm(x, gamma, beta, eps=1e-5):
    mean = x.mean(axis=0)
    var = x.var(axis=0)
    return (x - mean) / jnp.sqrt(var + eps) * gamma + beta


def setup_inputs(seed: int = 0):
    key = jax.random.key(seed)
    ks = jax.random.split(key, 12)
    x = jax.random.normal(ks[0], (N, D), dtype=jnp.float32)
    edge_index = jax.random.randint(ks[1], (2, E), 0, N, dtype=jnp.int32)
    sD = 1.0 / np.sqrt(D)
    sH = 1.0 / np.sqrt(H)
    W1 = jax.random.uniform(ks[2], (D, H), jnp.float32, -sD, sD)
    b1 = jnp.zeros((H,), jnp.float32)
    W2 = jax.random.uniform(ks[3], (H, H), jnp.float32, -sH, sH)
    b2 = jnp.zeros((H,), jnp.float32)
    W3 = jax.random.uniform(ks[4], (H, H), jnp.float32, -sH, sH)
    b3 = jnp.zeros((H,), jnp.float32)
    gamma = jnp.ones((H,), jnp.float32)
    beta = jnp.zeros((H,), jnp.float32)
    Wc = jax.random.uniform(ks[5], (H, H), jnp.float32, -sH, sH)
    bc = jax.random.uniform(ks[6], (H,), jnp.float32, -sH, sH)
    Wr = jax.random.uniform(ks[7], (H, O), jnp.float32, -sH, sH)
    br = jax.random.uniform(ks[8], (O,), jnp.float32, -sH, sH)
    return {"x": x, "edge_index": edge_index, "W1": W1, "b1": b1, "W2": W2, "b2": b2, "W3": W3, "b3": b3, "gamma": gamma, "beta": beta, "Wc": Wc, "bc": bc, "Wr": Wr, "br": br}


def reference(x, edge_index, W1, b1, W2, b2, W3, b3, gamma, beta, Wc, bc, Wr, br):
    src, dst = edge_index[0], edge_index[1]
    h = jax.nn.relu(gcn_layer(x, src, dst, W1, b1))
    h = jax.nn.relu(gcn_layer(h, src, dst, W2, b2))  # dropout = identity (eval)
    h = jax.nn.relu(gcn_layer(h, src, dst, W3, b3))
    h = batchnorm(h, gamma, beta)
    h = jax.nn.relu(h @ Wc + bc)
    out = h @ Wr + br
    return out

if __name__ == "__main__":
    import jax
    _d = setup_inputs()
    print(jax.jit(kernel)(*tuple(_d.values())))

</pallas_src>

<mosaic_0001>
#map = affine_map<(d0, d1) -> (0, 0)>
#map1 = affine_map<(d0, d1) -> (0, 0, 0)>
module attributes {stable_mosaic.version = 14 : i64} {
  func.func @_deg_kernel(%arg0: i32, %arg1: i32, %arg2: memref<2560x128xi32, #tpu.memory_space<hbm>>, %arg3: memref<10240x128xf32, #tpu.memory_space<hbm>>, %arg4: memref<10240x128xf32, #tpu.memory_space<hbm>>, %arg5: memref<2x10240x128xf32, #tpu.memory_space<hbm>>, %arg6: memref<80x128xi32, #tpu.memory_space<vmem>>, %arg7: memref<128x128xf32, #tpu.memory_space<vmem>>, %arg8: memref<10240x128xf32, #tpu.memory_space<vmem_shared>>, %arg9: memref<4x!tpu.dma_semaphore, #tpu.memory_space<semaphore_mem>>) attributes {dimension_semantics = [#tpu.dimension_semantics<core_parallel>, #tpu.dimension_semantics<subcore_parallel>], iteration_bounds = array<i64: 2, 16>, scalar_prefetch = 0 : i64, scratch_operands = 4 : i64, tpu.core_type = #tpu.core_type<sc_vector_subcore>, window_params = [{transform_indices = #map}, {transform_indices = #map}, {transform_indices = #map}, {transform_indices = #map1}]} {
    %mul3A = arith.constant 640 : i32
    %mul3A_0 = arith.muli %arg1, %mul3A : i32
    %eq3A = arith.constant 0 : i32
    %eq3A_1 = arith.cmpi eq, %arg0, %eq3A : i32
    %convert_element_type3A = arith.extui %eq3A_1 : i1 to i32
    %cond3A = arith.constant 0 : i32
    %cond3A_2 = arith.cmpi ne, %convert_element_type3A, %cond3A : i32
    scf.if %cond3A_2 {
      "tpu.region"() ({
        %run_scoped3A = tpu.sem_alloc : memref<!tpu.dma_semaphore, #tpu.memory_space<semaphore_mem>>
        %dma_start3A = arith.constant 0 : i32
        %dma_start3A_17 = tpu.memref_slice %arg8[%mul3A_0, %dma_start3A] : memref<10240x128xf32, #tpu.memory_space<vmem_shared>> -> memref<640x128xf32, #tpu.memory_space<vmem_shared>>
        %dma_start3A_18 = arith.constant 0 : i32
        %dma_start3A_19 = tpu.memref_slice %arg3[%mul3A_0, %dma_start3A_18] : memref<10240x128xf32, #tpu.memory_space<hbm>> -> memref<640x128xf32, #tpu.memory_space<hbm>>
        tpu.enqueue_dma source(%dma_start3A_19 : memref<640x128xf32, #tpu.memory_space<hbm>>) target(%dma_start3A_17 : memref<640x128xf32, #tpu.memory_space<vmem_shared>>) target_semaphore(%run_scoped3A : memref<!tpu.dma_semaphore, #tpu.memory_space<semaphore_mem>>)
        %dma_wait3A = arith.constant 0 : i32
        %dma_wait3A_20 = tpu.memref_slice %arg8[%mul3A_0, %dma_wait3A] : memref<10240x128xf32, #tpu.memory_space<vmem_shared>> -> memref<640x128xf32, #tpu.memory_space<vmem_shared>>
        %dma_wait3A_21 = arith.constant 0 : i32
        %dma_wait3A_22 = tpu.memref_slice %arg3[%mul3A_0, %dma_wait3A_21] : memref<10240x128xf32, #tpu.memory_space<hbm>> -> memref<640x128xf32, #tpu.memory_space<hbm>>
        tpu.wait_dma2 semaphore(%run_scoped3A : memref<!tpu.dma_semaphore, #tpu.memory_space<semaphore_mem>>) src(%dma_wait3A_22 : memref<640x128xf32, #tpu.memory_space<hbm>>) dst(%dma_wait3A_20 : memref<640x128xf32, #tpu.memory_space<vmem_shared>>)
        tpu.yield
      }) : () -> ()
    } else {
    }
    %ne3A = arith.constant 0 : i32
    %ne3A_3 = arith.cmpi ne, %arg0, %ne3A : i32
    %convert_element_type3A_4 = arith.extui %ne3A_3 : i1 to i32
    %cond3A_5 = arith.constant 0 : i32
    %cond3A_6 = arith.cmpi ne, %convert_element_type3A_4, %cond3A_5 : i32
    scf.if %cond3A_6 {
      "tpu.region"() ({
        %run_scoped3A = tpu.sem_alloc : memref<!tpu.dma_semaphore, #tpu.memory_space<semaphore_mem>>
        %dma_start3A = arith.constant 0 : i32
        %dma_start3A_17 = tpu.memref_slice %arg8[%mul3A_0, %dma_start3A] : memref<10240x128xf32, #tpu.memory_space<vmem_shared>> -> memref<640x128xf32, #tpu.memory_space<vmem_shared>>
        %dma_start3A_18 = arith.constant 0 : i32
        %dma_start3A_19 = tpu.memref_slice %arg4[%mul3A_0, %dma_start3A_18] : memref<10240x128xf32, #tpu.memory_space<hbm>> -> memref<640x128xf32, #tpu.memory_space<hbm>>
        tpu.enqueue_dma source(%dma_start3A_19 : memref<640x128xf32, #tpu.memory_space<hbm>>) target(%dma_start3A_17 : memref<640x128xf32, #tpu.memory_space<vmem_shared>>) target_semaphore(%run_scoped3A : memref<!tpu.dma_semaphore, #tpu.memory_space<semaphore_mem>>)
        %dma_wait3A = arith.constant 0 : i32
        %dma_wait3A_20 = tpu.memref_slice %arg8[%mul3A_0, %dma_wait3A] : memref<10240x128xf32, #tpu.memory_space<vmem_shared>> -> memref<640x128xf32, #tpu.memory_space<vmem_shared>>
        %dma_wait3A_21 = arith.constant 0 : i32
        %dma_wait3A_22 = tpu.memref_slice %arg4[%mul3A_0, %dma_wait3A_21] : memref<10240x128xf32, #tpu.memory_space<hbm>> -> memref<640x128xf32, #tpu.memory_space<hbm>>
        tpu.wait_dma2 semaphore(%run_scoped3A : memref<!tpu.dma_semaphore, #tpu.memory_space<semaphore_mem>>) src(%dma_wait3A_22 : memref<640x128xf32, #tpu.memory_space<hbm>>) dst(%dma_wait3A_20 : memref<640x128xf32, #tpu.memory_space<vmem_shared>>)
        tpu.yield
      }) : () -> ()
    } else {
    }
    "tpu.region"() ({
      %run_scoped3A = tpu.sem_alloc : memref<!tpu.dma_semaphore, #tpu.memory_space<semaphore_mem>>
      %dma_start3A = arith.constant 0 : i32
      %dma_start3A_17 = arith.constant 0 : i32
      %dma_start3A_18 = tpu.memref_slice %arg3[%dma_start3A, %dma_start3A_17] : memref<10240x128xf32, #tpu.memory_space<hbm>> -> memref<128x128xf32, #tpu.memory_space<hbm>>
      %dma_start3A_19 = arith.constant 0 : i32
      %dma_start3A_20 = arith.constant 0 : i32
      %dma_start3A_21 = tpu.memref_slice %arg3[%dma_start3A_19, %dma_start3A_20] : memref<10240x128xf32, #tpu.memory_space<hbm>> -> memref<128x128xf32, #tpu.memory_space<hbm>>
      tpu.enqueue_dma source(%dma_start3A_21 : memref<128x128xf32, #tpu.memory_space<hbm>>) target(%arg7 : memref<128x128xf32, #tpu.memory_space<vmem>>) target_semaphore(%run_scoped3A : memref<!tpu.dma_semaphore, #tpu.memory_space<semaphore_mem>>)
      %dma_wait3A = arith.constant 0 : i32
      %dma_wait3A_22 = arith.constant 0 : i32
      %dma_wait3A_23 = tpu.memref_slice %arg3[%dma_wait3A, %dma_wait3A_22] : memref<10240x128xf32, #tpu.memory_space<hbm>> -> memref<128x128xf32, #tpu.memory_space<hbm>>
      %dma_wait3A_24 = arith.constant 0 : i32
      %dma_wait3A_25 = arith.constant 0 : i32
      %dma_wait3A_26 = tpu.memref_slice %arg3[%dma_wait3A_24, %dma_wait3A_25] : memref<10240x128xf32, #tpu.memory_space<hbm>> -> memref<128x128xf32, #tpu.memory_space<hbm>>
      tpu.wait_dma2 semaphore(%run_scoped3A : memref<!tpu.dma_semaphore, #tpu.memory_space<semaphore_mem>>) src(%dma_wait3A_26 : memref<128x128xf32, #tpu.memory_space<hbm>>) dst(%arg7 : memref<128x128xf32, #tpu.memory_space<vmem>>)
      tpu.yield
    }) : () -> ()
    %mul3A_7 = arith.constant 16 : i32
    %mul3A_8 = arith.muli %arg0, %mul3A_7 : i32
    %add3A = arith.addi %mul3A_8, %arg1 : i32
    %mul3A_9 = arith.constant 80 : i32
    %mul3A_10 = arith.muli %add3A, %mul3A_9 : i32
    "tpu.region"() ({
      %run_scoped3A = tpu.sem_alloc : memref<!tpu.dma_semaphore, #tpu.memory_space<semaphore_mem>>
      %dma_start3A = arith.constant 0 : i32
      %dma_start3A_17 = tpu.memref_slice %arg2[%mul3A_10, %dma_start3A] : memref<2560x128xi32, #tpu.memory_space<hbm>> -> memref<80x128xi32, #tpu.memory_space<hbm>>
      %dma_start3A_18 = arith.constant 0 : i32
      %dma_start3A_19 = tpu.memref_slice %arg2[%mul3A_10, %dma_start3A_18] : memref<2560x128xi32, #tpu.memory_space<hbm>> -> memref<80x128xi32, #tpu.memory_space<hbm>>
      tpu.enqueue_dma source(%dma_start3A_19 : memref<80x128xi32, #tpu.memory_space<hbm>>) target(%arg6 : memref<80x128xi32, #tpu.memory_space<vmem>>) target_semaphore(%run_scoped3A : memref<!tpu.dma_semaphore, #tpu.memory_space<semaphore_mem>>)
      %dma_wait3A = arith.constant 0 : i32
      %dma_wait3A_20 = tpu.memref_slice %arg2[%mul3A_10, %dma_wait3A] : memref<2560x128xi32, #tpu.memory_space<hbm>> -> memref<80x128xi32, #tpu.memory_space<hbm>>
      %dma_wait3A_21 = arith.constant 0 : i32
      %dma_wait3A_22 = tpu.memref_slice %arg2[%mul3A_10, %dma_wait3A_21] : memref<2560x128xi32, #tpu.memory_space<hbm>> -> memref<80x128xi32, #tpu.memory_space<hbm>>
      tpu.wait_dma2 semaphore(%run_scoped3A : memref<!tpu.dma_semaphore, #tpu.memory_space<semaphore_mem>>) src(%dma_wait3A_22 : memref<80x128xi32, #tpu.memory_space<hbm>>) dst(%arg6 : memref<80x128xi32, #tpu.memory_space<vmem>>)
      tpu.yield
    }) : () -> ()
    %barrier3A = arith.constant 0 : index
    tpu.barrier barrier_id(%barrier3A)
    %scan3A = arith.constant 0 : i32
    %scan3A_11 = arith.constant 0 : i32
    %scan3A_12 = arith.constant 20 : i32
    %scan3A_13 = arith.addi %scan3A_11, %scan3A_12 : i32
    %scan3A_14 = arith.constant 1 : i32
    scf.for %scan3A_17 = %scan3A_11 to %scan3A_13 step %scan3A_14  : i32 {
      %mul3A_18 = arith.constant 4 : i32
      %mul3A_19 = arith.muli %scan3A_17, %mul3A_18 : i32
      %add3A_20 = arith.constant 0 : i32
      %add3A_21 = arith.addi %mul3A_19, %add3A_20 : i32
      %dma_start3A = arith.constant 0 : i32
      %dma_start3A_22 = arith.constant 0 : i32
      %dma_start3A_23 = tpu.memref_slice %arg6[%add3A_21, %dma_start3A_22] : memref<80x128xi32, #tpu.memory_space<vmem>> -> memref<1x128xi32, #tpu.memory_space<vmem>>
      %dma_start3A_24 = tpu.memref_squeeze %dma_start3A_23 : memref<1x128xi32, #tpu.memory_space<vmem>> -> memref<128xi32, #tpu.memory_space<vmem>>
      %dma_start3A_25 = arith.constant 0 : i32
      %dma_start3A_26 = arith.constant 0 : i32
      %dma_start3A_27 = tpu.memref_slice %arg8[%dma_start3A_25, %dma_start3A_26] : memref<10240x128xf32, #tpu.memory_space<vmem_shared>> -> memref<10240x128xf32, #tpu.memory_space<vmem_shared>>
      %dma_start3A_28 = tpu.memref_slice %arg9[%dma_start3A] : memref<4x!tpu.dma_semaphore, #tpu.memory_space<semaphore_mem>> -> memref<1x!tpu.dma_semaphore, #tpu.memory_space<semaphore_mem>>
      %dma_start3A_29 = tpu.memref_squeeze %dma_start3A_28 : memref<1x!tpu.dma_semaphore, #tpu.memory_space<semaphore_mem>> -> memref<!tpu.dma_semaphore, #tpu.memory_space<semaphore_mem>>
      tpu.enqueue_indirect_dma source(%arg7 : memref<128x128xf32, #tpu.memory_space<vmem>>) target(%dma_start3A_27 : memref<10240x128xf32, #tpu.memory_space<vmem_shared>>) offsets(%dma_start3A_24 : memref<128xi32, #tpu.memory_space<vmem>>) semaphore(%dma_start3A_29 : memref<!tpu.dma_semaphore, #tpu.memory_space<semaphore_mem>>) {add = true}
      %add3A_30 = arith.constant 1 : i32
      %add3A_31 = arith.addi %mul3A_19, %add3A_30 : i32
      %dma_start3A_32 = arith.constant 1 : i32
      %dma_start3A_33 = arith.constant 0 : i32
      %dma_start3A_34 = tpu.memref_slice %arg6[%add3A_31, %dma_start3A_33] : memref<80x128xi32, #tpu.memory_space<vmem>> -> memref<1x128xi32, #tpu.memory_space<vmem>>
      %dma_start3A_35 = tpu.memref_squeeze %dma_start3A_34 : memref<1x128xi32, #tpu.memory_space<vmem>> -> memref<128xi32, #tpu.memory_space<vmem>>
      %dma_start3A_36 = arith.constant 0 : i32
      %dma_start3A_37 = arith.constant 0 : i32
      %dma_start3A_38 = tpu.memref_slice %arg8[%dma_start3A_36, %dma_start3A_37] : memref<10240x128xf32, #tpu.memory_space<vmem_shared>> -> memref<10240x128xf32, #tpu.memory_space<vmem_shared>>
      %dma_start3A_39 = tpu.memref_slice %arg9[%dma_start3A_32] : memref<4x!tpu.dma_semaphore, #tpu.memory_space<semaphore_mem>> -> memref<1x!tpu.dma_semaphore, #tpu.memory_space<semaphore_mem>>
      %dma_start3A_40 = tpu.memref_squeeze %dma_start3A_39 : memref<1x!tpu.dma_semaphore, #tpu.memory_space<semaphore_mem>> -> memref<!tpu.dma_semaphore, #tpu.memory_space<semaphore_mem>>
      tpu.enqueue_indirect_dma source(%arg7 : memref<128x128xf32, #tpu.memory_space<vmem>>) target(%dma_start3A_38 : memref<10240x128xf32, #tpu.memory_space<vmem_shared>>) offsets(%dma_start3A_35 : memref<128xi32, #tpu.memory_space<vmem>>) semaphore(%dma_start3A_40 : memref<!tpu.dma_semaphore, #tpu.memory_space<semaphore_mem>>) {add = true}
      %add3A_41 = arith.constant 2 : i32
      %add3A_42 = arith.addi %mul3A_19, %add3A_41 : i32
      %dma_start3A_43 = arith.constant 2 : i32
      %dma_start3A_44 = arith.constant 0 : i32
      %dma_start3A_45 = tpu.memref_slice %arg6[%add3A_42, %dma_start3A_44] : memref<80x128xi32, #tpu.memory_space<vmem>> -> memref<1x128xi32, #tpu.memory_space<vmem>>
      %dma_start3A_46 = tpu.memref_squeeze %dma_start3A_45 : memref<1x128xi32, #tpu.memory_space<vmem>> -> memref<128xi32, #tpu.memory_space<vmem>>
      %dma_start3A_47 = arith.constant 0 : i32
      %dma_start3A_48 = arith.constant 0 : i32
      %dma_start3A_49 = tpu.memref_slice %arg8[%dma_start3A_47, %dma_start3A_48] : memref<10240x128xf32, #tpu.memory_space<vmem_shared>> -> memref<10240x128xf32, #tpu.memory_space<vmem_shared>>
      %dma_start3A_50 = tpu.memref_slice %arg9[%dma_start3A_43] : memref<4x!tpu.dma_semaphore, #tpu.memory_space<semaphore_mem>> -> memref<1x!tpu.dma_semaphore, #tpu.memory_space<semaphore_mem>>
      %dma_start3A_51 = tpu.memref_squeeze %dma_start3A_50 : memref<1x!tpu.dma_semaphore, #tpu.memory_space<semaphore_mem>> -> memref<!tpu.dma_semaphore, #tpu.memory_space<semaphore_mem>>
      tpu.enqueue_indirect_dma source(%arg7 : memref<128x128xf32, #tpu.memory_space<vmem>>) target(%dma_start3A_49 : memref<10240x128xf32, #tpu.memory_space<vmem_shared>>) offsets(%dma_start3A_46 : memref<128xi32, #tpu.memory_space<vmem>>) semaphore(%dma_start3A_51 : memref<!tpu.dma_semaphore, #tpu.memory_space<semaphore_mem>>) {add = true}
      %add3A_52 = arith.constant 3 : i32
      %add3A_53 = arith.addi %mul3A_19, %add3A_52 : i32
      %dma_start3A_54 = arith.constant 3 : i32
      %dma_start3A_55 = arith.constant 0 : i32
      %dma_start3A_56 = tpu.memref_slice %arg6[%add3A_53, %dma_start3A_55] : memref<80x128xi32, #tpu.memory_space<vmem>> -> memref<1x128xi32, #tpu.memory_space<vmem>>
      %dma_start3A_57 = tpu.memref_squeeze %dma_start3A_56 : memref<1x128xi32, #tpu.memory_space<vmem>> -> memref<128xi32, #tpu.memory_space<vmem>>
      %dma_start3A_58 = arith.constant 0 : i32
      %dma_start3A_59 = arith.constant 0 : i32
      %dma_start3A_60 = tpu.memref_slice %arg8[%dma_start3A_58, %dma_start3A_59] : memref<10240x128xf32, #tpu.memory_space<vmem_shared>> -> memref<10240x128xf32, #tpu.memory_space<vmem_shared>>
      %dma_start3A_61 = tpu.memref_slice %arg9[%dma_start3A_54] : memref<4x!tpu.dma_semaphore, #tpu.memory_space<semaphore_mem>> -> memref<1x!tpu.dma_semaphore, #tpu.memory_space<semaphore_mem>>
      %dma_start3A_62 = tpu.memref_squeeze %dma_start3A_61 : memref<1x!tpu.dma_semaphore, #tpu.memory_space<semaphore_mem>> -> memref<!tpu.dma_semaphore, #tpu.memory_space<semaphore_mem>>
      tpu.enqueue_indirect_dma source(%arg7 : memref<128x128xf32, #tpu.memory_space<vmem>>) target(%dma_start3A_60 : memref<10240x128xf32, #tpu.memory_space<vmem_shared>>) offsets(%dma_start3A_57 : memref<128xi32, #tpu.memory_space<vmem>>) semaphore(%dma_start3A_62 : memref<!tpu.dma_semaphore, #tpu.memory_space<semaphore_mem>>) {add = true}
      %dma_wait3A = arith.constant 0 : i32
      %dma_wait3A_63 = arith.constant 0 : i32
      %dma_wait3A_64 = tpu.memref_slice %arg6[%add3A_21, %dma_wait3A_63] : memref<80x128xi32, #tpu.memory_space<vmem>> -> memref<1x128xi32, #tpu.memory_space<vmem>>
      %dma_wait3A_65 = tpu.memref_squeeze %dma_wait3A_64 : memref<1x128xi32, #tpu.memory_space<vmem>> -> memref<128xi32, #tpu.memory_space<vmem>>
      %dma_wait3A_66 = arith.constant 0 : i32
      %dma_wait3A_67 = arith.constant 0 : i32
      %dma_wait3A_68 = tpu.memref_slice %arg8[%dma_wait3A_66, %dma_wait3A_67] : memref<10240x128xf32, #tpu.memory_space<vmem_shared>> -> memref<10240x128xf32, #tpu.memory_space<vmem_shared>>
      %dma_wait3A_69 = tpu.memref_slice %arg9[%dma_wait3A] : memref<4x!tpu.dma_semaphore, #tpu.memory_space<semaphore_mem>> -> memref<1x!tpu.dma_semaphore, #tpu.memory_space<semaphore_mem>>
      %dma_wait3A_70 = tpu.memref_squeeze %dma_wait3A_69 : memref<1x!tpu.dma_semaphore, #tpu.memory_space<semaphore_mem>> -> memref<!tpu.dma_semaphore, #tpu.memory_space<semaphore_mem>>
      tpu.wait_indirect_dma semaphore(%dma_wait3A_70 : memref<!tpu.dma_semaphore, #tpu.memory_space<semaphore_mem>>) src(%arg7 : memref<128x128xf32, #tpu.memory_space<vmem>>) dst(%dma_wait3A_68 : memref<10240x128xf32, #tpu.memory_space<vmem_shared>>)
      %dma_wait3A_71 = arith.constant 1 : i32
      %dma_wait3A_72 = arith.constant 0 : i32
      %dma_wait3A_73 = tpu.memref_slice %arg6[%add3A_31, %dma_wait3A_72] : memref<80x128xi32, #tpu.memory_space<vmem>> -> memref<1x128xi32, #tpu.memory_space<vmem>>
      %dma_wait3A_74 = tpu.memref_squeeze %dma_wait3A_73 : memref<1x128xi32, #tpu.memory_space<vmem>> -> memref<128xi32, #tpu.memory_space<vmem>>
      %dma_wait3A_75 = arith.constant 0 : i32
      %dma_wait3A_76 = arith.constant 0 : i32
      %dma_wait3A_77 = tpu.memref_slice %arg8[%dma_wait3A_75, %dma_wait3A_76] : memref<10240x128xf32, #tpu.memory_space<vmem_shared>> -> memref<10240x128xf32, #tpu.memory_space<vmem_shared>>
      %dma_wait3A_78 = tpu.memref_slice %arg9[%dma_wait3A_71] : memref<4x!tpu.dma_semaphore, #tpu.memory_space<semaphore_mem>> -> memref<1x!tpu.dma_semaphore, #tpu.memory_space<semaphore_mem>>
      %dma_wait3A_79 = tpu.memref_squeeze %dma_wait3A_78 : memref<1x!tpu.dma_semaphore, #tpu.memory_space<semaphore_mem>> -> memref<!tpu.dma_semaphore, #tpu.memory_space<semaphore_mem>>
      tpu.wait_indirect_dma semaphore(%dma_wait3A_79 : memref<!tpu.dma_semaphore, #tpu.memory_space<semaphore_mem>>) src(%arg7 : memref<128x128xf32, #tpu.memory_space<vmem>>) dst(%dma_wait3A_77 : memref<10240x128xf32, #tpu.memory_space<vmem_shared>>)
      %dma_wait3A_80 = arith.constant 2 : i32
      %dma_wait3A_81 = arith.constant 0 : i32
      %dma_wait3A_82 = tpu.memref_slice %arg6[%add3A_42, %dma_wait3A_81] : memref<80x128xi32, #tpu.memory_space<vmem>> -> memref<1x128xi32, #tpu.memory_space<vmem>>
      %dma_wait3A_83 = tpu.memref_squeeze %dma_wait3A_82 : memref<1x128xi32, #tpu.memory_space<vmem>> -> memref<128xi32, #tpu.memory_space<vmem>>
      %dma_wait3A_84 = arith.constant 0 : i32
      %dma_wait3A_85 = arith.constant 0 : i32
      %dma_wait3A_86 = tpu.memref_slice %arg8[%dma_wait3A_84, %dma_wait3A_85] : memref<10240x128xf32, #tpu.memory_space<vmem_shared>> -> memref<10240x128xf32, #tpu.memory_space<vmem_shared>>
      %dma_wait3A_87 = tpu.memref_slice %arg9[%dma_wait3A_80] : memref<4x!tpu.dma_semaphore, #tpu.memory_space<semaphore_mem>> -> memref<1x!tpu.dma_semaphore, #tpu.memory_space<semaphore_mem>>
      %dma_wait3A_88 = tpu.memref_squeeze %dma_wait3A_87 : memref<1x!tpu.dma_semaphore, #tpu.memory_space<semaphore_mem>> -> memref<!tpu.dma_semaphore, #tpu.memory_space<semaphore_mem>>
      tpu.wait_indirect_dma semaphore(%dma_wait3A_88 : memref<!tpu.dma_semaphore, #tpu.memory_space<semaphore_mem>>) src(%arg7 : memref<128x128xf32, #tpu.memory_space<vmem>>) dst(%dma_wait3A_86 : memref<10240x128xf32, #tpu.memory_space<vmem_shared>>)
      %dma_wait3A_89 = arith.constant 3 : i32
      %dma_wait3A_90 = arith.constant 0 : i32
      %dma_wait3A_91 = tpu.memref_slice %arg6[%add3A_53, %dma_wait3A_90] : memref<80x128xi32, #tpu.memory_space<vmem>> -> memref<1x128xi32, #tpu.memory_space<vmem>>
      %dma_wait3A_92 = tpu.memref_squeeze %dma_wait3A_91 : memref<1x128xi32, #tpu.memory_space<vmem>> -> memref<128xi32, #tpu.memory_space<vmem>>
      %dma_wait3A_93 = arith.constant 0 : i32
      %dma_wait3A_94 = arith.constant 0 : i32
      %dma_wait3A_95 = tpu.memref_slice %arg8[%dma_wait3A_93, %dma_wait3A_94] : memref<10240x128xf32, #tpu.memory_space<vmem_shared>> -> memref<10240x128xf32, #tpu.memory_space<vmem_shared>>
      %dma_wait3A_96 = tpu.memref_slice %arg9[%dma_wait3A_89] : memref<4x!tpu.dma_semaphore, #tpu.memory_space<semaphore_mem>> -> memref<1x!tpu.dma_semaphore, #tpu.memory_space<semaphore_mem>>
      %dma_wait3A_97 = tpu.memref_squeeze %dma_wait3A_96 : memref<1x!tpu.dma_semaphore, #tpu.memory_space<semaphore_mem>> -> memref<!tpu.dma_semaphore, #tpu.memory_space<semaphore_mem>>
      tpu.wait_indirect_dma semaphore(%dma_wait3A_97 : memref<!tpu.dma_semaphore, #tpu.memory_space<semaphore_mem>>) src(%arg7 : memref<128x128xf32, #tpu.memory_space<vmem>>) dst(%dma_wait3A_95 : memref<10240x128xf32, #tpu.memory_space<vmem_shared>>)
    }
    %scan3A_15 = arith.constant 20 : i32
    %barrier3A_16 = arith.constant 0 : index
    tpu.barrier barrier_id(%barrier3A_16)
    "tpu.region"() ({
      %run_scoped3A = tpu.sem_alloc : memref<!tpu.dma_semaphore, #tpu.memory_space<semaphore_mem>>
      %dma_start3A = arith.constant 0 : i32
      %dma_start3A_17 = tpu.memref_slice %arg5[%arg0, %mul3A_0, %dma_start3A] : memref<2x10240x128xf32, #tpu.memory_space<hbm>> -> memref<1x640x128xf32, #tpu.memory_space<hbm>>
      %dma_start3A_18 = tpu.memref_squeeze %dma_start3A_17 : memref<1x640x128xf32, #tpu.memory_space<hbm>> -> memref<640x128xf32, #tpu.memory_space<hbm>>
      %dma_start3A_19 = arith.constant 0 : i32
      %dma_start3A_20 = tpu.memref_slice %arg8[%mul3A_0, %dma_start3A_19] : memref<10240x128xf32, #tpu.memory_space<vmem_shared>> -> memref<640x128xf32, #tpu.memory_space<vmem_shared>>
      tpu.enqueue_dma source(%dma_start3A_20 : memref<640x128xf32, #tpu.memory_space<vmem_shared>>) target(%dma_start3A_18 : memref<640x128xf32, #tpu.memory_space<hbm>>) target_semaphore(%run_scoped3A : memref<!tpu.dma_semaphore, #tpu.memory_space<semaphore_mem>>)
      %dma_wait3A = arith.constant 0 : i32
      %dma_wait3A_21 = tpu.memref_slice %arg5[%arg0, %mul3A_0, %dma_wait3A] : memref<2x10240x128xf32, #tpu.memory_space<hbm>> -> memref<1x640x128xf32, #tpu.memory_space<hbm>>
      %dma_wait3A_22 = tpu.memref_squeeze %dma_wait3A_21 : memref<1x640x128xf32, #tpu.memory_space<hbm>> -> memref<640x128xf32, #tpu.memory_space<hbm>>
      %dma_wait3A_23 = arith.constant 0 : i32
      %dma_wait3A_24 = tpu.memref_slice %arg8[%mul3A_0, %dma_wait3A_23] : memref<10240x128xf32, #tpu.memory_space<vmem_shared>> -> memref<640x128xf32, #tpu.memory_space<vmem_shared>>
      tpu.wait_dma2 semaphore(%run_scoped3A : memref<!tpu.dma_semaphore, #tpu.memory_space<semaphore_mem>>) src(%dma_wait3A_24 : memref<640x128xf32, #tpu.memory_space<vmem_shared>>) dst(%dma_wait3A_22 : memref<640x128xf32, #tpu.memory_space<hbm>>)
      tpu.yield
    }) : () -> ()
    return
  }
}

#map = affine_map<(d0, d1) -> (0, 0)>
#map1 = affine_map<(d0, d1) -> (0)>
#map2 = affine_map<(d0, d1) -> (0, 0, 0)>
module attributes {stable_mosaic.version = 14 : i64} {
  func.func @_scatter_kernel(%arg0: i32, %arg1: i32, %arg2: memref<10240x128xf32, #tpu.memory_space<hbm>>, %arg3: memref<327680xi32, #tpu.memory_space<hbm>>, %arg4: memref<327680xi32, #tpu.memory_space<hbm>>, %arg5: memref<10240x128xf32, #tpu.memory_space<hbm>>, %arg6: memref<2x10240x128xf32, #tpu.memory_space<hbm>>, %arg7: memref<128xi32, #tpu.memory_space<vmem>>, %arg8: memref<128xi32, #tpu.memory_space<vmem>>, %arg9: memref<128xi32, #tpu.memory_space<vmem>>, %arg10: memref<128xi32, #tpu.memory_space<vmem>>, %arg11: memref<128x128xf32, #tpu.memory_space<vmem>>, %arg12: memref<128x128xf32, #tpu.memory_space<vmem>>, %arg13: memref<10240x128xf32, #tpu.memory_space<vmem_shared>>, %arg14: memref<2x!tpu.dma_semaphore, #tpu.memory_space<semaphore_mem>>, %arg15: memref<2x!tpu.dma_semaphore, #tpu.memory_space<semaphore_mem>>, %arg16: memref<4x!tpu.dma_semaphore, #tpu.memory_space<semaphore_mem>>) attributes {dimension_semantics = [#tpu.dimension_semantics<core_parallel>, #tpu.dimension_semantics<subcore_parallel>], iteration_bounds = array<i64: 2, 16>, scalar_prefetch = 0 : i64, scratch_operands = 10 : i64, tpu.core_type = #tpu.core_type<sc_vector_subcore>, window_params = [{transform_indices = #map}, {transform_indices = #map1}, {transform_indices = #map1}, {transform_indices = #map}, {transform_indices = #map2}]} {
    %mul3A = arith.constant 640 : i32
    %mul3A_0 = arith.muli %arg1, %mul3A : i32
    %eq3A = arith.constant 0 : i32
    %eq3A_1 = arith.cmpi eq, %arg0, %eq3A : i32
    %convert_element_type3A = arith.extui %eq3A_1 : i1 to i32
    %cond3A = arith.constant 0 : i32
    %cond3A_2 = arith.cmpi ne, %convert_element_type3A, %cond3A : i32
    scf.if %cond3A_2 {
      "tpu.region"() ({
        %run_scoped3A = tpu.sem_alloc : memref<!tpu.dma_semaphore, #tpu.memory_space<semaphore_mem>>
        %dma_start3A = arith.constant 0 : i32
        %dma_start3A_17 = tpu.memref_slice %arg13[%mul3A_0, %dma_start3A] : memref<10240x128xf32, #tpu.memory_space<vmem_shared>> -> memref<640x128xf32, #tpu.memory_space<vmem_shared>>
        %dma_start3A_18 = arith.constant 0 : i32
        %dma_start3A_19 = tpu.memref_slice %arg2[%mul3A_0, %dma_start3A_18] : memref<10240x128xf32, #tpu.memory_space<hbm>> -> memref<640x128xf32, #tpu.memory_space<hbm>>
        tpu.enqueue_dma source(%dma_start3A_19 : memref<640x128xf32, #tpu.memory_space<hbm>>) target(%dma_start3A_17 : memref<640x128xf32, #tpu.memory_space<vmem_shared>>) target_semaphore(%run_scoped3A : memref<!tpu.dma_semaphore, #tpu.memory_space<semaphore_mem>>)
        %dma_wait3A = arith.constant 0 : i32
        %dma_wait3A_20 = tpu.memref_slice %arg13[%mul3A_0, %dma_wait3A] : memref<10240x128xf32, #tpu.memory_space<vmem_shared>> -> memref<640x128xf32, #tpu.memory_space<vmem_shared>>
        %dma_wait3A_21 = arith.constant 0 : i32
        %dma_wait3A_22 = tpu.memref_slice %arg2[%mul3A_0, %dma_wait3A_21] : memref<10240x128xf32, #tpu.memory_space<hbm>> -> memref<640x128xf32, #tpu.memory_space<hbm>>
        tpu.wait_dma2 semaphore(%run_scoped3A : memref<!tpu.dma_semaphore, #tpu.memory_space<semaphore_mem>>) src(%dma_wait3A_22 : memref<640x128xf32, #tpu.memory_space<hbm>>) dst(%dma_wait3A_20 : memref<640x128xf32, #tpu.memory_space<vmem_shared>>)
        tpu.yield
      }) : () -> ()
    } else {
    }
    %ne3A = arith.constant 0 : i32
    %ne3A_3 = arith.cmpi ne, %arg0, %ne3A : i32
    %convert_element_type3A_4 = arith.extui %ne3A_3 : i1 to i32
    %cond3A_5 = arith.constant 0 : i32
    %cond3A_6 = arith.cmpi ne, %convert_element_type3A_4, %cond3A_5 : i32
    scf.if %cond3A_6 {
      "tpu.region"() ({
        %run_scoped3A = tpu.sem_alloc : memref<!tpu.dma_semaphore, #tpu.memory_space<semaphore_mem>>
        %dma_start3A = arith.constant 0 : i32
        %dma_start3A_17 = tpu.memref_slice %arg13[%mul3A_0, %dma_start3A] : memref<10240x128xf32, #tpu.memory_space<vmem_shared>> -> memref<640x128xf32, #tpu.memory_space<vmem_shared>>
        %dma_start3A_18 = arith.constant 0 : i32
        %dma_start3A_19 = tpu.memref_slice %arg5[%mul3A_0, %dma_start3A_18] : memref<10240x128xf32, #tpu.memory_space<hbm>> -> memref<640x128xf32, #tpu.memory_space<hbm>>
        tpu.enqueue_dma source(%dma_start3A_19 : memref<640x128xf32, #tpu.memory_space<hbm>>) target(%dma_start3A_17 : memref<640x128xf32, #tpu.memory_space<vmem_shared>>) target_semaphore(%run_scoped3A : memref<!tpu.dma_semaphore, #tpu.memory_space<semaphore_mem>>)
        %dma_wait3A = arith.constant 0 : i32
        %dma_wait3A_20 = tpu.memref_slice %arg13[%mul3A_0, %dma_wait3A] : memref<10240x128xf32, #tpu.memory_space<vmem_shared>> -> memref<640x128xf32, #tpu.memory_space<vmem_shared>>
        %dma_wait3A_21 = arith.constant 0 : i32
        %dma_wait3A_22 = tpu.memref_slice %arg5[%mul3A_0, %dma_wait3A_21] : memref<10240x128xf32, #tpu.memory_space<hbm>> -> memref<640x128xf32, #tpu.memory_space<hbm>>
        tpu.wait_dma2 semaphore(%run_scoped3A : memref<!tpu.dma_semaphore, #tpu.memory_space<semaphore_mem>>) src(%dma_wait3A_22 : memref<640x128xf32, #tpu.memory_space<hbm>>) dst(%dma_wait3A_20 : memref<640x128xf32, #tpu.memory_space<vmem_shared>>)
        tpu.yield
      }) : () -> ()
    } else {
    }
    %mul3A_7 = arith.constant 16 : i32
    %mul3A_8 = arith.muli %arg0, %mul3A_7 : i32
    %add3A = arith.addi %mul3A_8, %arg1 : i32
    %mul3A_9 = arith.constant 10240 : i32
    %mul3A_10 = arith.muli %add3A, %mul3A_9 : i32
    %barrier3A = arith.constant 0 : index
    tpu.barrier barrier_id(%barrier3A)
    %scan3A = arith.constant 0 : i32
    %scan3A_11 = arith.constant 0 : i32
    %scan3A_12 = arith.constant 40 : i32
    %scan3A_13 = arith.addi %scan3A_11, %scan3A_12 : i32
    %scan3A_14 = arith.constant 1 : i32
    scf.for %scan3A_17 = %scan3A_11 to %scan3A_13 step %scan3A_14  : i32 {
      %mul3A_18 = arith.constant 256 : i32
      %mul3A_19 = arith.muli %scan3A_17, %mul3A_18 : i32
      %add3A_20 = arith.addi %mul3A_10, %mul3A_19 : i32
      %add3A_21 = arith.constant 128 : i32
      %add3A_22 = arith.addi %add3A_20, %add3A_21 : i32
      %dma_start3A = arith.constant 0 : i32
      %dma_start3A_23 = tpu.memref_slice %arg3[%add3A_20] : memref<327680xi32, #tpu.memory_space<hbm>> -> memref<128xi32, #tpu.memory_space<hbm>>
      %dma_start3A_24 = tpu.memref_slice %arg16[%dma_start3A] : memref<4x!tpu.dma_semaphore, #tpu.memory_space<semaphore_mem>> -> memref<1x!tpu.dma_semaphore, #tpu.memory_space<semaphore_mem>>
      %dma_start3A_25 = tpu.memref_squeeze %dma_start3A_24 : memref<1x!tpu.dma_semaphore, #tpu.memory_space<semaphore_mem>> -> memref<!tpu.dma_semaphore, #tpu.memory_space<semaphore_mem>>
      %dma_start3A_26 = tpu.memref_slice %arg3[%add3A_20] : memref<327680xi32, #tpu.memory_space<hbm>> -> memref<128xi32, #tpu.memory_space<hbm>>
      tpu.enqueue_dma source(%dma_start3A_26 : memref<128xi32, #tpu.memory_space<hbm>>) target(%arg7 : memref<128xi32, #tpu.memory_space<vmem>>) target_semaphore(%dma_start3A_25 : memref<!tpu.dma_semaphore, #tpu.memory_space<semaphore_mem>>)
      %dma_start3A_27 = arith.constant 1 : i32
      %dma_start3A_28 = tpu.memref_slice %arg4[%add3A_20] : memref<327680xi32, #tpu.memory_space<hbm>> -> memref<128xi32, #tpu.memory_space<hbm>>
      %dma_start3A_29 = tpu.memref_slice %arg16[%dma_start3A_27] : memref<4x!tpu.dma_semaphore, #tpu.memory_space<semaphore_mem>> -> memref<1x!tpu.dma_semaphore, #tpu.memory_space<semaphore_mem>>
      %dma_start3A_30 = tpu.memref_squeeze %dma_start3A_29 : memref<1x!tpu.dma_semaphore, #tpu.memory_space<semaphore_mem>> -> memref<!tpu.dma_semaphore, #tpu.memory_space<semaphore_mem>>
      %dma_start3A_31 = tpu.memref_slice %arg4[%add3A_20] : memref<327680xi32, #tpu.memory_space<hbm>> -> memref<128xi32, #tpu.memory_space<hbm>>
      tpu.enqueue_dma source(%dma_start3A_31 : memref<128xi32, #tpu.memory_space<hbm>>) target(%arg8 : memref<128xi32, #tpu.memory_space<vmem>>) target_semaphore(%dma_start3A_30 : memref<!tpu.dma_semaphore, #tpu.memory_space<semaphore_mem>>)
      %dma_start3A_32 = arith.constant 2 : i32
      %dma_start3A_33 = tpu.memref_slice %arg3[%add3A_22] : memref<327680xi32, #tpu.memory_space<hbm>> -> memref<128xi32, #tpu.memory_space<hbm>>
      %dma_start3A_34 = tpu.memref_slice %arg16[%dma_start3A_32] : memref<4x!tpu.dma_semaphore, #tpu.memory_space<semaphore_mem>> -> memref<1x!tpu.dma_semaphore, #tpu.memory_space<semaphore_mem>>
      %dma_start3A_35 = tpu.memref_squeeze %dma_start3A_34 : memref<1x!tpu.dma_semaphore, #tpu.memory_space<semaphore_mem>> -> memref<!tpu.dma_semaphore, #tpu.memory_space<semaphore_mem>>
      %dma_start3A_36 = tpu.memref_slice %arg3[%add3A_22] : memref<327680xi32, #tpu.memory_space<hbm>> -> memref<128xi32, #tpu.memory_space<hbm>>
      tpu.enqueue_dma source(%dma_start3A_36 : memref<128xi32, #tpu.memory_space<hbm>>) target(%arg9 : memref<128xi32, #tpu.memory_space<vmem>>) target_semaphore(%dma_start3A_35 : memref<!tpu.dma_semaphore, #tpu.memory_space<semaphore_mem>>)
      %dma_start3A_37 = arith.constant 3 : i32
      %dma_start3A_38 = tpu.memref_slice %arg4[%add3A_22] : memref<327680xi32, #tpu.memory_space<hbm>> -> memref<128xi32, #tpu.memory_space<hbm>>
      %dma_start3A_39 = tpu.memref_slice %arg16[%dma_start3A_37] : memref<4x!tpu.dma_semaphore, #tpu.memory_space<semaphore_mem>> -> memref<1x!tpu.dma_semaphore, #tpu.memory_space<semaphore_mem>>
      %dma_start3A_40 = tpu.memref_squeeze %dma_start3A_39 : memref<1x!tpu.dma_semaphore, #tpu.memory_space<semaphore_mem>> -> memref<!tpu.dma_semaphore, #tpu.memory_space<semaphore_mem>>
      %dma_start3A_41 = tpu.memref_slice %arg4[%add3A_22] : memref<327680xi32, #tpu.memory_space<hbm>> -> memref<128xi32, #tpu.memory_space<hbm>>
      tpu.enqueue_dma source(%dma_start3A_41 : memref<128xi32, #tpu.memory_space<hbm>>) target(%arg10 : memref<128xi32, #tpu.memory_space<vmem>>) target_semaphore(%dma_start3A_40 : memref<!tpu.dma_semaphore, #tpu.memory_space<semaphore_mem>>)
      %dma_wait3A = arith.constant 0 : i32
      %dma_wait3A_42 = tpu.memref_slice %arg3[%add3A_20] : memref<327680xi32, #tpu.memory_space<hbm>> -> memref<128xi32, #tpu.memory_space<hbm>>
      %dma_wait3A_43 = tpu.memref_slice %arg16[%dma_wait3A] : memref<4x!tpu.dma_semaphore, #tpu.memory_space<semaphore_mem>> -> memref<1x!tpu.dma_semaphore, #tpu.memory_space<semaphore_mem>>
      %dma_wait3A_44 = tpu.memref_squeeze %dma_wait3A_43 : memref<1x!tpu.dma_semaphore, #tpu.memory_space<semaphore_mem>> -> memref<!tpu.dma_semaphore, #tpu.memory_space<semaphore_mem>>
      %dma_wait3A_45 = tpu.memref_slice %arg3[%add3A_20] : memref<327680xi32, #tpu.memory_space<hbm>> -> memref<128xi32, #tpu.memory_space<hbm>>
      tpu.wait_dma2 semaphore(%dma_wait3A_44 : memref<!tpu.dma_semaphore, #tpu.memory_space<semaphore_mem>>) src(%dma_wait3A_45 : memref<128xi32, #tpu.memory_space<hbm>>) dst(%arg7 : memref<128xi32, #tpu.memory_space<vmem>>)
      %dma_start3A_46 = arith.constant 0 : i32
      %dma_start3A_47 = arith.constant 0 : i32
      %dma_start3A_48 = arith.constant 0 : i32
      %dma_start3A_49 = tpu.memref_slice %arg2[%dma_start3A_47, %dma_start3A_48] : memref<10240x128xf32, #tpu.memory_space<hbm>> -> memref<10240x128xf32, #tpu.memory_space<hbm>>
      %dma_start3A_50 = tpu.memref_slice %arg14[%dma_start3A_46] : memref<2x!tpu.dma_semaphore, #tpu.memory_space<semaphore_mem>> -> memref<1x!tpu.dma_semaphore, #tpu.memory_space<semaphore_mem>>
      %dma_start3A_51 = tpu.memref_squeeze %dma_start3A_50 : memref<1x!tpu.dma_semaphore, #tpu.memory_space<semaphore_mem>> -> memref<!tpu.dma_semaphore, #tpu.memory_space<semaphore_mem>>
      tpu.enqueue_indirect_dma source(%dma_start3A_49 : memref<10240x128xf32, #tpu.memory_space<hbm>>) target(%arg11 : memref<128x128xf32, #tpu.memory_space<vmem>>) offsets(%arg7 : memref<128xi32, #tpu.memory_space<vmem>>) semaphore(%dma_start3A_51 : memref<!tpu.dma_semaphore, #tpu.memory_space<semaphore_mem>>)
      %dma_wait3A_52 = arith.constant 2 : i32
      %dma_wait3A_53 = tpu.memref_slice %arg3[%add3A_22] : memref<327680xi32, #tpu.memory_space<hbm>> -> memref<128xi32, #tpu.memory_space<hbm>>
      %dma_wait3A_54 = tpu.memref_slice %arg16[%dma_wait3A_52] : memref<4x!tpu.dma_semaphore, #tpu.memory_space<semaphore_mem>> -> memref<1x!tpu.dma_semaphore, #tpu.memory_space<semaphore_mem>>
      %dma_wait3A_55 = tpu.memref_squeeze %dma_wait3A_54 : memref<1x!tpu.dma_semaphore, #tpu.memory_space<semaphore_mem>> -> memref<!tpu.dma_semaphore, #tpu.memory_space<semaphore_mem>>
      %dma_wait3A_56 = tpu.memref_slice %arg3[%add3A_22] : memref<327680xi32, #tpu.memory_space<hbm>> -> memref<128xi32, #tpu.memory_space<hbm>>
      tpu.wait_dma2 semaphore(%dma_wait3A_55 : memref<!tpu.dma_semaphore, #tpu.memory_space<semaphore_mem>>) src(%dma_wait3A_56 : memref<128xi32, #tpu.memory_space<hbm>>) dst(%arg9 : memref<128xi32, #tpu.memory_space<vmem>>)
      %dma_start3A_57 = arith.constant 1 : i32
      %dma_start3A_58 = arith.constant 0 : i32
      %dma_start3A_59 = arith.constant 0 : i32
      %dma_start3A_60 = tpu.memref_slice %arg2[%dma_start3A_58, %dma_start3A_59] : memref<10240x128xf32, #tpu.memory_space<hbm>> -> memref<10240x128xf32, #tpu.memory_space<hbm>>
      %dma_start3A_61 = tpu.memref_slice %arg14[%dma_start3A_57] : memref<2x!tpu.dma_semaphore, #tpu.memory_space<semaphore_mem>> -> memref<1x!tpu.dma_semaphore, #tpu.memory_space<semaphore_mem>>
      %dma_start3A_62 = tpu.memref_squeeze %dma_start3A_61 : memref<1x!tpu.dma_semaphore, #tpu.memory_space<semaphore_mem>> -> memref<!tpu.dma_semaphore, #tpu.memory_space<semaphore_mem>>
      tpu.enqueue_indirect_dma source(%dma_start3A_60 : memref<10240x128xf32, #tpu.memory_space<hbm>>) target(%arg12 : memref<128x128xf32, #tpu.memory_space<vmem>>) offsets(%arg9 : memref<128xi32, #tpu.memory_space<vmem>>) semaphore(%dma_start3A_62 : memref<!tpu.dma_semaphore, #tpu.memory_space<semaphore_mem>>)
      %dma_wait3A_63 = arith.constant 0 : i32
      %dma_wait3A_64 = arith.constant 0 : i32
      %dma_wait3A_65 = arith.constant 0 : i32
      %dma_wait3A_66 = tpu.memref_slice %arg2[%dma_wait3A_64, %dma_wait3A_65] : memref<10240x128xf32, #tpu.memory_space<hbm>> -> memref<10240x128xf32, #tpu.memory_space<hbm>>
      %dma_wait3A_67 = tpu.memref_slice %arg14[%dma_wait3A_63] : memref<2x!tpu.dma_semaphore, #tpu.memory_space<semaphore_mem>> -> memref<1x!tpu.dma_semaphore, #tpu.memory_space<semaphore_mem>>
      %dma_wait3A_68 = tpu.memref_squeeze %dma_wait3A_67 : memref<1x!tpu.dma_semaphore, #tpu.memory_space<semaphore_mem>> -> memref<!tpu.dma_semaphore, #tpu.memory_space<semaphore_mem>>
      tpu.wait_indirect_dma semaphore(%dma_wait3A_68 : memref<!tpu.dma_semaphore, #tpu.memory_space<semaphore_mem>>) src(%dma_wait3A_66 : memref<10240x128xf32, #tpu.memory_space<hbm>>) dst(%arg11 : memref<128x128xf32, #tpu.memory_space<vmem>>)
      %dma_wait3A_69 = arith.constant 1 : i32
      %dma_wait3A_70 = tpu.memref_slice %arg4[%add3A_20] : memref<327680xi32, #tpu.memory_space<hbm>> -> memref<128xi32, #tpu.memory_space<hbm>>
      %dma_wait3A_71 = tpu.memref_slice %arg16[%dma_wait3A_69] : memref<4x!tpu.dma_semaphore, #tpu.memory_space<semaphore_mem>> -> memref<1x!tpu.dma_semaphore, #tpu.memory_space<semaphore_mem>>
      %dma_wait3A_72 = tpu.memref_squeeze %dma_wait3A_71 : memref<1x!tpu.dma_semaphore, #tpu.memory_space<semaphore_mem>> -> memref<!tpu.dma_semaphore, #tpu.memory_space<semaphore_mem>>
      %dma_wait3A_73 = tpu.memref_slice %arg4[%add3A_20] : memref<327680xi32, #tpu.memory_space<hbm>> -> memref<128xi32, #tpu.memory_space<hbm>>
      tpu.wait_dma2 semaphore(%dma_wait3A_72 : memref<!tpu.dma_semaphore, #tpu.memory_space<semaphore_mem>>) src(%dma_wait3A_73 : memref<128xi32, #tpu.memory_space<hbm>>) dst(%arg8 : memref<128xi32, #tpu.memory_space<vmem>>)
      %dma_start3A_74 = arith.constant 0 : i32
      %dma_start3A_75 = arith.constant 0 : i32
      %dma_start3A_76 = arith.constant 0 : i32
      %dma_start3A_77 = tpu.memref_slice %arg13[%dma_start3A_75, %dma_start3A_76] : memref<10240x128xf32, #tpu.memory_space<vmem_shared>> -> memref<10240x128xf32, #tpu.memory_space<vmem_shared>>
      %dma_start3A_78 = tpu.memref_slice %arg15[%dma_start3A_74] : memref<2x!tpu.dma_semaphore, #tpu.memory_space<semaphore_mem>> -> memref<1x!tpu.dma_semaphore, #tpu.memory_space<semaphore_mem>>
      %dma_start3A_79 = tpu.memref_squeeze %dma_start3A_78 : memref<1x!tpu.dma_semaphore, #tpu.memory_space<semaphore_mem>> -> memref<!tpu.dma_semaphore, #tpu.memory_space<semaphore_mem>>
      tpu.enqueue_indirect_dma source(%arg11 : memref<128x128xf32, #tpu.memory_space<vmem>>) target(%dma_start3A_77 : memref<10240x128xf32, #tpu.memory_space<vmem_shared>>) offsets(%arg8 : memref<128xi32, #tpu.memory_space<vmem>>) semaphore(%dma_start3A_79 : memref<!tpu.dma_semaphore, #tpu.memory_space<semaphore_mem>>) {add = true}
      %dma_wait3A_80 = arith.constant 1 : i32
      %dma_wait3A_81 = arith.constant 0 : i32
      %dma_wait3A_82 = arith.constant 0 : i32
      %dma_wait3A_83 = tpu.memref_slice %arg2[%dma_wait3A_81, %dma_wait3A_82] : memref<10240x128xf32, #tpu.memory_space<hbm>> -> memref<10240x128xf32, #tpu.memory_space<hbm>>
      %dma_wait3A_84 = tpu.memref_slice %arg14[%dma_wait3A_80] : memref<2x!tpu.dma_semaphore, #tpu.memory_space<semaphore_mem>> -> memref<1x!tpu.dma_semaphore, #tpu.memory_space<semaphore_mem>>
      %dma_wait3A_85 = tpu.memref_squeeze %dma_wait3A_84 : memref<1x!tpu.dma_semaphore, #tpu.memory_space<semaphore_mem>> -> memref<!tpu.dma_semaphore, #tpu.memory_space<semaphore_mem>>
      tpu.wait_indirect_dma semaphore(%dma_wait3A_85 : memref<!tpu.dma_semaphore, #tpu.memory_space<semaphore_mem>>) src(%dma_wait3A_83 : memref<10240x128xf32, #tpu.memory_space<hbm>>) dst(%arg12 : memref<128x128xf32, #tpu.memory_space<vmem>>)
      %dma_wait3A_86 = arith.constant 3 : i32
      %dma_wait3A_87 = tpu.memref_slice %arg4[%add3A_22] : memref<327680xi32, #tpu.memory_space<hbm>> -> memref<128xi32, #tpu.memory_space<hbm>>
      %dma_wait3A_88 = tpu.memref_slice %arg16[%dma_wait3A_86] : memref<4x!tpu.dma_semaphore, #tpu.memory_space<semaphore_mem>> -> memref<1x!tpu.dma_semaphore, #tpu.memory_space<semaphore_mem>>
      %dma_wait3A_89 = tpu.memref_squeeze %dma_wait3A_88 : memref<1x!tpu.dma_semaphore, #tpu.memory_space<semaphore_mem>> -> memref<!tpu.dma_semaphore, #tpu.memory_space<semaphore_mem>>
      %dma_wait3A_90 = tpu.memref_slice %arg4[%add3A_22] : memref<327680xi32, #tpu.memory_space<hbm>> -> memref<128xi32, #tpu.memory_space<hbm>>
      tpu.wait_dma2 semaphore(%dma_wait3A_89 : memref<!tpu.dma_semaphore, #tpu.memory_space<semaphore_mem>>) src(%dma_wait3A_90 : memref<128xi32, #tpu.memory_space<hbm>>) dst(%arg10 : memref<128xi32, #tpu.memory_space<vmem>>)
      %dma_start3A_91 = arith.constant 1 : i32
      %dma_start3A_92 = arith.constant 0 : i32
      %dma_start3A_93 = arith.constant 0 : i32
      %dma_start3A_94 = tpu.memref_slice %arg13[%dma_start3A_92, %dma_start3A_93] : memref<10240x128xf32, #tpu.memory_space<vmem_shared>> -> memref<10240x128xf32, #tpu.memory_space<vmem_shared>>
      %dma_start3A_95 = tpu.memref_slice %arg15[%dma_start3A_91] : memref<2x!tpu.dma_semaphore, #tpu.memory_space<semaphore_mem>> -> memref<1x!tpu.dma_semaphore, #tpu.memory_space<semaphore_mem>>
      %dma_start3A_96 = tpu.memref_squeeze %dma_start3A_95 : memref<1x!tpu.dma_semaphore, #tpu.memory_space<semaphore_mem>> -> memref<!tpu.dma_semaphore, #tpu.memory_space<semaphore_mem>>
      tpu.enqueue_indirect_dma source(%arg12 : memref<128x128xf32, #tpu.memory_space<vmem>>) target(%dma_start3A_94 : memref<10240x128xf32, #tpu.memory_space<vmem_shared>>) offsets(%arg10 : memref<128xi32, #tpu.memory_space<vmem>>) semaphore(%dma_start3A_96 : memref<!tpu.dma_semaphore, #tpu.memory_space<semaphore_mem>>) {add = true}
      %dma_wait3A_97 = arith.constant 0 : i32
      %dma_wait3A_98 = arith.constant 0 : i32
      %dma_wait3A_99 = arith.constant 0 : i32
      %dma_wait3A_100 = tpu.memref_slice %arg13[%dma_wait3A_98, %dma_wait3A_99] : memref<10240x128xf32, #tpu.memory_space<vmem_shared>> -> memref<10240x128xf32, #tpu.memory_space<vmem_shared>>
      %dma_wait3A_101 = tpu.memref_slice %arg15[%dma_wait3A_97] : memref<2x!tpu.dma_semaphore, #tpu.memory_space<semaphore_mem>> -> memref<1x!tpu.dma_semaphore, #tpu.memory_space<semaphore_mem>>
      %dma_wait3A_102 = tpu.memref_squeeze %dma_wait3A_101 : memref<1x!tpu.dma_semaphore, #tpu.memory_space<semaphore_mem>> -> memref<!tpu.dma_semaphore, #tpu.memory_space<semaphore_mem>>
      tpu.wait_indirect_dma semaphore(%dma_wait3A_102 : memref<!tpu.dma_semaphore, #tpu.memory_space<semaphore_mem>>) src(%arg11 : memref<128x128xf32, #tpu.memory_space<vmem>>) dst(%dma_wait3A_100 : memref<10240x128xf32, #tpu.memory_space<vmem_shared>>)
      %dma_wait3A_103 = arith.constant 1 : i32
      %dma_wait3A_104 = arith.constant 0 : i32
      %dma_wait3A_105 = arith.constant 0 : i32
      %dma_wait3A_106 = tpu.memref_slice %arg13[%dma_wait3A_104, %dma_wait3A_105] : memref<10240x128xf32, #tpu.memory_space<vmem_shared>> -> memref<10240x128xf32, #tpu.memory_space<vmem_shared>>
      %dma_wait3A_107 = tpu.memref_slice %arg15[%dma_wait3A_103] : memref<2x!tpu.dma_semaphore, #tpu.memory_space<semaphore_mem>> -> memref<1x!tpu.dma_semaphore, #tpu.memory_space<semaphore_mem>>
      %dma_wait3A_108 = tpu.memref_squeeze %dma_wait3A_107 : memref<1x!tpu.dma_semaphore, #tpu.memory_space<semaphore_mem>> -> memref<!tpu.dma_semaphore, #tpu.memory_space<semaphore_mem>>
      tpu.wait_indirect_dma semaphore(%dma_wait3A_108 : memref<!tpu.dma_semaphore, #tpu.memory_space<semaphore_mem>>) src(%arg12 : memref<128x128xf32, #tpu.memory_space<vmem>>) dst(%dma_wait3A_106 : memref<10240x128xf32, #tpu.memory_space<vmem_shared>>)
    }
    %scan3A_15 = arith.constant 40 : i32
    %barrier3A_16 = arith.constant 0 : index
    tpu.barrier barrier_id(%barrier3A_16)
    "tpu.region"() ({
      %run_scoped3A = tpu.sem_alloc : memref<!tpu.dma_semaphore, #tpu.memory_space<semaphore_mem>>
      %dma_start3A = arith.constant 0 : i32
      %dma_start3A_17 = tpu.memref_slice %arg6[%arg0, %mul3A_0, %dma_start3A] : memref<2x10240x128xf32, #tpu.memory_space<hbm>> -> memref<1x640x128xf32, #tpu.memory_space<hbm>>
      %dma_start3A_18 = tpu.memref_squeeze %dma_start3A_17 : memref<1x640x128xf32, #tpu.memory_space<hbm>> -> memref<640x128xf32, #tpu.memory_space<hbm>>
      %dma_start3A_19 = arith.constant 0 : i32
      %dma_start3A_20 = tpu.memref_slice %arg13[%mul3A_0, %dma_start3A_19] : memref<10240x128xf32, #tpu.memory_space<vmem_shared>> -> memref<640x128xf32, #tpu.memory_space<vmem_shared>>
      tpu.enqueue_dma source(%dma_start3A_20 : memref<640x128xf32, #tpu.memory_space<vmem_shared>>) target(%dma_start3A_18 : memref<640x128xf32, #tpu.memory_space<hbm>>) target_semaphore(%run_scoped3A : memref<!tpu.dma_semaphore, #tpu.memory_space<semaphore_mem>>)
      %dma_wait3A = arith.constant 0 : i32
      %dma_wait3A_21 = tpu.memref_slice %arg6[%arg0, %mul3A_0, %dma_wait3A] : memref<2x10240x128xf32, #tpu.memory_space<hbm>> -> memref<1x640x128xf32, #tpu.memory_space<hbm>>
      %dma_wait3A_22 = tpu.memref_squeeze %dma_wait3A_21 : memref<1x640x128xf32, #tpu.memory_space<hbm>> -> memref<640x128xf32, #tpu.memory_space<hbm>>
      %dma_wait3A_23 = arith.constant 0 : i32
      %dma_wait3A_24 = tpu.memref_slice %arg13[%mul3A_0, %dma_wait3A_23] : memref<10240x128xf32, #tpu.memory_space<vmem_shared>> -> memref<640x128xf32, #tpu.memory_space<vmem_shared>>
      tpu.wait_dma2 semaphore(%run_scoped3A : memref<!tpu.dma_semaphore, #tpu.memory_space<semaphore_mem>>) src(%dma_wait3A_24 : memref<640x128xf32, #tpu.memory_space<vmem_shared>>) dst(%dma_wait3A_22 : memref<640x128xf32, #tpu.memory_space<hbm>>)
      tpu.yield
    }) : () -> ()
    return
  }
}

#map = affine_map<(d0, d1) -> (0, 0)>
#map1 = affine_map<(d0, d1) -> (0)>
#map2 = affine_map<(d0, d1) -> (0, 0, 0)>
module attributes {stable_mosaic.version = 14 : i64} {
  func.func @_scatter_kernel(%arg0: i32, %arg1: i32, %arg2: memref<10240x128xf32, #tpu.memory_space<hbm>>, %arg3: memref<327680xi32, #tpu.memory_space<hbm>>, %arg4: memref<327680xi32, #tpu.memory_space<hbm>>, %arg5: memref<10240x128xf32, #tpu.memory_space<hbm>>, %arg6: memref<2x10240x128xf32, #tpu.memory_space<hbm>>, %arg7: memref<128xi32, #tpu.memory_space<vmem>>, %arg8: memref<128xi32, #tpu.memory_space<vmem>>, %arg9: memref<128xi32, #tpu.memory_space<vmem>>, %arg10: memref<128xi32, #tpu.memory_space<vmem>>, %arg11: memref<128x128xf32, #tpu.memory_space<vmem>>, %arg12: memref<128x128xf32, #tpu.memory_space<vmem>>, %arg13: memref<10240x128xf32, #tpu.memory_space<vmem_shared>>, %arg14: memref<2x!tpu.dma_semaphore, #tpu.memory_space<semaphore_mem>>, %arg15: memref<2x!tpu.dma_semaphore, #tpu.memory_space<semaphore_mem>>, %arg16: memref<4x!tpu.dma_semaphore, #tpu.memory_space<semaphore_mem>>) attributes {dimension_semantics = [#tpu.dimension_semantics<core_parallel>, #tpu.dimension_semantics<subcore_parallel>], iteration_bounds = array<i64: 2, 16>, scalar_prefetch = 0 : i64, scratch_operands = 10 : i64, tpu.core_type = #tpu.core_type<sc_vector_subcore>, window_params = [{transform_indices = #map}, {transform_indices = #map1}, {transform_indices = #map1}, {transform_indices = #map}, {transform_indices = #map2}]} {
    %mul3A = arith.constant 640 : i32
    %mul3A_0 = arith.muli %arg1, %mul3A : i32
    %eq3A = arith.constant 0 : i32
    %eq3A_1 = arith.cmpi eq, %arg0, %eq3A : i32
    %convert_element_type3A = arith.extui %eq3A_1 : i1 to i32
    %cond3A = arith.constant 0 : i32
    %cond3A_2 = arith.cmpi ne, %convert_element_type3A, %cond3A : i32
    scf.if %cond3A_2 {
      "tpu.region"() ({
        %run_scoped3A = tpu.sem_alloc : memref<!tpu.dma_semaphore, #tpu.memory_space<semaphore_mem>>
        %dma_start3A = arith.constant 0 : i32
        %dma_start3A_17 = tpu.memref_slice %arg13[%mul3A_0, %dma_start3A] : memref<10240x128xf32, #tpu.memory_space<vmem_shared>> -> memref<640x128xf32, #tpu.memory_space<vmem_shared>>
        %dma_start3A_18 = arith.constant 0 : i32
        %dma_start3A_19 = tpu.memref_slice %arg2[%mul3A_0, %dma_start3A_18] : memref<10240x128xf32, #tpu.memory_space<hbm>> -> memref<640x128xf32, #tpu.memory_space<hbm>>
        tpu.enqueue_dma source(%dma_start3A_19 : memref<640x128xf32, #tpu.memory_space<hbm>>) target(%dma_start3A_17 : memref<640x128xf32, #tpu.memory_space<vmem_shared>>) target_semaphore(%run_scoped3A : memref<!tpu.dma_semaphore, #tpu.memory_space<semaphore_mem>>)
        %dma_wait3A = arith.constant 0 : i32
        %dma_wait3A_20 = tpu.memref_slice %arg13[%mul3A_0, %dma_wait3A] : memref<10240x128xf32, #tpu.memory_space<vmem_shared>> -> memref<640x128xf32, #tpu.memory_space<vmem_shared>>
        %dma_wait3A_21 = arith.constant 0 : i32
        %dma_wait3A_22 = tpu.memref_slice %arg2[%mul3A_0, %dma_wait3A_21] : memref<10240x128xf32, #tpu.memory_space<hbm>> -> memref<640x128xf32, #tpu.memory_space<hbm>>
        tpu.wait_dma2 semaphore(%run_scoped3A : memref<!tpu.dma_semaphore, #tpu.memory_space<semaphore_mem>>) src(%dma_wait3A_22 : memref<640x128xf32, #tpu.memory_space<hbm>>) dst(%dma_wait3A_20 : memref<640x128xf32, #tpu.memory_space<vmem_shared>>)
        tpu.yield
      }) : () -> ()
    } else {
    }
    %ne3A = arith.constant 0 : i32
    %ne3A_3 = arith.cmpi ne, %arg0, %ne3A : i32
    %convert_element_type3A_4 = arith.extui %ne3A_3 : i1 to i32
    %cond3A_5 = arith.constant 0 : i32
    %cond3A_6 = arith.cmpi ne, %convert_element_type3A_4, %cond3A_5 : i32
    scf.if %cond3A_6 {
      "tpu.region"() ({
        %run_scoped3A = tpu.sem_alloc : memref<!tpu.dma_semaphore, #tpu.memory_space<semaphore_mem>>
        %dma_start3A = arith.constant 0 : i32
        %dma_start3A_17 = tpu.memref_slice %arg13[%mul3A_0, %dma_start3A] : memref<10240x128xf32, #tpu.memory_space<vmem_shared>> -> memref<640x128xf32, #tpu.memory_space<vmem_shared>>
        %dma_start3A_18 = arith.constant 0 : i32
        %dma_start3A_19 = tpu.memref_slice %arg5[%mul3A_0, %dma_start3A_18] : memref<10240x128xf32, #tpu.memory_space<hbm>> -> memref<640x128xf32, #tpu.memory_space<hbm>>
        tpu.enqueue_dma source(%dma_start3A_19 : memref<640x128xf32, #tpu.memory_space<hbm>>) target(%dma_start3A_17 : memref<640x128xf32, #tpu.memory_space<vmem_shared>>) target_semaphore(%run_scoped3A : memref<!tpu.dma_semaphore, #tpu.memory_space<semaphore_mem>>)
        %dma_wait3A = arith.constant 0 : i32
        %dma_wait3A_20 = tpu.memref_slice %arg13[%mul3A_0, %dma_wait3A] : memref<10240x128xf32, #tpu.memory_space<vmem_shared>> -> memref<640x128xf32, #tpu.memory_space<vmem_shared>>
        %dma_wait3A_21 = arith.constant 0 : i32
        %dma_wait3A_22 = tpu.memref_slice %arg5[%mul3A_0, %dma_wait3A_21] : memref<10240x128xf32, #tpu.memory_space<hbm>> -> memref<640x128xf32, #tpu.memory_space<hbm>>
        tpu.wait_dma2 semaphore(%run_scoped3A : memref<!tpu.dma_semaphore, #tpu.memory_space<semaphore_mem>>) src(%dma_wait3A_22 : memref<640x128xf32, #tpu.memory_space<hbm>>) dst(%dma_wait3A_20 : memref<640x128xf32, #tpu.memory_space<vmem_shared>>)
        tpu.yield
      }) : () -> ()
    } else {
    }
    %mul3A_7 = arith.constant 16 : i32
    %mul3A_8 = arith.muli %arg0, %mul3A_7 : i32
    %add3A = arith.addi %mul3A_8, %arg1 : i32
    %mul3A_9 = arith.constant 10240 : i32
    %mul3A_10 = arith.muli %add3A, %mul3A_9 : i32
    %barrier3A = arith.constant 0 : index
    tpu.barrier barrier_id(%barrier3A)
    %scan3A = arith.constant 0 : i32
    %scan3A_11 = arith.constant 0 : i32
    %scan3A_12 = arith.constant 40 : i32
    %scan3A_13 = arith.addi %scan3A_11, %scan3A_12 : i32
    %scan3A_14 = arith.constant 1 : i32
    scf.for %scan3A_17 = %scan3A_11 to %scan3A_13 step %scan3A_14  : i32 {
      %mul3A_18 = arith.constant 256 : i32
      %mul3A_19 = arith.muli %scan3A_17, %mul3A_18 : i32
      %add3A_20 = arith.addi %mul3A_10, %mul3A_19 : i32
      %add3A_21 = arith.constant 128 : i32
      %add3A_22 = arith.addi %add3A_20, %add3A_21 : i32
      %dma_start3A = arith.constant 0 : i32
      %dma_start3A_23 = tpu.memref_slice %arg3[%add3A_20] : memref<327680xi32, #tpu.memory_space<hbm>> -> memref<128xi32, #tpu.memory_space<hbm>>
      %dma_start3A_24 = tpu.memref_slice %arg16[%dma_start3A] : memref<4x!tpu.dma_semaphore, #tpu.memory_space<semaphore_mem>> -> memref<1x!tpu.dma_semaphore, #tpu.memory_space<semaphore_mem>>
      %dma_start3A_25 = tpu.memref_squeeze %dma_start3A_24 : memref<1x!tpu.dma_semaphore, #tpu.memory_space<semaphore_mem>> -> memref<!tpu.dma_semaphore, #tpu.memory_space<semaphore_mem>>
      %dma_start3A_26 = tpu.memref_slice %arg3[%add3A_20] : memref<327680xi32, #tpu.memory_space<hbm>> -> memref<128xi32, #tpu.memory_space<hbm>>
      tpu.enqueue_dma source(%dma_start3A_26 : memref<128xi32, #tpu.memory_space<hbm>>) target(%arg7 : memref<128xi32, #tpu.memory_space<vmem>>) target_semaphore(%dma_start3A_25 : memref<!tpu.dma_semaphore, #tpu.memory_space<semaphore_mem>>)
      %dma_start3A_27 = arith.constant 1 : i32
      %dma_start3A_28 = tpu.memref_slice %arg4[%add3A_20] : memref<327680xi32, #tpu.memory_space<hbm>> -> memref<128xi32, #tpu.memory_space<hbm>>
      %dma_start3A_29 = tpu.memref_slice %arg16[%dma_start3A_27] : memref<4x!tpu.dma_semaphore, #tpu.memory_space<semaphore_mem>> -> memref<1x!tpu.dma_semaphore, #tpu.memory_space<semaphore_mem>>
      %dma_start3A_30 = tpu.memref_squeeze %dma_start3A_29 : memref<1x!tpu.dma_semaphore, #tpu.memory_space<semaphore_mem>> -> memref<!tpu.dma_semaphore, #tpu.memory_space<semaphore_mem>>
      %dma_start3A_31 = tpu.memref_slice %arg4[%add3A_20] : memref<327680xi32, #tpu.memory_space<hbm>> -> memref<128xi32, #tpu.memory_space<hbm>>
      tpu.enqueue_dma source(%dma_start3A_31 : memref<128xi32, #tpu.memory_space<hbm>>) target(%arg8 : memref<128xi32, #tpu.memory_space<vmem>>) target_semaphore(%dma_start3A_30 : memref<!tpu.dma_semaphore, #tpu.memory_space<semaphore_mem>>)
      %dma_start3A_32 = arith.constant 2 : i32
      %dma_start3A_33 = tpu.memref_slice %arg3[%add3A_22] : memref<327680xi32, #tpu.memory_space<hbm>> -> memref<128xi32, #tpu.memory_space<hbm>>
      %dma_start3A_34 = tpu.memref_slice %arg16[%dma_start3A_32] : memref<4x!tpu.dma_semaphore, #tpu.memory_space<semaphore_mem>> -> memref<1x!tpu.dma_semaphore, #tpu.memory_space<semaphore_mem>>
      %dma_start3A_35 = tpu.memref_squeeze %dma_start3A_34 : memref<1x!tpu.dma_semaphore, #tpu.memory_space<semaphore_mem>> -> memref<!tpu.dma_semaphore, #tpu.memory_space<semaphore_mem>>
      %dma_start3A_36 = tpu.memref_slice %arg3[%add3A_22] : memref<327680xi32, #tpu.memory_space<hbm>> -> memref<128xi32, #tpu.memory_space<hbm>>
      tpu.enqueue_dma source(%dma_start3A_36 : memref<128xi32, #tpu.memory_space<hbm>>) target(%arg9 : memref<128xi32, #tpu.memory_space<vmem>>) target_semaphore(%dma_start3A_35 : memref<!tpu.dma_semaphore, #tpu.memory_space<semaphore_mem>>)
      %dma_start3A_37 = arith.constant 3 : i32
      %dma_start3A_38 = tpu.memref_slice %arg4[%add3A_22] : memref<327680xi32, #tpu.memory_space<hbm>> -> memref<128xi32, #tpu.memory_space<hbm>>
      %dma_start3A_39 = tpu.memref_slice %arg16[%dma_start3A_37] : memref<4x!tpu.dma_semaphore, #tpu.memory_space<semaphore_mem>> -> memref<1x!tpu.dma_semaphore, #tpu.memory_space<semaphore_mem>>
      %dma_start3A_40 = tpu.memref_squeeze %dma_start3A_39 : memref<1x!tpu.dma_semaphore, #tpu.memory_space<semaphore_mem>> -> memref<!tpu.dma_semaphore, #tpu.memory_space<semaphore_mem>>
      %dma_start3A_41 = tpu.memref_slice %arg4[%add3A_22] : memref<327680xi32, #tpu.memory_space<hbm>> -> memref<128xi32, #tpu.memory_space<hbm>>
      tpu.enqueue_dma source(%dma_start3A_41 : memref<128xi32, #tpu.memory_space<hbm>>) target(%arg10 : memref<128xi32, #tpu.memory_space<vmem>>) target_semaphore(%dma_start3A_40 : memref<!tpu.dma_semaphore, #tpu.memory_space<semaphore_mem>>)
      %dma_wait3A = arith.constant 0 : i32
      %dma_wait3A_42 = tpu.memref_slice %arg3[%add3A_20] : memref<327680xi32, #tpu.memory_space<hbm>> -> memref<128xi32, #tpu.memory_space<hbm>>
      %dma_wait3A_43 = tpu.memref_slice %arg16[%dma_wait3A] : memref<4x!tpu.dma_semaphore, #tpu.memory_space<semaphore_mem>> -> memref<1x!tpu.dma_semaphore, #tpu.memory_space<semaphore_mem>>
      %dma_wait3A_44 = tpu.memref_squeeze %dma_wait3A_43 : memref<1x!tpu.dma_semaphore, #tpu.memory_space<semaphore_mem>> -> memref<!tpu.dma_semaphore, #tpu.memory_space<semaphore_mem>>
      %dma_wait3A_45 = tpu.memref_slice %arg3[%add3A_20] : memref<327680xi32, #tpu.memory_space<hbm>> -> memref<128xi32, #tpu.memory_space<hbm>>
      tpu.wait_dma2 semaphore(%dma_wait3A_44 : memref<!tpu.dma_semaphore, #tpu.memory_space<semaphore_mem>>) src(%dma_wait3A_45 : memref<128xi32, #tpu.memory_space<hbm>>) dst(%arg7 : memref<128xi32, #tpu.memory_space<vmem>>)
      %dma_start3A_46 = arith.constant 0 : i32
      %dma_start3A_47 = arith.constant 0 : i32
      %dma_start3A_48 = arith.constant 0 : i32
      %dma_start3A_49 = tpu.memref_slice %arg2[%dma_start3A_47, %dma_start3A_48] : memref<10240x128xf32, #tpu.memory_space<hbm>> -> memref<10240x128xf32, #tpu.memory_space<hbm>>
      %dma_start3A_50 = tpu.memref_slice %arg14[%dma_start3A_46] : memref<2x!tpu.dma_semaphore, #tpu.memory_space<semaphore_mem>> -> memref<1x!tpu.dma_semaphore, #tpu.memory_space<semaphore_mem>>
      %dma_start3A_51 = tpu.memref_squeeze %dma_start3A_50 : memref<1x!tpu.dma_semaphore, #tpu.memory_space<semaphore_mem>> -> memref<!tpu.dma_semaphore, #tpu.memory_space<semaphore_mem>>
      tpu.enqueue_indirect_dma source(%dma_start3A_49 : memref<10240x128xf32, #tpu.memory_space<hbm>>) target(%arg11 : memref<128x128xf32, #tpu.memory_space<vmem>>) offsets(%arg7 : memref<128xi32, #tpu.memory_space<vmem>>) semaphore(%dma_start3A_51 : memref<!tpu.dma_semaphore, #tpu.memory_space<semaphore_mem>>)
      %dma_wait3A_52 = arith.constant 2 : i32
      %dma_wait3A_53 = tpu.memref_slice %arg3[%add3A_22] : memref<327680xi32, #tpu.memory_space<hbm>> -> memref<128xi32, #tpu.memory_space<hbm>>
      %dma_wait3A_54 = tpu.memref_slice %arg16[%dma_wait3A_52] : memref<4x!tpu.dma_semaphore, #tpu.memory_space<semaphore_mem>> -> memref<1x!tpu.dma_semaphore, #tpu.memory_space<semaphore_mem>>
      %dma_wait3A_55 = tpu.memref_squeeze %dma_wait3A_54 : memref<1x!tpu.dma_semaphore, #tpu.memory_space<semaphore_mem>> -> memref<!tpu.dma_semaphore, #tpu.memory_space<semaphore_mem>>
      %dma_wait3A_56 = tpu.memref_slice %arg3[%add3A_22] : memref<327680xi32, #tpu.memory_space<hbm>> -> memref<128xi32, #tpu.memory_space<hbm>>
      tpu.wait_dma2 semaphore(%dma_wait3A_55 : memref<!tpu.dma_semaphore, #tpu.memory_space<semaphore_mem>>) src(%dma_wait3A_56 : memref<128xi32, #tpu.memory_space<hbm>>) dst(%arg9 : memref<128xi32, #tpu.memory_space<vmem>>)
      %dma_start3A_57 = arith.constant 1 : i32
      %dma_start3A_58 = arith.constant 0 : i32
      %dma_start3A_59 = arith.constant 0 : i32
      %dma_start3A_60 = tpu.memref_slice %arg2[%dma_start3A_58, %dma_start3A_59] : memref<10240x128xf32, #tpu.memory_space<hbm>> -> memref<10240x128xf32, #tpu.memory_space<hbm>>
      %dma_start3A_61 = tpu.memref_slice %arg14[%dma_start3A_57] : memref<2x!tpu.dma_semaphore, #tpu.memory_space<semaphore_mem>> -> memref<1x!tpu.dma_semaphore, #tpu.memory_space<semaphore_mem>>
      %dma_start3A_62 = tpu.memref_squeeze %dma_start3A_61 : memref<1x!tpu.dma_semaphore, #tpu.memory_space<semaphore_mem>> -> memref<!tpu.dma_semaphore, #tpu.memory_space<semaphore_mem>>
      tpu.enqueue_indirect_dma source(%dma_start3A_60 : memref<10240x128xf32, #tpu.memory_space<hbm>>) target(%arg12 : memref<128x128xf32, #tpu.memory_space<vmem>>) offsets(%arg9 : memref<128xi32, #tpu.memory_space<vmem>>) semaphore(%dma_start3A_62 : memref<!tpu.dma_semaphore, #tpu.memory_space<semaphore_mem>>)
      %dma_wait3A_63 = arith.constant 0 : i32
      %dma_wait3A_64 = arith.constant 0 : i32
      %dma_wait3A_65 = arith.constant 0 : i32
      %dma_wait3A_66 = tpu.memref_slice %arg2[%dma_wait3A_64, %dma_wait3A_65] : memref<10240x128xf32, #tpu.memory_space<hbm>> -> memref<10240x128xf32, #tpu.memory_space<hbm>>
      %dma_wait3A_67 = tpu.memref_slice %arg14[%dma_wait3A_63] : memref<2x!tpu.dma_semaphore, #tpu.memory_space<semaphore_mem>> -> memref<1x!tpu.dma_semaphore, #tpu.memory_space<semaphore_mem>>
      %dma_wait3A_68 = tpu.memref_squeeze %dma_wait3A_67 : memref<1x!tpu.dma_semaphore, #tpu.memory_space<semaphore_mem>> -> memref<!tpu.dma_semaphore, #tpu.memory_space<semaphore_mem>>
      tpu.wait_indirect_dma semaphore(%dma_wait3A_68 : memref<!tpu.dma_semaphore, #tpu.memory_space<semaphore_mem>>) src(%dma_wait3A_66 : memref<10240x128xf32, #tpu.memory_space<hbm>>) dst(%arg11 : memref<128x128xf32, #tpu.memory_space<vmem>>)
      %dma_wait3A_69 = arith.constant 1 : i32
      %dma_wait3A_70 = tpu.memref_slice %arg4[%add3A_20] : memref<327680xi32, #tpu.memory_space<hbm>> -> memref<128xi32, #tpu.memory_space<hbm>>
      %dma_wait3A_71 = tpu.memref_slice %arg16[%dma_wait3A_69] : memref<4x!tpu.dma_semaphore, #tpu.memory_space<semaphore_mem>> -> memref<1x!tpu.dma_semaphore, #tpu.memory_space<semaphore_mem>>
      %dma_wait3A_72 = tpu.memref_squeeze %dma_wait3A_71 : memref<1x!tpu.dma_semaphore, #tpu.memory_space<semaphore_mem>> -> memref<!tpu.dma_semaphore, #tpu.memory_space<semaphore_mem>>
      %dma_wait3A_73 = tpu.memref_slice %arg4[%add3A_20] : memref<327680xi32, #tpu.memory_space<hbm>> -> memref<128xi32, #tpu.memory_space<hbm>>
      tpu.wait_dma2 semaphore(%dma_wait3A_72 : memref<!tpu.dma_semaphore, #tpu.memory_space<semaphore_mem>>) src(%dma_wait3A_73 : memref<128xi32, #tpu.memory_space<hbm>>) dst(%arg8 : memref<128xi32, #tpu.memory_space<vmem>>)
      %dma_start3A_74 = arith.constant 0 : i32
      %dma_start3A_75 = arith.constant 0 : i32
      %dma_start3A_76 = arith.constant 0 : i32
      %dma_start3A_77 = tpu.memref_slice %arg13[%dma_start3A_75, %dma_start3A_76] : memref<10240x128xf32, #tpu.memory_space<vmem_shared>> -> memref<10240x128xf32, #tpu.memory_space<vmem_shared>>
      %dma_start3A_78 = tpu.memref_slice %arg15[%dma_start3A_74] : memref<2x!tpu.dma_semaphore, #tpu.memory_space<semaphore_mem>> -> memref<1x!tpu.dma_semaphore, #tpu.memory_space<semaphore_mem>>
      %dma_start3A_79 = tpu.memref_squeeze %dma_start3A_78 : memref<1x!tpu.dma_semaphore, #tpu.memory_space<semaphore_mem>> -> memref<!tpu.dma_semaphore, #tpu.memory_space<semaphore_mem>>
      tpu.enqueue_indirect_dma source(%arg11 : memref<128x128xf32, #tpu.memory_space<vmem>>) target(%dma_start3A_77 : memref<10240x128xf32, #tpu.memory_space<vmem_shared>>) offsets(%arg8 : memref<128xi32, #tpu.memory_space<vmem>>) semaphore(%dma_start3A_79 : memref<!tpu.dma_semaphore, #tpu.memory_space<semaphore_mem>>) {add = true}
      %dma_wait3A_80 = arith.constant 1 : i32
      %dma_wait3A_81 = arith.constant 0 : i32
      %dma_wait3A_82 = arith.constant 0 : i32
      %dma_wait3A_83 = tpu.memref_slice %arg2[%dma_wait3A_81, %dma_wait3A_82] : memref<10240x128xf32, #tpu.memory_space<hbm>> -> memref<10240x128xf32, #tpu.memory_space<hbm>>
      %dma_wait3A_84 = tpu.memref_slice %arg14[%dma_wait3A_80] : memref<2x!tpu.dma_semaphore, #tpu.memory_space<semaphore_mem>> -> memref<1x!tpu.dma_semaphore, #tpu.memory_space<semaphore_mem>>
      %dma_wait3A_85 = tpu.memref_squeeze %dma_wait3A_84 : memref<1x!tpu.dma_semaphore, #tpu.memory_space<semaphore_mem>> -> memref<!tpu.dma_semaphore, #tpu.memory_space<semaphore_mem>>
      tpu.wait_indirect_dma semaphore(%dma_wait3A_85 : memref<!tpu.dma_semaphore, #tpu.memory_space<semaphore_mem>>) src(%dma_wait3A_83 : memref<10240x128xf32, #tpu.memory_space<hbm>>) dst(%arg12 : memref<128x128xf32, #tpu.memory_space<vmem>>)
      %dma_wait3A_86 = arith.constant 3 : i32
      %dma_wait3A_87 = tpu.memref_slice %arg4[%add3A_22] : memref<327680xi32, #tpu.memory_space<hbm>> -> memref<128xi32, #tpu.memory_space<hbm>>
      %dma_wait3A_88 = tpu.memref_slice %arg16[%dma_wait3A_86] : memref<4x!tpu.dma_semaphore, #tpu.memory_space<semaphore_mem>> -> memref<1x!tpu.dma_semaphore, #tpu.memory_space<semaphore_mem>>
      %dma_wait3A_89 = tpu.memref_squeeze %dma_wait3A_88 : memref<1x!tpu.dma_semaphore, #tpu.memory_space<semaphore_mem>> -> memref<!tpu.dma_semaphore, #tpu.memory_space<semaphore_mem>>
      %dma_wait3A_90 = tpu.memref_slice %arg4[%add3A_22] : memref<327680xi32, #tpu.memory_space<hbm>> -> memref<128xi32, #tpu.memory_space<hbm>>
      tpu.wait_dma2 semaphore(%dma_wait3A_89 : memref<!tpu.dma_semaphore, #tpu.memory_space<semaphore_mem>>) src(%dma_wait3A_90 : memref<128xi32, #tpu.memory_space<hbm>>) dst(%arg10 : memref<128xi32, #tpu.memory_space<vmem>>)
      %dma_start3A_91 = arith.constant 1 : i32
      %dma_start3A_92 = arith.constant 0 : i32
      %dma_start3A_93 = arith.constant 0 : i32
      %dma_start3A_94 = tpu.memref_slice %arg13[%dma_start3A_92, %dma_start3A_93] : memref<10240x128xf32, #tpu.memory_space<vmem_shared>> -> memref<10240x128xf32, #tpu.memory_space<vmem_shared>>
      %dma_start3A_95 = tpu.memref_slice %arg15[%dma_start3A_91] : memref<2x!tpu.dma_semaphore, #tpu.memory_space<semaphore_mem>> -> memref<1x!tpu.dma_semaphore, #tpu.memory_space<semaphore_mem>>
      %dma_start3A_96 = tpu.memref_squeeze %dma_start3A_95 : memref<1x!tpu.dma_semaphore, #tpu.memory_space<semaphore_mem>> -> memref<!tpu.dma_semaphore, #tpu.memory_space<semaphore_mem>>
      tpu.enqueue_indirect_dma source(%arg12 : memref<128x128xf32, #tpu.memory_space<vmem>>) target(%dma_start3A_94 : memref<10240x128xf32, #tpu.memory_space<vmem_shared>>) offsets(%arg10 : memref<128xi32, #tpu.memory_space<vmem>>) semaphore(%dma_start3A_96 : memref<!tpu.dma_semaphore, #tpu.memory_space<semaphore_mem>>) {add = true}
      %dma_wait3A_97 = arith.constant 0 : i32
      %dma_wait3A_98 = arith.constant 0 : i32
      %dma_wait3A_99 = arith.constant 0 : i32
      %dma_wait3A_100 = tpu.memref_slice %arg13[%dma_wait3A_98, %dma_wait3A_99] : memref<10240x128xf32, #tpu.memory_space<vmem_shared>> -> memref<10240x128xf32, #tpu.memory_space<vmem_shared>>
      %dma_wait3A_101 = tpu.memref_slice %arg15[%dma_wait3A_97] : memref<2x!tpu.dma_semaphore, #tpu.memory_space<semaphore_mem>> -> memref<1x!tpu.dma_semaphore, #tpu.memory_space<semaphore_mem>>
      %dma_wait3A_102 = tpu.memref_squeeze %dma_wait3A_101 : memref<1x!tpu.dma_semaphore, #tpu.memory_space<semaphore_mem>> -> memref<!tpu.dma_semaphore, #tpu.memory_space<semaphore_mem>>
      tpu.wait_indirect_dma semaphore(%dma_wait3A_102 : memref<!tpu.dma_semaphore, #tpu.memory_space<semaphore_mem>>) src(%arg11 : memref<128x128xf32, #tpu.memory_space<vmem>>) dst(%dma_wait3A_100 : memref<10240x128xf32, #tpu.memory_space<vmem_shared>>)
      %dma_wait3A_103 = arith.constant 1 : i32
      %dma_wait3A_104 = arith.constant 0 : i32
      %dma_wait3A_105 = arith.constant 0 : i32
      %dma_wait3A_106 = tpu.memref_slice %arg13[%dma_wait3A_104, %dma_wait3A_105] : memref<10240x128xf32, #tpu.memory_space<vmem_shared>> -> memref<10240x128xf32, #tpu.memory_space<vmem_shared>>
      %dma_wait3A_107 = tpu.memref_slice %arg15[%dma_wait3A_103] : memref<2x!tpu.dma_semaphore, #tpu.memory_space<semaphore_mem>> -> memref<1x!tpu.dma_semaphore, #tpu.memory_space<semaphore_mem>>
      %dma_wait3A_108 = tpu.memref_squeeze %dma_wait3A_107 : memref<1x!tpu.dma_semaphore, #tpu.memory_space<semaphore_mem>> -> memref<!tpu.dma_semaphore, #tpu.memory_space<semaphore_mem>>
      tpu.wait_indirect_dma semaphore(%dma_wait3A_108 : memref<!tpu.dma_semaphore, #tpu.memory_space<semaphore_mem>>) src(%arg12 : memref<128x128xf32, #tpu.memory_space<vmem>>) dst(%dma_wait3A_106 : memref<10240x128xf32, #tpu.memory_space<vmem_shared>>)
    }
    %scan3A_15 = arith.constant 40 : i32
    %barrier3A_16 = arith.constant 0 : index
    tpu.barrier barrier_id(%barrier3A_16)
    "tpu.region"() ({
      %run_scoped3A = tpu.sem_alloc : memref<!tpu.dma_semaphore, #tpu.memory_space<semaphore_mem>>
      %dma_start3A = arith.constant 0 : i32
      %dma_start3A_17 = tpu.memref_slice %arg6[%arg0, %mul3A_0, %dma_start3A] : memref<2x10240x128xf32, #tpu.memory_space<hbm>> -> memref<1x640x128xf32, #tpu.memory_space<hbm>>
      %dma_start3A_18 = tpu.memref_squeeze %dma_start3A_17 : memref<1x640x128xf32, #tpu.memory_space<hbm>> -> memref<640x128xf32, #tpu.memory_space<hbm>>
      %dma_start3A_19 = arith.constant 0 : i32
      %dma_start3A_20 = tpu.memref_slice %arg13[%mul3A_0, %dma_start3A_19] : memref<10240x128xf32, #tpu.memory_space<vmem_shared>> -> memref<640x128xf32, #tpu.memory_space<vmem_shared>>
      tpu.enqueue_dma source(%dma_start3A_20 : memref<640x128xf32, #tpu.memory_space<vmem_shared>>) target(%dma_start3A_18 : memref<640x128xf32, #tpu.memory_space<hbm>>) target_semaphore(%run_scoped3A : memref<!tpu.dma_semaphore, #tpu.memory_space<semaphore_mem>>)
      %dma_wait3A = arith.constant 0 : i32
      %dma_wait3A_21 = tpu.memref_slice %arg6[%arg0, %mul3A_0, %dma_wait3A] : memref<2x10240x128xf32, #tpu.memory_space<hbm>> -> memref<1x640x128xf32, #tpu.memory_space<hbm>>
      %dma_wait3A_22 = tpu.memref_squeeze %dma_wait3A_21 : memref<1x640x128xf32, #tpu.memory_space<hbm>> -> memref<640x128xf32, #tpu.memory_space<hbm>>
      %dma_wait3A_23 = arith.constant 0 : i32
      %dma_wait3A_24 = tpu.memref_slice %arg13[%mul3A_0, %dma_wait3A_23] : memref<10240x128xf32, #tpu.memory_space<vmem_shared>> -> memref<640x128xf32, #tpu.memory_space<vmem_shared>>
      tpu.wait_dma2 semaphore(%run_scoped3A : memref<!tpu.dma_semaphore, #tpu.memory_space<semaphore_mem>>) src(%dma_wait3A_24 : memref<640x128xf32, #tpu.memory_space<vmem_shared>>) dst(%dma_wait3A_22 : memref<640x128xf32, #tpu.memory_space<hbm>>)
      tpu.yield
    }) : () -> ()
    return
  }
}

#map = affine_map<(d0, d1) -> (0, 0)>
#map1 = affine_map<(d0, d1) -> (0)>
#map2 = affine_map<(d0, d1) -> (0, 0, 0)>
module attributes {stable_mosaic.version = 14 : i64} {
  func.func @_scatter_kernel(%arg0: i32, %arg1: i32, %arg2: memref<10240x128xf32, #tpu.memory_space<hbm>>, %arg3: memref<327680xi32, #tpu.memory_space<hbm>>, %arg4: memref<327680xi32, #tpu.memory_space<hbm>>, %arg5: memref<10240x128xf32, #tpu.memory_space<hbm>>, %arg6: memref<2x10240x128xf32, #tpu.memory_space<hbm>>, %arg7: memref<128xi32, #tpu.memory_space<vmem>>, %arg8: memref<128xi32, #tpu.memory_space<vmem>>, %arg9: memref<128xi32, #tpu.memory_space<vmem>>, %arg10: memref<128xi32, #tpu.memory_space<vmem>>, %arg11: memref<128x128xf32, #tpu.memory_space<vmem>>, %arg12: memref<128x128xf32, #tpu.memory_space<vmem>>, %arg13: memref<10240x128xf32, #tpu.memory_space<vmem_shared>>, %arg14: memref<2x!tpu.dma_semaphore, #tpu.memory_space<semaphore_mem>>, %arg15: memref<2x!tpu.dma_semaphore, #tpu.memory_space<semaphore_mem>>, %arg16: memref<4x!tpu.dma_semaphore, #tpu.memory_space<semaphore_mem>>) attributes {dimension_semantics = [#tpu.dimension_semantics<core_parallel>, #tpu.dimension_semantics<subcore_parallel>], iteration_bounds = array<i64: 2, 16>, scalar_prefetch = 0 : i64, scratch_operands = 10 : i64, tpu.core_type = #tpu.core_type<sc_vector_subcore>, window_params = [{transform_indices = #map}, {transform_indices = #map1}, {transform_indices = #map1}, {transform_indices = #map}, {transform_indices = #map2}]} {
    %mul3A = arith.constant 640 : i32
    %mul3A_0 = arith.muli %arg1, %mul3A : i32
    %eq3A = arith.constant 0 : i32
    %eq3A_1 = arith.cmpi eq, %arg0, %eq3A : i32
    %convert_element_type3A = arith.extui %eq3A_1 : i1 to i32
    %cond3A = arith.constant 0 : i32
    %cond3A_2 = arith.cmpi ne, %convert_element_type3A, %cond3A : i32
    scf.if %cond3A_2 {
      "tpu.region"() ({
        %run_scoped3A = tpu.sem_alloc : memref<!tpu.dma_semaphore, #tpu.memory_space<semaphore_mem>>
        %dma_start3A = arith.constant 0 : i32
        %dma_start3A_17 = tpu.memref_slice %arg13[%mul3A_0, %dma_start3A] : memref<10240x128xf32, #tpu.memory_space<vmem_shared>> -> memref<640x128xf32, #tpu.memory_space<vmem_shared>>
        %dma_start3A_18 = arith.constant 0 : i32
        %dma_start3A_19 = tpu.memref_slice %arg2[%mul3A_0, %dma_start3A_18] : memref<10240x128xf32, #tpu.memory_space<hbm>> -> memref<640x128xf32, #tpu.memory_space<hbm>>
        tpu.enqueue_dma source(%dma_start3A_19 : memref<640x128xf32, #tpu.memory_space<hbm>>) target(%dma_start3A_17 : memref<640x128xf32, #tpu.memory_space<vmem_shared>>) target_semaphore(%run_scoped3A : memref<!tpu.dma_semaphore, #tpu.memory_space<semaphore_mem>>)
        %dma_wait3A = arith.constant 0 : i32
        %dma_wait3A_20 = tpu.memref_slice %arg13[%mul3A_0, %dma_wait3A] : memref<10240x128xf32, #tpu.memory_space<vmem_shared>> -> memref<640x128xf32, #tpu.memory_space<vmem_shared>>
        %dma_wait3A_21 = arith.constant 0 : i32
        %dma_wait3A_22 = tpu.memref_slice %arg2[%mul3A_0, %dma_wait3A_21] : memref<10240x128xf32, #tpu.memory_space<hbm>> -> memref<640x128xf32, #tpu.memory_space<hbm>>
        tpu.wait_dma2 semaphore(%run_scoped3A : memref<!tpu.dma_semaphore, #tpu.memory_space<semaphore_mem>>) src(%dma_wait3A_22 : memref<640x128xf32, #tpu.memory_space<hbm>>) dst(%dma_wait3A_20 : memref<640x128xf32, #tpu.memory_space<vmem_shared>>)
        tpu.yield
      }) : () -> ()
    } else {
    }
    %ne3A = arith.constant 0 : i32
    %ne3A_3 = arith.cmpi ne, %arg0, %ne3A : i32
    %convert_element_type3A_4 = arith.extui %ne3A_3 : i1 to i32
    %cond3A_5 = arith.constant 0 : i32
    %cond3A_6 = arith.cmpi ne, %convert_element_type3A_4, %cond3A_5 : i32
    scf.if %cond3A_6 {
      "tpu.region"() ({
        %run_scoped3A = tpu.sem_alloc : memref<!tpu.dma_semaphore, #tpu.memory_space<semaphore_mem>>
        %dma_start3A = arith.constant 0 : i32
        %dma_start3A_17 = tpu.memref_slice %arg13[%mul3A_0, %dma_start3A] : memref<10240x128xf32, #tpu.memory_space<vmem_shared>> -> memref<640x128xf32, #tpu.memory_space<vmem_shared>>
        %dma_start3A_18 = arith.constant 0 : i32
        %dma_start3A_19 = tpu.memref_slice %arg5[%mul3A_0, %dma_start3A_18] : memref<10240x128xf32, #tpu.memory_space<hbm>> -> memref<640x128xf32, #tpu.memory_space<hbm>>
        tpu.enqueue_dma source(%dma_start3A_19 : memref<640x128xf32, #tpu.memory_space<hbm>>) target(%dma_start3A_17 : memref<640x128xf32, #tpu.memory_space<vmem_shared>>) target_semaphore(%run_scoped3A : memref<!tpu.dma_semaphore, #tpu.memory_space<semaphore_mem>>)
        %dma_wait3A = arith.constant 0 : i32
        %dma_wait3A_20 = tpu.memref_slice %arg13[%mul3A_0, %dma_wait3A] : memref<10240x128xf32, #tpu.memory_space<vmem_shared>> -> memref<640x128xf32, #tpu.memory_space<vmem_shared>>
        %dma_wait3A_21 = arith.constant 0 : i32
        %dma_wait3A_22 = tpu.memref_slice %arg5[%mul3A_0, %dma_wait3A_21] : memref<10240x128xf32, #tpu.memory_space<hbm>> -> memref<640x128xf32, #tpu.memory_space<hbm>>
        tpu.wait_dma2 semaphore(%run_scoped3A : memref<!tpu.dma_semaphore, #tpu.memory_space<semaphore_mem>>) src(%dma_wait3A_22 : memref<640x128xf32, #tpu.memory_space<hbm>>) dst(%dma_wait3A_20 : memref<640x128xf32, #tpu.memory_space<vmem_shared>>)
        tpu.yield
      }) : () -> ()
    } else {
    }
    %mul3A_7 = arith.constant 16 : i32
    %mul3A_8 = arith.muli %arg0, %mul3A_7 : i32
    %add3A = arith.addi %mul3A_8, %arg1 : i32
    %mul3A_9 = arith.constant 10240 : i32
    %mul3A_10 = arith.muli %add3A, %mul3A_9 : i32
    %barrier3A = arith.constant 0 : index
    tpu.barrier barrier_id(%barrier3A)
    %scan3A = arith.constant 0 : i32
    %scan3A_11 = arith.constant 0 : i32
    %scan3A_12 = arith.constant 40 : i32
    %scan3A_13 = arith.addi %scan3A_11, %scan3A_12 : i32
    %scan3A_14 = arith.constant 1 : i32
    scf.for %scan3A_17 = %scan3A_11 to %scan3A_13 step %scan3A_14  : i32 {
      %mul3A_18 = arith.constant 256 : i32
      %mul3A_19 = arith.muli %scan3A_17, %mul3A_18 : i32
      %add3A_20 = arith.addi %mul3A_10, %mul3A_19 : i32
      %add3A_21 = arith.constant 128 : i32
      %add3A_22 = arith.addi %add3A_20, %add3A_21 : i32
      %dma_start3A = arith.constant 0 : i32
      %dma_start3A_23 = tpu.memref_slice %arg3[%add3A_20] : memref<327680xi32, #tpu.memory_space<hbm>> -> memref<128xi32, #tpu.memory_space<hbm>>
      %dma_start3A_24 = tpu.memref_slice %arg16[%dma_start3A] : memref<4x!tpu.dma_semaphore, #tpu.memory_space<semaphore_mem>> -> memref<1x!tpu.dma_semaphore, #tpu.memory_space<semaphore_mem>>
      %dma_start3A_25 = tpu.memref_squeeze %dma_start3A_24 : memref<1x!tpu.dma_semaphore, #tpu.memory_space<semaphore_mem>> -> memref<!tpu.dma_semaphore, #tpu.memory_space<semaphore_mem>>
      %dma_start3A_26 = tpu.memref_slice %arg3[%add3A_20] : memref<327680xi32, #tpu.memory_space<hbm>> -> memref<128xi32, #tpu.memory_space<hbm>>
      tpu.enqueue_dma source(%dma_start3A_26 : memref<128xi32, #tpu.memory_space<hbm>>) target(%arg7 : memref<128xi32, #tpu.memory_space<vmem>>) target_semaphore(%dma_start3A_25 : memref<!tpu.dma_semaphore, #tpu.memory_space<semaphore_mem>>)
      %dma_start3A_27 = arith.constant 1 : i32
      %dma_start3A_28 = tpu.memref_slice %arg4[%add3A_20] : memref<327680xi32, #tpu.memory_space<hbm>> -> memref<128xi32, #tpu.memory_space<hbm>>
      %dma_start3A_29 = tpu.memref_slice %arg16[%dma_start3A_27] : memref<4x!tpu.dma_semaphore, #tpu.memory_space<semaphore_mem>> -> memref<1x!tpu.dma_semaphore, #tpu.memory_space<semaphore_mem>>
      %dma_start3A_30 = tpu.memref_squeeze %dma_start3A_29 : memref<1x!tpu.dma_semaphore, #tpu.memory_space<semaphore_mem>> -> memref<!tpu.dma_semaphore, #tpu.memory_space<semaphore_mem>>
      %dma_start3A_31 = tpu.memref_slice %arg4[%add3A_20] : memref<327680xi32, #tpu.memory_space<hbm>> -> memref<128xi32, #tpu.memory_space<hbm>>
      tpu.enqueue_dma source(%dma_start3A_31 : memref<128xi32, #tpu.memory_space<hbm>>) target(%arg8 : memref<128xi32, #tpu.memory_space<vmem>>) target_semaphore(%dma_start3A_30 : memref<!tpu.dma_semaphore, #tpu.memory_space<semaphore_mem>>)
      %dma_start3A_32 = arith.constant 2 : i32
      %dma_start3A_33 = tpu.memref_slice %arg3[%add3A_22] : memref<327680xi32, #tpu.memory_space<hbm>> -> memref<128xi32, #tpu.memory_space<hbm>>
      %dma_start3A_34 = tpu.memref_slice %arg16[%dma_start3A_32] : memref<4x!tpu.dma_semaphore, #tpu.memory_space<semaphore_mem>> -> memref<1x!tpu.dma_semaphore, #tpu.memory_space<semaphore_mem>>
      %dma_start3A_35 = tpu.memref_squeeze %dma_start3A_34 : memref<1x!tpu.dma_semaphore, #tpu.memory_space<semaphore_mem>> -> memref<!tpu.dma_semaphore, #tpu.memory_space<semaphore_mem>>
      %dma_start3A_36 = tpu.memref_slice %arg3[%add3A_22] : memref<327680xi32, #tpu.memory_space<hbm>> -> memref<128xi32, #tpu.memory_space<hbm>>
      tpu.enqueue_dma source(%dma_start3A_36 : memref<128xi32, #tpu.memory_space<hbm>>) target(%arg9 : memref<128xi32, #tpu.memory_space<vmem>>) target_semaphore(%dma_start3A_35 : memref<!tpu.dma_semaphore, #tpu.memory_space<semaphore_mem>>)
      %dma_start3A_37 = arith.constant 3 : i32
      %dma_start3A_38 = tpu.memref_slice %arg4[%add3A_22] : memref<327680xi32, #tpu.memory_space<hbm>> -> memref<128xi32, #tpu.memory_space<hbm>>
      %dma_start3A_39 = tpu.memref_slice %arg16[%dma_start3A_37] : memref<4x!tpu.dma_semaphore, #tpu.memory_space<semaphore_mem>> -> memref<1x!tpu.dma_semaphore, #tpu.memory_space<semaphore_mem>>
      %dma_start3A_40 = tpu.memref_squeeze %dma_start3A_39 : memref<1x!tpu.dma_semaphore, #tpu.memory_space<semaphore_mem>> -> memref<!tpu.dma_semaphore, #tpu.memory_space<semaphore_mem>>
      %dma_start3A_41 = tpu.memref_slice %arg4[%add3A_22] : memref<327680xi32, #tpu.memory_space<hbm>> -> memref<128xi32, #tpu.memory_space<hbm>>
      tpu.enqueue_dma source(%dma_start3A_41 : memref<128xi32, #tpu.memory_space<hbm>>) target(%arg10 : memref<128xi32, #tpu.memory_space<vmem>>) target_semaphore(%dma_start3A_40 : memref<!tpu.dma_semaphore, #tpu.memory_space<semaphore_mem>>)
      %dma_wait3A = arith.constant 0 : i32
      %dma_wait3A_42 = tpu.memref_slice %arg3[%add3A_20] : memref<327680xi32, #tpu.memory_space<hbm>> -> memref<128xi32, #tpu.memory_space<hbm>>
      %dma_wait3A_43 = tpu.memref_slice %arg16[%dma_wait3A] : memref<4x!tpu.dma_semaphore, #tpu.memory_space<semaphore_mem>> -> memref<1x!tpu.dma_semaphore, #tpu.memory_space<semaphore_mem>>
      %dma_wait3A_44 = tpu.memref_squeeze %dma_wait3A_43 : memref<1x!tpu.dma_semaphore, #tpu.memory_space<semaphore_mem>> -> memref<!tpu.dma_semaphore, #tpu.memory_space<semaphore_mem>>
      %dma_wait3A_45 = tpu.memref_slice %arg3[%add3A_20] : memref<327680xi32, #tpu.memory_space<hbm>> -> memref<128xi32, #tpu.memory_space<hbm>>
      tpu.wait_dma2 semaphore(%dma_wait3A_44 : memref<!tpu.dma_semaphore, #tpu.memory_space<semaphore_mem>>) src(%dma_wait3A_45 : memref<128xi32, #tpu.memory_space<hbm>>) dst(%arg7 : memref<128xi32, #tpu.memory_space<vmem>>)
      %dma_start3A_46 = arith.constant 0 : i32
      %dma_start3A_47 = arith.constant 0 : i32
      %dma_start3A_48 = arith.constant 0 : i32
      %dma_start3A_49 = tpu.memref_slice %arg2[%dma_start3A_47, %dma_start3A_48] : memref<10240x128xf32, #tpu.memory_space<hbm>> -> memref<10240x128xf32, #tpu.memory_space<hbm>>
      %dma_start3A_50 = tpu.memref_slice %arg14[%dma_start3A_46] : memref<2x!tpu.dma_semaphore, #tpu.memory_space<semaphore_mem>> -> memref<1x!tpu.dma_semaphore, #tpu.memory_space<semaphore_mem>>
      %dma_start3A_51 = tpu.memref_squeeze %dma_start3A_50 : memref<1x!tpu.dma_semaphore, #tpu.memory_space<semaphore_mem>> -> memref<!tpu.dma_semaphore, #tpu.memory_space<semaphore_mem>>
      tpu.enqueue_indirect_dma source(%dma_start3A_49 : memref<10240x128xf32, #tpu.memory_space<hbm>>) target(%arg11 : memref<128x128xf32, #tpu.memory_space<vmem>>) offsets(%arg7 : memref<128xi32, #tpu.memory_space<vmem>>) semaphore(%dma_start3A_51 : memref<!tpu.dma_semaphore, #tpu.memory_space<semaphore_mem>>)
      %dma_wait3A_52 = arith.constant 2 : i32
      %dma_wait3A_53 = tpu.memref_slice %arg3[%add3A_22] : memref<327680xi32, #tpu.memory_space<hbm>> -> memref<128xi32, #tpu.memory_space<hbm>>
      %dma_wait3A_54 = tpu.memref_slice %arg16[%dma_wait3A_52] : memref<4x!tpu.dma_semaphore, #tpu.memory_space<semaphore_mem>> -> memref<1x!tpu.dma_semaphore, #tpu.memory_space<semaphore_mem>>
      %dma_wait3A_55 = tpu.memref_squeeze %dma_wait3A_54 : memref<1x!tpu.dma_semaphore, #tpu.memory_space<semaphore_mem>> -> memref<!tpu.dma_semaphore, #tpu.memory_space<semaphore_mem>>
      %dma_wait3A_56 = tpu.memref_slice %arg3[%add3A_22] : memref<327680xi32, #tpu.memory_space<hbm>> -> memref<128xi32, #tpu.memory_space<hbm>>
      tpu.wait_dma2 semaphore(%dma_wait3A_55 : memref<!tpu.dma_semaphore, #tpu.memory_space<semaphore_mem>>) src(%dma_wait3A_56 : memref<128xi32, #tpu.memory_space<hbm>>) dst(%arg9 : memref<128xi32, #tpu.memory_space<vmem>>)
      %dma_start3A_57 = arith.constant 1 : i32
      %dma_start3A_58 = arith.constant 0 : i32
      %dma_start3A_59 = arith.constant 0 : i32
      %dma_start3A_60 = tpu.memref_slice %arg2[%dma_start3A_58, %dma_start3A_59] : memref<10240x128xf32, #tpu.memory_space<hbm>> -> memref<10240x128xf32, #tpu.memory_space<hbm>>
      %dma_start3A_61 = tpu.memref_slice %arg14[%dma_start3A_57] : memref<2x!tpu.dma_semaphore, #tpu.memory_space<semaphore_mem>> -> memref<1x!tpu.dma_semaphore, #tpu.memory_space<semaphore_mem>>
      %dma_start3A_62 = tpu.memref_squeeze %dma_start3A_61 : memref<1x!tpu.dma_semaphore, #tpu.memory_space<semaphore_mem>> -> memref<!tpu.dma_semaphore, #tpu.memory_space<semaphore_mem>>
      tpu.enqueue_indirect_dma source(%dma_start3A_60 : memref<10240x128xf32, #tpu.memory_space<hbm>>) target(%arg12 : memref<128x128xf32, #tpu.memory_space<vmem>>) offsets(%arg9 : memref<128xi32, #tpu.memory_space<vmem>>) semaphore(%dma_start3A_62 : memref<!tpu.dma_semaphore, #tpu.memory_space<semaphore_mem>>)
      %dma_wait3A_63 = arith.constant 0 : i32
      %dma_wait3A_64 = arith.constant 0 : i32
      %dma_wait3A_65 = arith.constant 0 : i32
      %dma_wait3A_66 = tpu.memref_slice %arg2[%dma_wait3A_64, %dma_wait3A_65] : memref<10240x128xf32, #tpu.memory_space<hbm>> -> memref<10240x128xf32, #tpu.memory_space<hbm>>
      %dma_wait3A_67 = tpu.memref_slice %arg14[%dma_wait3A_63] : memref<2x!tpu.dma_semaphore, #tpu.memory_space<semaphore_mem>> -> memref<1x!tpu.dma_semaphore, #tpu.memory_space<semaphore_mem>>
      %dma_wait3A_68 = tpu.memref_squeeze %dma_wait3A_67 : memref<1x!tpu.dma_semaphore, #tpu.memory_space<semaphore_mem>> -> memref<!tpu.dma_semaphore, #tpu.memory_space<semaphore_mem>>
      tpu.wait_indirect_dma semaphore(%dma_wait3A_68 : memref<!tpu.dma_semaphore, #tpu.memory_space<semaphore_mem>>) src(%dma_wait3A_66 : memref<10240x128xf32, #tpu.memory_space<hbm>>) dst(%arg11 : memref<128x128xf32, #tpu.memory_space<vmem>>)
      %dma_wait3A_69 = arith.constant 1 : i32
      %dma_wait3A_70 = tpu.memref_slice %arg4[%add3A_20] : memref<327680xi32, #tpu.memory_space<hbm>> -> memref<128xi32, #tpu.memory_space<hbm>>
      %dma_wait3A_71 = tpu.memref_slice %arg16[%dma_wait3A_69] : memref<4x!tpu.dma_semaphore, #tpu.memory_space<semaphore_mem>> -> memref<1x!tpu.dma_semaphore, #tpu.memory_space<semaphore_mem>>
      %dma_wait3A_72 = tpu.memref_squeeze %dma_wait3A_71 : memref<1x!tpu.dma_semaphore, #tpu.memory_space<semaphore_mem>> -> memref<!tpu.dma_semaphore, #tpu.memory_space<semaphore_mem>>
      %dma_wait3A_73 = tpu.memref_slice %arg4[%add3A_20] : memref<327680xi32, #tpu.memory_space<hbm>> -> memref<128xi32, #tpu.memory_space<hbm>>
      tpu.wait_dma2 semaphore(%dma_wait3A_72 : memref<!tpu.dma_semaphore, #tpu.memory_space<semaphore_mem>>) src(%dma_wait3A_73 : memref<128xi32, #tpu.memory_space<hbm>>) dst(%arg8 : memref<128xi32, #tpu.memory_space<vmem>>)
      %dma_start3A_74 = arith.constant 0 : i32
      %dma_start3A_75 = arith.constant 0 : i32
      %dma_start3A_76 = arith.constant 0 : i32
      %dma_start3A_77 = tpu.memref_slice %arg13[%dma_start3A_75, %dma_start3A_76] : memref<10240x128xf32, #tpu.memory_space<vmem_shared>> -> memref<10240x128xf32, #tpu.memory_space<vmem_shared>>
      %dma_start3A_78 = tpu.memref_slice %arg15[%dma_start3A_74] : memref<2x!tpu.dma_semaphore, #tpu.memory_space<semaphore_mem>> -> memref<1x!tpu.dma_semaphore, #tpu.memory_space<semaphore_mem>>
      %dma_start3A_79 = tpu.memref_squeeze %dma_start3A_78 : memref<1x!tpu.dma_semaphore, #tpu.memory_space<semaphore_mem>> -> memref<!tpu.dma_semaphore, #tpu.memory_space<semaphore_mem>>
      tpu.enqueue_indirect_dma source(%arg11 : memref<128x128xf32, #tpu.memory_space<vmem>>) target(%dma_start3A_77 : memref<10240x128xf32, #tpu.memory_space<vmem_shared>>) offsets(%arg8 : memref<128xi32, #tpu.memory_space<vmem>>) semaphore(%dma_start3A_79 : memref<!tpu.dma_semaphore, #tpu.memory_space<semaphore_mem>>) {add = true}
      %dma_wait3A_80 = arith.constant 1 : i32
      %dma_wait3A_81 = arith.constant 0 : i32
      %dma_wait3A_82 = arith.constant 0 : i32
      %dma_wait3A_83 = tpu.memref_slice %arg2[%dma_wait3A_81, %dma_wait3A_82] : memref<10240x128xf32, #tpu.memory_space<hbm>> -> memref<10240x128xf32, #tpu.memory_space<hbm>>
      %dma_wait3A_84 = tpu.memref_slice %arg14[%dma_wait3A_80] : memref<2x!tpu.dma_semaphore, #tpu.memory_space<semaphore_mem>> -> memref<1x!tpu.dma_semaphore, #tpu.memory_space<semaphore_mem>>
      %dma_wait3A_85 = tpu.memref_squeeze %dma_wait3A_84 : memref<1x!tpu.dma_semaphore, #tpu.memory_space<semaphore_mem>> -> memref<!tpu.dma_semaphore, #tpu.memory_space<semaphore_mem>>
      tpu.wait_indirect_dma semaphore(%dma_wait3A_85 : memref<!tpu.dma_semaphore, #tpu.memory_space<semaphore_mem>>) src(%dma_wait3A_83 : memref<10240x128xf32, #tpu.memory_space<hbm>>) dst(%arg12 : memref<128x128xf32, #tpu.memory_space<vmem>>)
      %dma_wait3A_86 = arith.constant 3 : i32
      %dma_wait3A_87 = tpu.memref_slice %arg4[%add3A_22] : memref<327680xi32, #tpu.memory_space<hbm>> -> memref<128xi32, #tpu.memory_space<hbm>>
      %dma_wait3A_88 = tpu.memref_slice %arg16[%dma_wait3A_86] : memref<4x!tpu.dma_semaphore, #tpu.memory_space<semaphore_mem>> -> memref<1x!tpu.dma_semaphore, #tpu.memory_space<semaphore_mem>>
      %dma_wait3A_89 = tpu.memref_squeeze %dma_wait3A_88 : memref<1x!tpu.dma_semaphore, #tpu.memory_space<semaphore_mem>> -> memref<!tpu.dma_semaphore, #tpu.memory_space<semaphore_mem>>
      %dma_wait3A_90 = tpu.memref_slice %arg4[%add3A_22] : memref<327680xi32, #tpu.memory_space<hbm>> -> memref<128xi32, #tpu.memory_space<hbm>>
      tpu.wait_dma2 semaphore(%dma_wait3A_89 : memref<!tpu.dma_semaphore, #tpu.memory_space<semaphore_mem>>) src(%dma_wait3A_90 : memref<128xi32, #tpu.memory_space<hbm>>) dst(%arg10 : memref<128xi32, #tpu.memory_space<vmem>>)
      %dma_start3A_91 = arith.constant 1 : i32
      %dma_start3A_92 = arith.constant 0 : i32
      %dma_start3A_93 = arith.constant 0 : i32
      %dma_start3A_94 = tpu.memref_slice %arg13[%dma_start3A_92, %dma_start3A_93] : memref<10240x128xf32, #tpu.memory_space<vmem_shared>> -> memref<10240x128xf32, #tpu.memory_space<vmem_shared>>
      %dma_start3A_95 = tpu.memref_slice %arg15[%dma_start3A_91] : memref<2x!tpu.dma_semaphore, #tpu.memory_space<semaphore_mem>> -> memref<1x!tpu.dma_semaphore, #tpu.memory_space<semaphore_mem>>
      %dma_start3A_96 = tpu.memref_squeeze %dma_start3A_95 : memref<1x!tpu.dma_semaphore, #tpu.memory_space<semaphore_mem>> -> memref<!tpu.dma_semaphore, #tpu.memory_space<semaphore_mem>>
      tpu.enqueue_indirect_dma source(%arg12 : memref<128x128xf32, #tpu.memory_space<vmem>>) target(%dma_start3A_94 : memref<10240x128xf32, #tpu.memory_space<vmem_shared>>) offsets(%arg10 : memref<128xi32, #tpu.memory_space<vmem>>) semaphore(%dma_start3A_96 : memref<!tpu.dma_semaphore, #tpu.memory_space<semaphore_mem>>) {add = true}
      %dma_wait3A_97 = arith.constant 0 : i32
      %dma_wait3A_98 = arith.constant 0 : i32
      %dma_wait3A_99 = arith.constant 0 : i32
      %dma_wait3A_100 = tpu.memref_slice %arg13[%dma_wait3A_98, %dma_wait3A_99] : memref<10240x128xf32, #tpu.memory_space<vmem_shared>> -> memref<10240x128xf32, #tpu.memory_space<vmem_shared>>
      %dma_wait3A_101 = tpu.memref_slice %arg15[%dma_wait3A_97] : memref<2x!tpu.dma_semaphore, #tpu.memory_space<semaphore_mem>> -> memref<1x!tpu.dma_semaphore, #tpu.memory_space<semaphore_mem>>
      %dma_wait3A_102 = tpu.memref_squeeze %dma_wait3A_101 : memref<1x!tpu.dma_semaphore, #tpu.memory_space<semaphore_mem>> -> memref<!tpu.dma_semaphore, #tpu.memory_space<semaphore_mem>>
      tpu.wait_indirect_dma semaphore(%dma_wait3A_102 : memref<!tpu.dma_semaphore, #tpu.memory_space<semaphore_mem>>) src(%arg11 : memref<128x128xf32, #tpu.memory_space<vmem>>) dst(%dma_wait3A_100 : memref<10240x128xf32, #tpu.memory_space<vmem_shared>>)
      %dma_wait3A_103 = arith.constant 1 : i32
      %dma_wait3A_104 = arith.constant 0 : i32
      %dma_wait3A_105 = arith.constant 0 : i32
      %dma_wait3A_106 = tpu.memref_slice %arg13[%dma_wait3A_104, %dma_wait3A_105] : memref<10240x128xf32, #tpu.memory_space<vmem_shared>> -> memref<10240x128xf32, #tpu.memory_space<vmem_shared>>
      %dma_wait3A_107 = tpu.memref_slice %arg15[%dma_wait3A_103] : memref<2x!tpu.dma_semaphore, #tpu.memory_space<semaphore_mem>> -> memref<1x!tpu.dma_semaphore, #tpu.memory_space<semaphore_mem>>
      %dma_wait3A_108 = tpu.memref_squeeze %dma_wait3A_107 : memref<1x!tpu.dma_semaphore, #tpu.memory_space<semaphore_mem>> -> memref<!tpu.dma_semaphore, #tpu.memory_space<semaphore_mem>>
      tpu.wait_indirect_dma semaphore(%dma_wait3A_108 : memref<!tpu.dma_semaphore, #tpu.memory_space<semaphore_mem>>) src(%arg12 : memref<128x128xf32, #tpu.memory_space<vmem>>) dst(%dma_wait3A_106 : memref<10240x128xf32, #tpu.memory_space<vmem_shared>>)
    }
    %scan3A_15 = arith.constant 40 : i32
    %barrier3A_16 = arith.constant 0 : index
    tpu.barrier barrier_id(%barrier3A_16)
    "tpu.region"() ({
      %run_scoped3A = tpu.sem_alloc : memref<!tpu.dma_semaphore, #tpu.memory_space<semaphore_mem>>
      %dma_start3A = arith.constant 0 : i32
      %dma_start3A_17 = tpu.memref_slice %arg6[%arg0, %mul3A_0, %dma_start3A] : memref<2x10240x128xf32, #tpu.memory_space<hbm>> -> memref<1x640x128xf32, #tpu.memory_space<hbm>>
      %dma_start3A_18 = tpu.memref_squeeze %dma_start3A_17 : memref<1x640x128xf32, #tpu.memory_space<hbm>> -> memref<640x128xf32, #tpu.memory_space<hbm>>
      %dma_start3A_19 = arith.constant 0 : i32
      %dma_start3A_20 = tpu.memref_slice %arg13[%mul3A_0, %dma_start3A_19] : memref<10240x128xf32, #tpu.memory_space<vmem_shared>> -> memref<640x128xf32, #tpu.memory_space<vmem_shared>>
      tpu.enqueue_dma source(%dma_start3A_20 : memref<640x128xf32, #tpu.memory_space<vmem_shared>>) target(%dma_start3A_18 : memref<640x128xf32, #tpu.memory_space<hbm>>) target_semaphore(%run_scoped3A : memref<!tpu.dma_semaphore, #tpu.memory_space<semaphore_mem>>)
      %dma_wait3A = arith.constant 0 : i32
      %dma_wait3A_21 = tpu.memref_slice %arg6[%arg0, %mul3A_0, %dma_wait3A] : memref<2x10240x128xf32, #tpu.memory_space<hbm>> -> memref<1x640x128xf32, #tpu.memory_space<hbm>>
      %dma_wait3A_22 = tpu.memref_squeeze %dma_wait3A_21 : memref<1x640x128xf32, #tpu.memory_space<hbm>> -> memref<640x128xf32, #tpu.memory_space<hbm>>
      %dma_wait3A_23 = arith.constant 0 : i32
      %dma_wait3A_24 = tpu.memref_slice %arg13[%mul3A_0, %dma_wait3A_23] : memref<10240x128xf32, #tpu.memory_space<vmem_shared>> -> memref<640x128xf32, #tpu.memory_space<vmem_shared>>
      tpu.wait_dma2 semaphore(%run_scoped3A : memref<!tpu.dma_semaphore, #tpu.memory_space<semaphore_mem>>) src(%dma_wait3A_24 : memref<640x128xf32, #tpu.memory_space<vmem_shared>>) dst(%dma_wait3A_22 : memref<640x128xf32, #tpu.memory_space<hbm>>)
      tpu.yield
    }) : () -> ()
    return
  }
}

module attributes {stable_mosaic.version = 14 : i64} {
  func.func @_tc_mm_body(%arg0: i32, %arg1: memref<1000x128xf32, #tpu.memory_space<vmem>>, %arg2: memref<128x128xf32, #tpu.memory_space<vmem>>, %arg3: memref<1000x128xf32, #tpu.memory_space<vmem>>) attributes {dimension_semantics = [#tpu.dimension_semantics<arbitrary>], iteration_bounds = array<i64: 10>, scalar_prefetch = 0 : i64, scratch_operands = 0 : i64, tpu.core_type = #tpu.core_type<tc>, window_params = [{transform_indices = @transform_0, window_bounds = array<i64: 1000, 128>}, {pipeline_mode = #tpu.pipeline_mode<synchronous>, transform_indices = @transform_1, window_bounds = array<i64: 128, 128>}, {transform_indices = @transform_2, window_bounds = array<i64: 1000, 128>}]} {
    %get3A = arith.constant 0 : index
    %get3A_0 = arith.constant 0 : index
    %get3A_1 = vector.load %arg1[%get3A, %get3A_0] : memref<1000x128xf32, #tpu.memory_space<vmem>>, vector<1000x128xf32>
    %get3A_2 = arith.constant 0 : index
    %get3A_3 = arith.constant 0 : index
    %get3A_4 = vector.load %arg2[%get3A_2, %get3A_3] : memref<128x128xf32, #tpu.memory_space<vmem>>, vector<128x128xf32>
    %dot_general3A = arith.constant dense<0.000000e+00> : vector<1000x128xf32>
    %dot_general3A_5 = tpu.matmul %get3A_1, %get3A_4, %dot_general3A {dimension_numbers = #tpu.dot_dimension_numbers<[1], [0], [0], [1], [0, 0, 1, 1], [], []>, transpose_lhs_hint = false} : vector<1000x128xf32>, vector<128x128xf32>, vector<1000x128xf32> -> vector<1000x128xf32>
    %swap3A = arith.constant 0 : index
    %swap3A_6 = arith.constant 0 : index
    %swap3A_7 = vector.load %arg3[%swap3A, %swap3A_6] : memref<1000x128xf32, #tpu.memory_space<vmem>>, vector<1000x128xf32>
    tpu.vector_store %arg3[%swap3A, %swap3A_6], %dot_general3A_5 {strides = array<i32>} : memref<1000x128xf32, #tpu.memory_space<vmem>>, vector<1000x128xf32>,
    return
  }
  func.func @transform_0(%arg0: i32) -> (i32, i32) {
    %c0_i32 = arith.constant 0 : i32
    %c0_i32_0 = arith.constant 0 : i32
    return %arg0, %c0_i32 : i32, i32
  }
  func.func @transform_1(%arg0: i32) -> (i32, i32) {
    %c0_i32 = arith.constant 0 : i32
    %c0_i32_0 = arith.constant 0 : i32
    %c0_i32_1 = arith.constant 0 : i32
    return %c0_i32, %c0_i32_0 : i32, i32
  }
  func.func @transform_2(%arg0: i32) -> (i32, i32) {
    %c0_i32 = arith.constant 0 : i32
    %c0_i32_0 = arith.constant 0 : i32
    return %arg0, %c0_i32 : i32, i32
  }
}

module attributes {stable_mosaic.version = 14 : i64} {
  func.func @_tc1_body(%arg0: i32, %arg1: memref<1000x128xf32, #tpu.memory_space<vmem>>, %arg2: memref<2x1000x128xf32, #tpu.memory_space<vmem>>, %arg3: memref<1000x128xf32, #tpu.memory_space<vmem>>, %arg4: memref<1000x1xf32, #tpu.memory_space<vmem>>) attributes {dimension_semantics = [#tpu.dimension_semantics<arbitrary>], iteration_bounds = array<i64: 10>, scalar_prefetch = 0 : i64, scratch_operands = 0 : i64, tpu.core_type = #tpu.core_type<tc>, window_params = [{transform_indices = @transform_0, window_bounds = array<i64: 1000, 128>}, {transform_indices = @transform_1, window_bounds = array<i64: 2, 1000, 128>}, {transform_indices = @transform_2, window_bounds = array<i64: 1000, 128>}, {transform_indices = @transform_3, window_bounds = array<i64: 1000, 1>}]} {
    %get3A = arith.constant 0 : index
    %get3A_0 = arith.constant 0 : index
    %get3A_1 = arith.constant 0 : index
    %get3A_2 = vector.load %arg2[%get3A, %get3A_0, %get3A_1] : memref<2x1000x128xf32, #tpu.memory_space<vmem>>, vector<1x1000x128xf32>
    %get3A_3 = vector.shape_cast %get3A_2 : vector<1x1000x128xf32> to vector<1000x128xf32>
    %slice3A = vector.extract_strided_slice %get3A_3 {offsets = [0, 0], sizes = [1000, 1], strides = [1, 1]} : vector<1000x128xf32> to vector<1000x1xf32>
    %get3A_4 = arith.constant 1 : index
    %get3A_5 = arith.constant 0 : index
    %get3A_6 = arith.constant 0 : index
    %get3A_7 = vector.load %arg2[%get3A_4, %get3A_5, %get3A_6] : memref<2x1000x128xf32, #tpu.memory_space<vmem>>, vector<1x1000x128xf32>
    %get3A_8 = vector.shape_cast %get3A_7 : vector<1x1000x128xf32> to vector<1000x128xf32>
    %slice3A_9 = vector.extract_strided_slice %get3A_8 {offsets = [0, 0], sizes = [1000, 1], strides = [1, 1]} : vector<1000x128xf32> to vector<1000x1xf32>
    %add3A = arith.addf %slice3A, %slice3A_9 : vector<1000x1xf32>
    %rsqrt3A = math.rsqrt %add3A : vector<1000x1xf32>
    %get3A_10 = arith.constant 0 : index
    %get3A_11 = arith.constant 0 : index
    %get3A_12 = vector.load %arg1[%get3A_10, %get3A_11] : memref<1000x128xf32, #tpu.memory_space<vmem>>, vector<1000x128xf32>
    %mul3A = vector.broadcast %rsqrt3A : vector<1000x1xf32> to vector<1000x128xf32>
    %mul3A_13 = arith.mulf %get3A_12, %mul3A : vector<1000x128xf32>
    %swap3A = arith.constant 0 : index
    %swap3A_14 = arith.constant 0 : index
    %swap3A_15 = vector.load %arg3[%swap3A, %swap3A_14] : memref<1000x128xf32, #tpu.memory_space<vmem>>, vector<1000x128xf32>
    tpu.vector_store %arg3[%swap3A, %swap3A_14], %mul3A_13 {strides = array<i32>} : memref<1000x128xf32, #tpu.memory_space<vmem>>, vector<1000x128xf32>,
    %swap3A_16 = arith.constant 0 : index
    %swap3A_17 = arith.constant 0 : index
    %swap3A_18 = vector.load %arg4[%swap3A_16, %swap3A_17] : memref<1000x1xf32, #tpu.memory_space<vmem>>, vector<1000x1xf32>
    tpu.vector_store %arg4[%swap3A_16, %swap3A_17], %rsqrt3A {strides = array<i32>} : memref<1000x1xf32, #tpu.memory_space<vmem>>, vector<1000x1xf32>,
    return
  }
  func.func @transform_0(%arg0: i32) -> (i32, i32) {
    %c0_i32 = arith.constant 0 : i32
    %c0_i32_0 = arith.constant 0 : i32
    return %arg0, %c0_i32 : i32, i32
  }
  func.func @transform_1(%arg0: i32) -> (i32, i32, i32) {
    %c0_i32 = arith.constant 0 : i32
    %c0_i32_0 = arith.constant 0 : i32
    %c0_i32_1 = arith.constant 0 : i32
    return %c0_i32, %arg0, %c0_i32_0 : i32, i32, i32
  }
  func.func @transform_2(%arg0: i32) -> (i32, i32) {
    %c0_i32 = arith.constant 0 : i32
    %c0_i32_0 = arith.constant 0 : i32
    return %arg0, %c0_i32 : i32, i32
  }
  func.func @transform_3(%arg0: i32) -> (i32, i32) {
    %c0_i32 = arith.constant 0 : i32
    %c0_i32_0 = arith.constant 0 : i32
    return %arg0, %c0_i32 : i32, i32
  }
}

module attributes {stable_mosaic.version = 14 : i64} {
  func.func @_tc_mid_body(%arg0: i32, %arg1: memref<2x1000x128xf32, #tpu.memory_space<vmem>>, %arg2: memref<1000x1xf32, #tpu.memory_space<vmem>>, %arg3: memref<1x128xf32, #tpu.memory_space<vmem>>, %arg4: memref<128x128xf32, #tpu.memory_space<vmem>>, %arg5: memref<1000x128xf32, #tpu.memory_space<vmem>>) attributes {dimension_semantics = [#tpu.dimension_semantics<arbitrary>], iteration_bounds = array<i64: 10>, scalar_prefetch = 0 : i64, scratch_operands = 0 : i64, tpu.core_type = #tpu.core_type<tc>, window_params = [{transform_indices = @transform_0, window_bounds = array<i64: 2, 1000, 128>}, {transform_indices = @transform_1, window_bounds = array<i64: 1000, 1>}, {pipeline_mode = #tpu.pipeline_mode<synchronous>, transform_indices = @transform_2, window_bounds = array<i64: 1, 128>}, {pipeline_mode = #tpu.pipeline_mode<synchronous>, transform_indices = @transform_3, window_bounds = array<i64: 128, 128>}, {transform_indices = @transform_4, window_bounds = array<i64: 1000, 128>}]} {
    %get3A = arith.constant 0 : index
    %get3A_0 = arith.constant 0 : index
    %get3A_1 = vector.load %arg2[%get3A, %get3A_0] : memref<1000x1xf32, #tpu.memory_space<vmem>>, vector<1000x1xf32>
    %get3A_2 = arith.constant 0 : index
    %get3A_3 = arith.constant 0 : index
    %get3A_4 = arith.constant 0 : index
    %get3A_5 = vector.load %arg1[%get3A_2, %get3A_3, %get3A_4] : memref<2x1000x128xf32, #tpu.memory_space<vmem>>, vector<1x1000x128xf32>
    %get3A_6 = vector.shape_cast %get3A_5 : vector<1x1000x128xf32> to vector<1000x128xf32>
    %get3A_7 = arith.constant 1 : index
    %get3A_8 = arith.constant 0 : index
    %get3A_9 = arith.constant 0 : index
    %get3A_10 = vector.load %arg1[%get3A_7, %get3A_8, %get3A_9] : memref<2x1000x128xf32, #tpu.memory_space<vmem>>, vector<1x1000x128xf32>
    %get3A_11 = vector.shape_cast %get3A_10 : vector<1x1000x128xf32> to vector<1000x128xf32>
    %add3A = arith.addf %get3A_6, %get3A_11 : vector<1000x128xf32>
    %mul3A = vector.broadcast %get3A_1 : vector<1000x1xf32> to vector<1000x128xf32>
    %mul3A_12 = arith.mulf %add3A, %mul3A : vector<1000x128xf32>
    %get3A_13 = arith.constant 0 : index
    %get3A_14 = arith.constant 0 : index
    %get3A_15 = vector.load %arg3[%get3A_13, %get3A_14] : memref<1x128xf32, #tpu.memory_space<vmem>>, vector<1x128xf32>
    %add3A_16 = vector.broadcast %get3A_15 : vector<1x128xf32> to vector<1000x128xf32>
    %add3A_17 = arith.addf %mul3A_12, %add3A_16 : vector<1000x128xf32>
    %max3A = arith.constant 0.000000e+00 : f32
    %max3A_18 = vector.broadcast %max3A : f32 to vector<1000x128xf32>
    %max3A_19 = arith.maximumf %add3A_17, %max3A_18 : vector<1000x128xf32>
    %get3A_20 = arith.constant 0 : index
    %get3A_21 = arith.constant 0 : index
    %get3A_22 = vector.load %arg4[%get3A_20, %get3A_21] : memref<128x128xf32, #tpu.memory_space<vmem>>, vector<128x128xf32>
    %dot_general3A = arith.constant dense<0.000000e+00> : vector<1000x128xf32>
    %dot_general3A_23 = tpu.matmul %max3A_19, %get3A_22, %dot_general3A {dimension_numbers = #tpu.dot_dimension_numbers<[1], [0], [0], [1], [0, 0, 1, 1], [], []>, transpose_lhs_hint = false} : vector<1000x128xf32>, vector<128x128xf32>, vector<1000x128xf32> -> vector<1000x128xf32>
    %mul3A_24 = vector.broadcast %get3A_1 : vector<1000x1xf32> to vector<1000x128xf32>
    %mul3A_25 = arith.mulf %dot_general3A_23, %mul3A_24 : vector<1000x128xf32>
    %swap3A = arith.constant 0 : index
    %swap3A_26 = arith.constant 0 : index
    %swap3A_27 = vector.load %arg5[%swap3A, %swap3A_26] : memref<1000x128xf32, #tpu.memory_space<vmem>>, vector<1000x128xf32>
    tpu.vector_store %arg5[%swap3A, %swap3A_26], %mul3A_25 {strides = array<i32>} : memref<1000x128xf32, #tpu.memory_space<vmem>>, vector<1000x128xf32>,
    return
  }
  func.func @transform_0(%arg0: i32) -> (i32, i32, i32) {
    %c0_i32 = arith.constant 0 : i32
    %c0_i32_0 = arith.constant 0 : i32
    %c0_i32_1 = arith.constant 0 : i32
    return %c0_i32, %arg0, %c0_i32_0 : i32, i32, i32
  }
  func.func @transform_1(%arg0: i32) -> (i32, i32) {
    %c0_i32 = arith.constant 0 : i32
    %c0_i32_0 = arith.constant 0 : i32
    return %arg0, %c0_i32 : i32, i32
  }
  func.func @transform_2(%arg0: i32) -> (i32, i32) {
    %c0_i32 = arith.constant 0 : i32
    %c0_i32_0 = arith.constant 0 : i32
    %c0_i32_1 = arith.constant 0 : i32
    return %c0_i32, %c0_i32_0 : i32, i32
  }
  func.func @transform_3(%arg0: i32) -> (i32, i32) {
    %c0_i32 = arith.constant 0 : i32
    %c0_i32_0 = arith.constant 0 : i32
    %c0_i32_1 = arith.constant 0 : i32
    return %c0_i32, %c0_i32_0 : i32, i32
  }
  func.func @transform_4(%arg0: i32) -> (i32, i32) {
    %c0_i32 = arith.constant 0 : i32
    %c0_i32_0 = arith.constant 0 : i32
    return %arg0, %c0_i32 : i32, i32
  }
}

module attributes {stable_mosaic.version = 14 : i64} {
  func.func @_tc_h3_body(%arg0: i32, %arg1: memref<2x1000x128xf32, #tpu.memory_space<vmem>>, %arg2: memref<1000x1xf32, #tpu.memory_space<vmem>>, %arg3: memref<1x128xf32, #tpu.memory_space<vmem>>, %arg4: memref<1000x128xf32, #tpu.memory_space<vmem>>, %arg5: memref<2x128xf32, #tpu.memory_space<vmem>>) attributes {dimension_semantics = [#tpu.dimension_semantics<arbitrary>], iteration_bounds = array<i64: 10>, scalar_prefetch = 0 : i64, scratch_operands = 0 : i64, tpu.core_type = #tpu.core_type<tc>, window_params = [{transform_indices = @transform_0, window_bounds = array<i64: 2, 1000, 128>}, {transform_indices = @transform_1, window_bounds = array<i64: 1000, 1>}, {pipeline_mode = #tpu.pipeline_mode<synchronous>, transform_indices = @transform_2, window_bounds = array<i64: 1, 128>}, {transform_indices = @transform_3, window_bounds = array<i64: 1000, 128>}, {pipeline_mode = #tpu.pipeline_mode<synchronous>, transform_indices = @transform_4, window_bounds = array<i64: 2, 128>}]} {
    %get3A = arith.constant 0 : index
    %get3A_0 = arith.constant 0 : index
    %get3A_1 = arith.constant 0 : index
    %get3A_2 = vector.load %arg1[%get3A, %get3A_0, %get3A_1] : memref<2x1000x128xf32, #tpu.memory_space<vmem>>, vector<1x1000x128xf32>
    %get3A_3 = vector.shape_cast %get3A_2 : vector<1x1000x128xf32> to vector<1000x128xf32>
    %get3A_4 = arith.constant 1 : index
    %get3A_5 = arith.constant 0 : index
    %get3A_6 = arith.constant 0 : index
    %get3A_7 = vector.load %arg1[%get3A_4, %get3A_5, %get3A_6] : memref<2x1000x128xf32, #tpu.memory_space<vmem>>, vector<1x1000x128xf32>
    %get3A_8 = vector.shape_cast %get3A_7 : vector<1x1000x128xf32> to vector<1000x128xf32>
    %add3A = arith.addf %get3A_3, %get3A_8 : vector<1000x128xf32>
    %get3A_9 = arith.constant 0 : index
    %get3A_10 = arith.constant 0 : index
    %get3A_11 = vector.load %arg2[%get3A_9, %get3A_10] : memref<1000x1xf32, #tpu.memory_space<vmem>>, vector<1000x1xf32>
    %mul3A = vector.broadcast %get3A_11 : vector<1000x1xf32> to vector<1000x128xf32>
    %mul3A_12 = arith.mulf %add3A, %mul3A : vector<1000x128xf32>
    %get3A_13 = arith.constant 0 : index
    %get3A_14 = arith.constant 0 : index
    %get3A_15 = vector.load %arg3[%get3A_13, %get3A_14] : memref<1x128xf32, #tpu.memory_space<vmem>>, vector<1x128xf32>
    %add3A_16 = vector.broadcast %get3A_15 : vector<1x128xf32> to vector<1000x128xf32>
    %add3A_17 = arith.addf %mul3A_12, %add3A_16 : vector<1000x128xf32>
    %max3A = arith.constant 0.000000e+00 : f32
    %max3A_18 = vector.broadcast %max3A : f32 to vector<1000x128xf32>
    %max3A_19 = arith.maximumf %add3A_17, %max3A_18 : vector<1000x128xf32>
    %swap3A = arith.constant 0 : index
    %swap3A_20 = arith.constant 0 : index
    %swap3A_21 = vector.load %arg4[%swap3A, %swap3A_20] : memref<1000x128xf32, #tpu.memory_space<vmem>>, vector<1000x128xf32>
    tpu.vector_store %arg4[%swap3A, %swap3A_20], %max3A_19 {strides = array<i32>} : memref<1000x128xf32, #tpu.memory_space<vmem>>, vector<1000x128xf32>,
    %reduce_sum3A = arith.constant dense<0.000000e+00> : vector<128xf32>
    %reduce_sum3A_22 = vector.multi_reduction <add>, %max3A_19, %reduce_sum3A [0] : vector<1000x128xf32> to vector<128xf32>
    %broadcast_in_dim3A = vector.shape_cast %reduce_sum3A_22 : vector<128xf32> to vector<1x128xf32>
    %mul3A_23 = arith.mulf %max3A_19, %max3A_19 : vector<1000x128xf32>
    %reduce_sum3A_24 = arith.constant dense<0.000000e+00> : vector<128xf32>
    %reduce_sum3A_25 = vector.multi_reduction <add>, %mul3A_23, %reduce_sum3A_24 [0] : vector<1000x128xf32> to vector<128xf32>
    %broadcast_in_dim3A_26 = vector.shape_cast %reduce_sum3A_25 : vector<128xf32> to vector<1x128xf32>
    %concatenate3A = tpu.concatenate %broadcast_in_dim3A, %broadcast_in_dim3A_26 in 0 : vector<1x128xf32>, vector<1x128xf32> -> vector<2x128xf32>
    %eq3A = arith.constant 0 : i32
    %eq3A_27 = arith.cmpi eq, %arg0, %eq3A : i32
    %convert_element_type3A = arith.extui %eq3A_27 : i1 to i32
    %cond3A = arith.constant 0 : i32
    %cond3A_28 = arith.cmpi ne, %convert_element_type3A, %cond3A : i32
    scf.if %cond3A_28 {
      %swap3A_33 = arith.constant 0 : index
      %swap3A_34 = arith.constant 0 : index
      %swap3A_35 = vector.load %arg5[%swap3A_33, %swap3A_34] : memref<2x128xf32, #tpu.memory_space<vmem>>, vector<2x128xf32>
      tpu.vector_store %arg5[%swap3A_33, %swap3A_34], %concatenate3A {strides = array<i32>} : memref<2x128xf32, #tpu.memory_space<vmem>>, vector<2x128xf32>,
    } else {
    }
    %ne3A = arith.constant 0 : i32
    %ne3A_29 = arith.cmpi ne, %arg0, %ne3A : i32
    %convert_element_type3A_30 = arith.extui %ne3A_29 : i1 to i32
    %cond3A_31 = arith.constant 0 : i32
    %cond3A_32 = arith.cmpi ne, %convert_element_type3A_30, %cond3A_31 : i32
    scf.if %cond3A_32 {
      %get3A_33 = arith.constant 0 : index
      %get3A_34 = arith.constant 0 : index
      %get3A_35 = vector.load %arg5[%get3A_33, %get3A_34] : memref<2x128xf32, #tpu.memory_space<vmem>>, vector<2x128xf32>
      %add3A_36 = arith.addf %get3A_35, %concatenate3A : vector<2x128xf32>
      %swap3A_37 = arith.constant 0 : index
      %swap3A_38 = arith.constant 0 : index
      %swap3A_39 = vector.load %arg5[%swap3A_37, %swap3A_38] : memref<2x128xf32, #tpu.memory_space<vmem>>, vector<2x128xf32>
      tpu.vector_store %arg5[%swap3A_37, %swap3A_38], %add3A_36 {strides = array<i32>} : memref<2x128xf32, #tpu.memory_space<vmem>>, vector<2x128xf32>,
    } else {
    }
    return
  }
  func.func @transform_0(%arg0: i32) -> (i32, i32, i32) {
    %c0_i32 = arith.constant 0 : i32
    %c0_i32_0 = arith.constant 0 : i32
    %c0_i32_1 = arith.constant 0 : i32
    return %c0_i32, %arg0, %c0_i32_0 : i32, i32, i32
  }
  func.func @transform_1(%arg0: i32) -> (i32, i32) {
    %c0_i32 = arith.constant 0 : i32
    %c0_i32_0 = arith.constant 0 : i32
    return %arg0, %c0_i32 : i32, i32
  }
  func.func @transform_2(%arg0: i32) -> (i32, i32) {
    %c0_i32 = arith.constant 0 : i32
    %c0_i32_0 = arith.constant 0 : i32
    %c0_i32_1 = arith.constant 0 : i32
    return %c0_i32, %c0_i32_0 : i32, i32
  }
  func.func @transform_3(%arg0: i32) -> (i32, i32) {
    %c0_i32 = arith.constant 0 : i32
    %c0_i32_0 = arith.constant 0 : i32
    return %arg0, %c0_i32 : i32, i32
  }
  func.func @transform_4(%arg0: i32) -> (i32, i32) {
    %c0_i32 = arith.constant 0 : i32
    %c0_i32_0 = arith.constant 0 : i32
    %c0_i32_1 = arith.constant 0 : i32
    return %c0_i32, %c0_i32_0 : i32, i32
  }
}

module attributes {stable_mosaic.version = 14 : i64} {
  func.func @_tc_head_body(%arg0: i32, %arg1: memref<1000x128xf32, #tpu.memory_space<vmem>>, %arg2: memref<2x128xf32, #tpu.memory_space<vmem>>, %arg3: memref<1x128xf32, #tpu.memory_space<vmem>>, %arg4: memref<1x128xf32, #tpu.memory_space<vmem>>, %arg5: memref<128x128xf32, #tpu.memory_space<vmem>>, %arg6: memref<1x128xf32, #tpu.memory_space<vmem>>, %arg7: memref<128x40xf32, #tpu.memory_space<vmem>>, %arg8: memref<1x40xf32, #tpu.memory_space<vmem>>, %arg9: memref<1000x40xf32, #tpu.memory_space<vmem>>) attributes {dimension_semantics = [#tpu.dimension_semantics<arbitrary>], iteration_bounds = array<i64: 10>, scalar_prefetch = 0 : i64, scratch_operands = 0 : i64, tpu.core_type = #tpu.core_type<tc>, window_params = [{transform_indices = @transform_0, window_bounds = array<i64: 1000, 128>}, {pipeline_mode = #tpu.pipeline_mode<synchronous>, transform_indices = @transform_1, window_bounds = array<i64: 2, 128>}, {pipeline_mode = #tpu.pipeline_mode<synchronous>, transform_indices = @transform_2, window_bounds = array<i64: 1, 128>}, {pipeline_mode = #tpu.pipeline_mode<synchronous>, transform_indices = @transform_3, window_bounds = array<i64: 1, 128>}, {pipeline_mode = #tpu.pipeline_mode<synchronous>, transform_indices = @transform_4, window_bounds = array<i64: 128, 128>}, {pipeline_mode = #tpu.pipeline_mode<synchronous>, transform_indices = @transform_5, window_bounds = array<i64: 1, 128>}, {pipeline_mode = #tpu.pipeline_mode<synchronous>, transform_indices = @transform_6, window_bounds = array<i64: 128, 40>}, {pipeline_mode = #tpu.pipeline_mode<synchronous>, transform_indices = @transform_7, window_bounds = array<i64: 1, 40>}, {transform_indices = @transform_8, window_bounds = array<i64: 1000, 40>}]} {
    %get3A = arith.constant 0 : index
    %get3A_0 = arith.constant 0 : index
    %get3A_1 = vector.load %arg2[%get3A, %get3A_0] : memref<2x128xf32, #tpu.memory_space<vmem>>, vector<1x128xf32>
    %div3A = arith.constant 1.000000e+04 : f32
    %div3A_2 = vector.broadcast %div3A : f32 to vector<1x128xf32>
    %div3A_3 = arith.divf %get3A_1, %div3A_2 : vector<1x128xf32>
    %get3A_4 = arith.constant 1 : index
    %get3A_5 = arith.constant 0 : index
    %get3A_6 = vector.load %arg2[%get3A_4, %get3A_5] : memref<2x128xf32, #tpu.memory_space<vmem>>, vector<1x128xf32>
    %div3A_7 = arith.constant 1.000000e+04 : f32
    %div3A_8 = vector.broadcast %div3A_7 : f32 to vector<1x128xf32>
    %div3A_9 = arith.divf %get3A_6, %div3A_8 : vector<1x128xf32>
    %mul3A = arith.mulf %div3A_3, %div3A_3 : vector<1x128xf32>
    %sub3A = arith.subf %div3A_9, %mul3A : vector<1x128xf32>
    %get3A_10 = arith.constant 0 : index
    %get3A_11 = arith.constant 0 : index
    %get3A_12 = vector.load %arg1[%get3A_10, %get3A_11] : memref<1000x128xf32, #tpu.memory_space<vmem>>, vector<1000x128xf32>
    %sub3A_13 = vector.broadcast %div3A_3 : vector<1x128xf32> to vector<1000x128xf32>
    %sub3A_14 = arith.subf %get3A_12, %sub3A_13 : vector<1000x128xf32>
    %add3A = arith.constant 9.99999974E-6 : f32
    %add3A_15 = vector.broadcast %add3A : f32 to vector<1x128xf32>
    %add3A_16 = arith.addf %sub3A, %add3A_15 : vector<1x128xf32>
    %rsqrt3A = math.rsqrt %add3A_16 : vector<1x128xf32>
    %mul3A_17 = vector.broadcast %rsqrt3A : vector<1x128xf32> to vector<1000x128xf32>
    %mul3A_18 = arith.mulf %sub3A_14, %mul3A_17 : vector<1000x128xf32>
    %get3A_19 = arith.constant 0 : index
    %get3A_20 = arith.constant 0 : index
    %get3A_21 = vector.load %arg3[%get3A_19, %get3A_20] : memref<1x128xf32, #tpu.memory_space<vmem>>, vector<1x128xf32>
    %mul3A_22 = vector.broadcast %get3A_21 : vector<1x128xf32> to vector<1000x128xf32>
    %mul3A_23 = arith.mulf %mul3A_18, %mul3A_22 : vector<1000x128xf32>
    %get3A_24 = arith.constant 0 : index
    %get3A_25 = arith.constant 0 : index
    %get3A_26 = vector.load %arg4[%get3A_24, %get3A_25] : memref<1x128xf32, #tpu.memory_space<vmem>>, vector<1x128xf32>
    %add3A_27 = vector.broadcast %get3A_26 : vector<1x128xf32> to vector<1000x128xf32>
    %add3A_28 = arith.addf %mul3A_23, %add3A_27 : vector<1000x128xf32>
    %get3A_29 = arith.constant 0 : index
    %get3A_30 = arith.constant 0 : index
    %get3A_31 = vector.load %arg5[%get3A_29, %get3A_30] : memref<128x128xf32, #tpu.memory_space<vmem>>, vector<128x128xf32>
    %dot_general3A = arith.constant dense<0.000000e+00> : vector<1000x128xf32>
    %dot_general3A_32 = tpu.matmul %add3A_28, %get3A_31, %dot_general3A {dimension_numbers = #tpu.dot_dimension_numbers<[1], [0], [0], [1], [0, 0, 1, 1], [], []>, transpose_lhs_hint = false} : vector<1000x128xf32>, vector<128x128xf32>, vector<1000x128xf32> -> vector<1000x128xf32>
    %get3A_33 = arith.constant 0 : index
    %get3A_34 = arith.constant 0 : index
    %get3A_35 = vector.load %arg6[%get3A_33, %get3A_34] : memref<1x128xf32, #tpu.memory_space<vmem>>, vector<1x128xf32>
    %add3A_36 = vector.broadcast %get3A_35 : vector<1x128xf32> to vector<1000x128xf32>
    %add3A_37 = arith.addf %dot_general3A_32, %add3A_36 : vector<1000x128xf32>
    %max3A = arith.constant 0.000000e+00 : f32
    %max3A_38 = vector.broadcast %max3A : f32 to vector<1000x128xf32>
    %max3A_39 = arith.maximumf %add3A_37, %max3A_38 : vector<1000x128xf32>
    %get3A_40 = arith.constant 0 : index
    %get3A_41 = arith.constant 0 : index
    %get3A_42 = vector.load %arg7[%get3A_40, %get3A_41] : memref<128x40xf32, #tpu.memory_space<vmem>>, vector<128x40xf32>
    %dot_general3A_43 = arith.constant dense<0.000000e+00> : vector<1000x40xf32>
    %dot_general3A_44 = tpu.matmul %max3A_39, %get3A_42, %dot_general3A_43 {dimension_numbers = #tpu.dot_dimension_numbers<[1], [0], [0], [1], [0, 0, 1, 1], [], []>, transpose_lhs_hint = false} : vector<1000x128xf32>, vector<128x40xf32>, vector<1000x40xf32> -> vector<1000x40xf32>
    %get3A_45 = arith.constant 0 : index
    %get3A_46 = arith.constant 0 : index
    %get3A_47 = vector.load %arg8[%get3A_45, %get3A_46] : memref<1x40xf32, #tpu.memory_space<vmem>>, vector<1x40xf32>
    %add3A_48 = vector.broadcast %get3A_47 : vector<1x40xf32> to vector<1000x40xf32>
    %add3A_49 = arith.addf %dot_general3A_44, %add3A_48 : vector<1000x40xf32>
    %swap3A = arith.constant 0 : index
    %swap3A_50 = arith.constant 0 : index
    %swap3A_51 = vector.load %arg9[%swap3A, %swap3A_50] : memref<1000x40xf32, #tpu.memory_space<vmem>>, vector<1000x40xf32>
    tpu.vector_store %arg9[%swap3A, %swap3A_50], %add3A_49 {strides = array<i32>} : memref<1000x40xf32, #tpu.memory_space<vmem>>, vector<1000x40xf32>,
    return
  }
  func.func @transform_0(%arg0: i32) -> (i32, i32) {
    %c0_i32 = arith.constant 0 : i32
    %c0_i32_0 = arith.constant 0 : i32
    return %arg0, %c0_i32 : i32, i32
  }
  func.func @transform_1(%arg0: i32) -> (i32, i32) {
    %c0_i32 = arith.constant 0 : i32
    %c0_i32_0 = arith.constant 0 : i32
    %c0_i32_1 = arith.constant 0 : i32
    return %c0_i32, %c0_i32_0 : i32, i32
  }
  func.func @transform_2(%arg0: i32) -> (i32, i32) {
    %c0_i32 = arith.constant 0 : i32
    %c0_i32_0 = arith.constant 0 : i32
    %c0_i32_1 = arith.constant 0 : i32
    return %c0_i32, %c0_i32_0 : i32, i32
  }
  func.func @transform_3(%arg0: i32) -> (i32, i32) {
    %c0_i32 = arith.constant 0 : i32
    %c0_i32_0 = arith.constant 0 : i32
    %c0_i32_1 = arith.constant 0 : i32
    return %c0_i32, %c0_i32_0 : i32, i32
  }
  func.func @transform_4(%arg0: i32) -> (i32, i32) {
    %c0_i32 = arith.constant 0 : i32
    %c0_i32_0 = arith.constant 0 : i32
    %c0_i32_1 = arith.constant 0 : i32
    return %c0_i32, %c0_i32_0 : i32, i32
  }
  func.func @transform_5(%arg0: i32) -> (i32, i32) {
    %c0_i32 = arith.constant 0 : i32
    %c0_i32_0 = arith.constant 0 : i32
    %c0_i32_1 = arith.constant 0 : i32
    return %c0_i32, %c0_i32_0 : i32, i32
  }
  func.func @transform_6(%arg0: i32) -> (i32, i32) {
    %c0_i32 = arith.constant 0 : i32
    %c0_i32_0 = arith.constant 0 : i32
    %c0_i32_1 = arith.constant 0 : i32
    return %c0_i32, %c0_i32_0 : i32, i32
  }
  func.func @transform_7(%arg0: i32) -> (i32, i32) {
    %c0_i32 = arith.constant 0 : i32
    %c0_i32_0 = arith.constant 0 : i32
    %c0_i32_1 = arith.constant 0 : i32
    return %c0_i32, %c0_i32_0 : i32, i32
  }
  func.func @transform_8(%arg0: i32) -> (i32, i32) {
    %c0_i32 = arith.constant 0 : i32
    %c0_i32_0 = arith.constant 0 : i32
    return %arg0, %c0_i32 : i32, i32
  }
}

</mosaic_0001>

<sc_bundles>
// kernel: kernel.12.cloned.1.call-start
scs
__scs_entry_jumppad:
0x0: {  	(pc) =	sbr.rel $0x88, $3  }
0x1: {  	(tag) =	ssettag $0x0;
	lr =	simm.s32 $0x1  }
0x2: {  	[smem:$0x3F93] =	sst lr;
	_ =	strace $0xD0000000  }
0x3: {  	_ = 	snop  }
0x4: {  	_ = 	snop  }
0x5: {  	_ = 	snop  }
0x6: {  	_ = 	snop  }
0x7: {  	_ = 	snop  }
__scs_overlays_trampoline_lowered:
0x8: {  	[smem:$0x3FA2] =	sst s0  }
0x9: {  	[smem:$0x3FA3] =	sst s1  }
0xa: {  	[smem:$0x3FA4] =	sst s2  }
0xb: {  	[smem:$0x3FA5] =	sst s3  }
0xc: {  	[smem:$0x3FA6] =	sst s4  }
0xd: {  	[smem:$0x3FA7] =	sst s5  }
0xe: {  	[smem:$0x3FA8] =	sst s6  }
0xf: {  	[smem:$0x3FA9] =	sst s7  }
0x10: {  	[smem:$0x3FAA] =	sst s8  }
0x11: {  	[smem:$0x3FAB] =	sst s9;
	s0 =	simm.s32 @!p0 $0x0  }
0x12: {  	s1 =	sld [smem:$0x3F91];
	s0 =	simm.s32 @p0 $0x1  }
0x13: {  	[smem:$0x3FAC] =	sst s0;
	s0 =	simm.s32 @!p1 $0x0  }
0x14: {  	s2 =	sld [smem:$0x3F90];
	s0 =	simm.s32 @p1 $0x1  }
0x15: {  	[smem:$0x3FAD] =	sst s0;
	s0 =	simm.s32 @!p2 $0x0  }
0x16: {  	s3 =	sld [smem:$0x3FDB];
	s0 =	simm.s32 @p2 $0x1  }
0x17: {  	s4 =	simm.s32 $0x1BF5;
	[smem:$0x3FAF] =	sst s0  }
0x18: {  	s0 =	sld [smem:$0x3F92];
	_ =	swait.ge [sflag:s4], $0x0  }
0x19: {  	s7 =	sld [smem:$0x3F93]  }
0x1a: {  	s8 =	sadd.s32 $0xFFFFE003, lr  }
0x1b: {  	s9 =	sadd.s32 $0xFFFFFEF7, lr;
	s5 =	simm.s32 $0xFFFFFFFF;
	p2 =	slt.u32 s8, $0xFFFFF086  }
0x1c: {  	p1 =	slt.u32 s9, $0xF7A;
	s5 =	simm.s32 @!p2 $0x0  }
0x1d: {  	s5 =	simm.s32 @p1 $0x1;
	p0 =	seq.s32 s7, s2  }
0x1e: {  	s7 =	smul.u32 @!p0 $0xF7A, s2;
	p2 =	seq.s32 @!p0 s5, $0x0  }
0x1f: {  	s9 =	smul.u32 $0xF7A, s1;
	s8 =	simm.s32 @!p0 $0x1BF5;
	p2 =	por !p2, p0  }
0x20: {  	[sflag:s8] =	ssyncset.s32 @!p0 $0xFFFFF086;
	s6 =	sadd.s32 @!p0 s3, s7;
	s7 =	simm.s32 @!p0 $0x108  }
0x21: {  	s3 =	sadd.s32 s3, s9;
	s6 =	sadd.s32 @!p0 $0x88, s6;
	s7 =	simm.s32 @p2 $0x1082  }
0x22: {  	[simem:s7], [sflag:s8] =	dma.local @!p0 [hbm:s6], $0xF7A  }
0x23: {  	s9 =	sor.u32 $0xD0000000, s2;
	s6 =	simm.s32 $0x108;
	_ =	swait.ge @!p0 [sflag:s8], $0x0  }
0x24: {  	s3 =	sadd.s32 $0x88, s3;
	s6 =	simm.s32 @!p1 $0x1082;
	[sflag:s4] =	ssyncset.s32 $0xFFFFF086  }
0x25: {  	[simem:s6], [sflag:s4] =	dma.local [hbm:s3], $0xF7A  }
0x26: {  	[smem:$0x3F93] =	sst s1;
	(tag) =	ssettag s2;
	_ =	strace s9  }
0x27: {  	s1 =	sld [smem:$0x3FA3]  }
0x28: {  	s2 =	sld [smem:$0x3FA4]  }
0x29: {  	s4 =	sld [smem:$0x3FA6]  }
0x2a: {  	p0 =	seq.s32 s5, $0x0;
	s5 =	sld [smem:$0x3FA7]  }
0x2b: {  	s6 =	sld [smem:$0x3FA8]  }
0x2c: {  	s7 =	sld [smem:$0x3FA9]  }
0x2d: {  	s3 =	simm.s32 $0x108;
	s8 =	sld [smem:$0x3FAA]  }
0x2e: {  	s3 =	simm.s32 @!p0 $0x1082;
	s9 =	sld [smem:$0x3FAB]  }
0x2f: {  	lr =	sadd.s32 s0, s3;
	s0 =	sld [smem:$0x3FA2]  }
0x30: {  	s3 =	sld [smem:$0x3FA5]  }
0x31: {  	[smem:$0x3FAE] =	sst s10  }
0x32: {  	s10 =	sld [smem:$0x3FAC];
	_ =	sdelay $0x3  }
0x33: {  	p0 =	seq.s32 s10, $0x1;
	s10 =	sld [smem:$0x3FAE];
	_ =	sdelay $0x3  }
0x34: {  	[smem:$0x3FAE] =	sst s10  }
0x35: {  	s10 =	sld [smem:$0x3FAD];
	_ =	sdelay $0x3  }
0x36: {  	p1 =	seq.s32 s10, $0x1;
	s10 =	sld [smem:$0x3FAE];
	_ =	sdelay $0x3  }
0x37: {  	[smem:$0x3FAE] =	sst s10  }
0x38: {  	s10 =	sld [smem:$0x3FAF]  }
0x39: {  	_ = 	snop;
	(pc) =	sbr.ind lr, $3  }
0x3a: {  	_ = 	snop  }
0x3b: {  	_ = 	snop  }
0x3c: {  	p2 =	seq.s32 s10, $0x1;
	s10 =	sld [smem:$0x3FAE]  }
0x3d: {  	_ =	shalt  }
0x3e: {  	_ =	shalt  }
0x3f: {  	_ =	shalt  }
0x40: {  	_ =	shalt  }
0x41: {  	_ =	shalt  }
0x42: {  	_ =	shalt  }
0x43: {  	_ =	shalt  }
0x44: {  	_ =	shalt  }
0x45: {  	_ =	shalt  }
0x46: {  	_ =	shalt  }
0x47: {  	_ =	shalt  }
0x48: {  	_ =	shalt  }
0x49: {  	_ =	shalt  }
0x4a: {  	_ =	shalt  }
0x4b: {  	_ =	shalt  }
0x4c: {  	_ =	shalt  }
0x4d: {  	_ =	shalt  }
0x4e: {  	_ =	shalt  }
0x4f: {  	_ =	shalt  }
0x50: {  	_ =	shalt  }
0x51: {  	_ =	shalt  }
0x52: {  	_ =	shalt  }
0x53: {  	_ =	shalt  }
0x54: {  	_ =	shalt  }
0x55: {  	_ =	shalt  }
0x56: {  	_ =	shalt  }
0x57: {  	_ =	shalt  }
0x58: {  	_ =	shalt  }
0x59: {  	_ =	shalt  }
0x5a: {  	_ =	shalt  }
0x5b: {  	_ =	shalt  }
0x5c: {  	_ =	shalt  }
0x5d: {  	_ =	shalt  }
0x5e: {  	_ =	shalt  }
0x5f: {  	_ =	shalt  }
0x60: {  	_ =	shalt  }
0x61: {  	_ =	shalt  }
0x62: {  	_ =	shalt  }
0x63: {  	_ =	shalt  }
0x64: {  	_ =	shalt  }
0x65: {  	_ =	shalt  }
0x66: {  	_ =	shalt  }
0x67: {  	_ =	shalt  }
0x68: {  	_ =	shalt  }
0x69: {  	_ =	shalt  }
0x6a: {  	_ =	shalt  }
0x6b: {  	_ =	shalt  }
0x6c: {  	_ =	shalt  }
0x6d: {  	_ =	shalt  }
0x6e: {  	_ =	shalt  }
0x6f: {  	_ =	shalt  }
0x70: {  	_ =	shalt  }
0x71: {  	_ =	shalt  }
0x72: {  	_ =	shalt  }
0x73: {  	_ =	shalt  }
0x74: {  	_ =	shalt  }
0x75: {  	_ =	shalt  }
0x76: {  	_ =	shalt  }
0x77: {  	_ =	shalt  }
0x78: {  	_ =	shalt  }
0x79: {  	_ =	shalt  }
0x7a: {  	_ =	shalt  }
0x7b: {  	_ =	shalt  }
0x7c: {  	_ =	shalt  }
0x7d: {  	_ =	shalt  }
0x7e: {  	_ =	shalt  }
0x7f: {  	_ =	shalt  }
0x80: {  	_ =	shalt  }
0x81: {  	_ =	shalt  }
0x82: {  	_ =	shalt  }
0x83: {  	_ =	shalt  }
0x84: {  	_ =	shalt  }
0x85: {  	_ =	shalt  }
0x86: {  	_ =	shalt  }
0x87: {  	_ =	shalt  }
.Lfunc_end0:
.L_simem_size_0:
called_computation_lowered:
.L_overlay_start_0:
0x88: {  	s2 =	sld [smem:$0x3FD9]  }
0x89: {  	s3 =	sld [smem:$0x3FFE];
	_ =	sdelay $0x1  }
0x8a: {  	s1 =	srdreg.scid  }
0x8b: {  	s0 =	sand.u32 $0x1, s1  }
0x8c: {  	s17 =	sshll.u32 s0, $0xA;
	s2 =	sadd.s32 s3, s2  }
0x8d: {  	s2 =	sadd.s32 s2, s17  }
0x8e: {  	[smem:$0x3FBA] =	sst s2  }
0x8f: {  	_ = 	snop  }
0x90: {  	s2 =	sld [smem:$0x3FD0];
	(tm) =	ssettm $0x1  }
0x91: {  	s18 =	sld [smem:$0x3FFB];
	_ =	sdelay $0x3  }
0x92: {  	_ =	strace s18  }
0x93: {  	s3 =	sld [smem:$0x3FFC];
	_ =	sdelay $0x3  }
0x94: {  	_ =	strace s3  }
0x95: {  	s3 =	sld [smem:$0x3FFD];
	_ =	sdelay $0x3  }
0x96: {  	_ =	strace s3  }
0x97: {  	_ =	strace $0x8FFFFFFF  }
0x98: {  	s19 =	sld [smem:$0x3FDB];
	_ =	sdelay $0x1  }
0x99: {  	s4 =	simm.s32 $_scs_section_size  }
0x9a: {  	s5 =	simm.s32 $_size__tile_overlayer_lowered;
	s6 =	simm.s32 $_tile_overlayer_lowered  }
0x9b: {  	s22 =	simm.s32 $0x1BFF;
	s21 =	sshll.u32 s6, $0x1;
	s3 =	sadd.s32 s4, s19  }
0x9c: {  	s7 =	simm.s32 $0x0;
	s20 =	sshll.u32 s5, $0x1;
	s5 =	sadd.s32 s21, s3  }
0x9d: {  	[timem:s7], [sflag:s22] =	dma.local [hbm:s5], s20  }
0x9e: {  	_ =	swait.ge [sflag:s22], s20  }
0x9f: {  	s4 =	ssub.s32 $0x0, s20;
	[sflag:s22] =	ssyncset.done $0x0  }
0xa0: {  	[sflag:s22] =	ssyncadd.s32 s4;
	_ =	sdelay $0x1  }
0xa1: {  	s23 =	simm.s32 $0x1B8B  }
0xa2: {  	_ =	swait.ge [sflag:s23], $0x1  }
0xa3: {  	[sflag:s23] =	ssyncset.done $0x0  }
0xa4: {  	s25 =	simm.s32 $0x1B8E;
	s24 =	sld [smem:$0x3FFE];
	[sflag:s23] =	ssyncadd.s32 $0xFFFFFFFF  }
0xa5: {  	s26 =	simm.s32 $execute0_lowered;
	[smem:$0x3FD2] =	sst s25  }
0xa6: {  	s5 =	sshll.u32 s26, $0x1;
	_ =	strace $0x80000046;
	[dreg:$0x1] =	wrdreg $0xFFFFFFFF  }
0xa7: {  	s28 =	simm.s32 $_size_execute0_lowered;
	s3 =	sadd.s32 s3, s5;
	[dreg:$0x0] =	wrdreg $0x0  }
0xa8: {  	s5 =	sshll.u32 s28, $0x1;
	[dreg:$0x2] =	wrdreg s3  }
0xa9: {  	[dreg:$0x3] =	wrdreg s5  }
0xaa: {  	[dreg:$0x4] =	wrdreg $0xC0  }
0xab: {  	_ =	task [dreg:s7], $0x5FFFF  }
0xac: {  	[dreg:$0x1] =	wrdreg $0xFFFFFFFF  }
0xad: {  	[dreg:$0x0] =	wrdreg $0x60  }
0xae: {  	[dreg:$0x2] =	wrdreg s2  }
0xaf: {  	[dreg:$0x3] =	wrdreg s24  }
0xb0: {  	[dreg:$0x4] =	wrdreg $0x68000  }
0xb1: {  	[dreg:$0x5] =	wrdreg $0x9  }
0xb2: {  	_ =	task.clear_ibuf [dreg:s7], $0x6FFFF;
	_ =	strace $0x90000046  }
0xb3: {  	s29 =	simm.s32 $0x9;
	_ =	strace $0x80000048  }
0xb4: {  	_ =	swait.ge [sflag:s29], $0x1  }
0xb5: {  	[sflag:s29] =	ssyncadd.s32 $0xFFFFFFFF  }
0xb6: {  	_ =	strace $0x90000048  }
0xb7: {  	_ =	sfence  }
0xb8: {  	s30 =	sld [smem:$0x0];
	_ =	sdelay $0x2  }
0xb9: {  	s31 =	sshll.u32 s1, $0xD;
	s1 =	sshrl.u32 s1, $0x2  }
0xba: {  	s3 =	sand.u32 $0x4000, s31;
	s1 =	sadd.s32 s1, s30  }
0xbb: {  	s0 =	sor.u32 s3, s0;
	s1 =	sshll.u32 s1, $0x11  }
0xbc: {  	s0 =	sor.u32 s1, s0  }
0xbd: {  	s0 =	sadd.s32 $0x8F2B, s0  }
0xbe: {  	[sflag:s0] =	ssyncadd.remote.s32 $0x1  }
0xbf: {  	_ =	sfence.sel $0xFFFF  }
0xc0: {  	[dreg:$0x0] =	wrdreg $0xFFFFFFFF;
	(pc) =	sbr.abs _section_cstart, $3  }
0xc1: {  	[dreg:$0x1] =	wrdreg $0xFFFFFFFF  }
0xc2: {  	_ =	task.clear_ibuf [dreg:s7], $0x2FFFF;
	_ =	strace $0x9FFFFFFF  }
0xc3: {  	(tm) =	ssettm $0x7FFFFFFF  }
tec
execute0_lowered:
.L_overlay_start_1:
0x0: {  	(tag) =	ssettag $0x1  }
0x1: {  	s5 =	rddreg [dreg:$0x0]  }
0x2: {  	s6 =	rddreg [dreg:$0x1];
	s0 =	srdreg.scid  }
0x3: {  	s2 =	rddreg [dreg:$0x2];
	s1 =	stileid.u32  }
0x4: {  	s3 =	simm.s32 $0x0;
	s13 =	simm.s32 $0x80;
	s14 =	simm.s32 $0x1  }
0x5: {  	s15 =	simm.s32 $0x2;
	s16 =	simm.s32 $0x3;
	s17 =	simm.s32 $0x4  }
0x6: {  	s7 =	sand.u32 $0x1, s0;
	s0 =	rddreg [dreg:$0x3];
	s9 =	smul.u32 $0x14000, s1  }
0x7: {  	s18 =	simm.s32 $0x0;
	[smem:$0x7FF] =	sst s3;
	s12 =	smul.u32 $0x50000, s1  }
0x8: {  	s4 =	sadd.s32 $0x2B800, s6;
	s30 =	smul.u32 $0x2800, s1;
	s31 =	sshll.u32 s1, $0x6  }
0x9: {  	s8 =	smul.u32 $0x140000, s7;
	_ =	strace $0x80000047;
	s10 =	sshll.u32 s7, $0x4  }
0xa: {  	s11 =	ssub.s32 $0x2, s7;
	p0 =	seq.s32 s7, $0x0;
	s10 =	sor.u32 s1, s10  }
0xb: {  	s26 =	sshrl.u32 s11, $0x1;
	s28 =	sshrl.u32 s12, $0x2;
	s12 =	simm.s32 $0x2800  }
0xc: {  	s8 =	sadd.s32 s9, s8;
	s9 =	sadd.s32 $0x3800, s6;
	s10 =	smul.u32 $0x500, s10  }
0xd: {  	s29 =	sadd.s32 s28, s2;
	s8 =	sshrl.u32 s8, $0x3;
	s9 =	smov.u32 @p0 s4  }
0xe: {  	s6 =	sadd.s32 s8, s6;
	s8 =	ssub.s32 s11, s26;
	s5 =	sadd.s32 s5, s10  }
0xf: {  	s10 =	sshrl.u32 s29, $0x3;
	s11 =	simm.s32 $0x5;
	s6 =	sadd.s32 $0x53800, s6  }
0x10: {  	s7 =	smax.u32 s8, $0x1;
	s8 =	sadd.s32 s9, s30;
	s9 =	sor.u32 $0x1C05, s31  }
.LBB2_1:
0x11: {  	[spmem:s10], [sflag:s9] =	dma.local [hbm:s8], $0x2800  }
0x12: {  	_ =	swait.ge [sflag:s11], $0x2800  }
0x13: {  	[sflag:s11] =	ssyncset.done $0x0  }
0x14: {  	[sflag:s11] =	ssyncadd.s32 $0xFFFFD800  }
0x15: {  	[tilespmem:s12], [sflag:$0x5] =	stream.linear.gather [hbm4b:s4+s3], $0x4000, $0x38;
	[tilespmem:$0x1A800] =	vst v63  }
0x16: {  	_ =	swait.ge [sflag:s11], $0x4000  }
0x17: {  	[sflag:s11] =	ssyncset.done $0x0  }
0x18: {  	[sflag:s11] =	ssyncadd.s32 $0xFFFFC000  }
0x19: {  	[tilespmem:s3], [sflag:$0x5] =	stream.linear.gather [hbm4b:s5+s3], $0x2800, $0x38;
	[tilespmem:$0x1A800] =	vst v63  }
0x1a: {  	_ =	swait.ge [sflag:s11], $0x2800  }
0x1b: {  	[sflag:s11] =	ssyncset.done $0x0  }
0x1c: {  	[sflag:s11] =	ssyncadd.s32 $0xFFFFD800  }
0x1d: {  	s19 =	simm.s32 $0x0;
	[bflag:$0x0] =	sbarrier.arrive $0xFFFF  }
0x1e: {  	[spmem:s2] =	stream.indirect.scatter.add.f32 [tilespmem:s12], [sflag:$0x1], $0x80, s19, s13, $0xb8;
	[tilespmem:$0x1A800] =	vst v63  }
0x1f: {  	s29 =	simm.s32 $0x80  }
0x20: {  	[spmem:s2] =	stream.indirect.scatter.add.f32 [tilespmem:s12], [sflag:$0x2], $0x80, s29, s13, $0xb8;
	[tilespmem:$0x1A800] =	vst v63  }
0x21: {  	s30 =	simm.s32 $0x100  }
0x22: {  	[spmem:s2] =	stream.indirect.scatter.add.f32 [tilespmem:s12], [sflag:$0x3], $0x80, s30, s13, $0xb8;
	[tilespmem:$0x1A800] =	vst v63  }
0x23: {  	s31 =	simm.s32 $0x180  }
0x24: {  	[spmem:s2] =	stream.indirect.scatter.add.f32 [tilespmem:s12], [sflag:$0x4], $0x80, s31, s13, $0xb8;
	[tilespmem:$0x1A800] =	vst v63  }
0x25: {  	_ =	swait.ge [sflag:s14], $0x4000  }
0x26: {  	[sflag:s14] =	ssyncset.done $0x0  }
0x27: {  	[sflag:s14] =	ssyncadd.s32 $0xFFFFC000  }
0x28: {  	_ =	swait.ge [sflag:s15], $0x4000  }
0x29: {  	[sflag:s15] =	ssyncset.done $0x0  }
0x2a: {  	[sflag:s15] =	ssyncadd.s32 $0xFFFFC000  }
0x2b: {  	_ =	swait.ge [sflag:s16], $0x4000  }
0x2c: {  	[sflag:s16] =	ssyncset.done $0x0  }
0x2d: {  	[sflag:s16] =	ssyncadd.s32 $0xFFFFC000  }
0x2e: {  	_ =	swait.ge [sflag:s17], $0x4000  }
0x2f: {  	s20 =	simm.s32 $0x1000;
	s19 =	simm.s32 $0x800;
	[sflag:s17] =	ssyncset.done $0x0  }
.LBB2_2:
0x30: {  	s21 =	sshra.s32 s19, $0x2  }
0x31: {  	[sflag:s17] =	ssyncadd.s32 $0xFFFFC000;
	s19 =	smov.u32 s20;
	s22 =	sadd.s32 $0x800, s20  }
0x32: {  	[spmem:s2] =	stream.indirect.scatter.add.f32 [tilespmem:s12], [sflag:$0x1], $0x80, s21, s13, $0xb8;
	[tilespmem:$0x1A800] =	vst v63  }
0x33: {  	p0 =	sne.s32 s20, $0x9800;
	s20 =	sadd.s32 $0x80, s21  }
0x34: {  	[spmem:s2] =	stream.indirect.scatter.add.f32 [tilespmem:s12], [sflag:$0x2], $0x80, s20, s13, $0xb8;
	[tilespmem:$0x1A800] =	vst v63  }
0x35: {  	s20 =	sadd.s32 $0x100, s21  }
0x36: {  	[spmem:s2] =	stream.indirect.scatter.add.f32 [tilespmem:s12], [sflag:$0x3], $0x80, s20, s13, $0xb8;
	[tilespmem:$0x1A800] =	vst v63  }
0x37: {  	s20 =	sadd.s32 $0x180, s21  }
0x38: {  	[spmem:s2] =	stream.indirect.scatter.add.f32 [tilespmem:s12], [sflag:$0x4], $0x80, s20, s13, $0xb8;
	[tilespmem:$0x1A800] =	vst v63  }
0x39: {  	_ =	swait.ge [sflag:s14], $0x4000  }
0x3a: {  	[sflag:s14] =	ssyncset.done $0x0  }
0x3b: {  	[sflag:s14] =	ssyncadd.s32 $0xFFFFC000  }
0x3c: {  	_ =	swait.ge [sflag:s15], $0x4000  }
0x3d: {  	[sflag:s15] =	ssyncset.done $0x0  }
0x3e: {  	[sflag:s15] =	ssyncadd.s32 $0xFFFFC000  }
.Ltmp0:
0x3f: {  	_ =	swait.ge [sflag:s16], $0x4000;
	(pc) =	sbr.rel @p0 .LBB2_2-.Ltmp0, $4  }
0x40: {  	[sflag:s16] =	ssyncset.done $0x0  }
0x41: {  	[sflag:s16] =	ssyncadd.s32 $0xFFFFC000  }
0x42: {  	_ =	swait.ge [sflag:s17], $0x4000  }
0x43: {  	s20 =	smov.u32 s22;
	[sflag:s17] =	ssyncset.done $0x0  }
0x44: {  	s19 =	sshra.s32 s19, $0x2;
	[sflag:s17] =	ssyncadd.s32 $0xFFFFC000  }
0x45: {  	[spmem:s2] =	stream.indirect.scatter.add.f32 [tilespmem:s12], [sflag:$0x1], $0x80, s19, s13, $0xb8;
	[tilespmem:$0x1A800] =	vst v63  }
0x46: {  	s20 =	sadd.s32 $0x80, s19  }
0x47: {  	[spmem:s2] =	stream.indirect.scatter.add.f32 [tilespmem:s12], [sflag:$0x2], $0x80, s20, s13, $0xb8;
	[tilespmem:$0x1A800] =	vst v63  }
0x48: {  	s31 =	sadd.s32 $0x100, s19  }
0x49: {  	[spmem:s2] =	stream.indirect.scatter.add.f32 [tilespmem:s12], [sflag:$0x3], $0x80, s31, s13, $0xb8;
	[tilespmem:$0x1A800] =	vst v63  }
0x4a: {  	s19 =	sadd.s32 $0x180, s19  }
0x4b: {  	[spmem:s2] =	stream.indirect.scatter.add.f32 [tilespmem:s12], [sflag:$0x4], $0x80, s19, s13, $0xb8;
	[tilespmem:$0x1A800] =	vst v63  }
0x4c: {  	_ =	swait.ge [sflag:s14], $0x4000  }
0x4d: {  	[sflag:s14] =	ssyncset.done $0x0  }
0x4e: {  	[sflag:s14] =	ssyncadd.s32 $0xFFFFC000  }
0x4f: {  	_ =	swait.ge [sflag:s15], $0x4000  }
0x50: {  	[sflag:s15] =	ssyncset.done $0x0  }
0x51: {  	[sflag:s15] =	ssyncadd.s32 $0xFFFFC000  }
0x52: {  	_ =	swait.ge [sflag:s16], $0x4000  }
0x53: {  	[sflag:s16] =	ssyncset.done $0x0  }
0x54: {  	[sflag:s16] =	ssyncadd.s32 $0xFFFFC000  }
0x55: {  	_ =	swait.ge [sflag:s17], $0x4000  }
0x56: {  	s18 =	sadd.s32 $0x1, s18;
	[sflag:s17] =	ssyncset.done $0x0  }
0x57: {  	p0 =	sne.s32 s18, s7;
	[sflag:s17] =	ssyncadd.s32 $0xFFFFC000  }
.Ltmp1:
0x58: {  	[bflag:$0x0] =	sbarrier.arrive $0xFFFF;
	(pc) =	sbr.rel @p0 .LBB2_1-.Ltmp1, $4  }
0x59: {  	[hbm:s6], [sflag:s9] =	dma.local [spmem:s10], $0x2800  }
0x5a: {  	_ =	swait.ge [sflag:s11], $0x2800  }
0x5b: {  	[sflag:s11] =	ssyncset.done $0x0  }
0x5c: {  	[sflag:s11] =	ssyncadd.s32 $0xFFFFD800  }
0x5d: {  	_ =	sfence.sel $0x180000  }
0x5e: {  	[bflag:$0x0] =	sbarrier.arrive $0xFFFF  }
0x5f: {  	p0 =	sne.s32 s1, $0x0;
	_ =	strace $0x90000047  }
0x60: {  	s0 =	sadd.s32 @!p0 $0x100000, s0;
	[bflag:$0x2] =	sbarrier.arrive $0xFFFF  }
0x61: {  	[sflag:s0] =	ssyncadd.tile.s32 @!p0 $0x1;
	_ =	shalt  }
.Lfunc_end2:
_tile_overlayer_lowered:
.L_overlay_start_2:
0x62: {  	(tag) =	ssettag $0x2  }
0x63: {  	s0 =	rddreg [dreg:$0x0];
	s2 =	stileid.u32  }
0x64: {  	s1 =	rddreg [dreg:$0x1];
	p0 =	sne.s32 s2, $0x0  }
0x65: {  	s3 =	rddreg [dreg:$0x2];
	[bflag:$0x3] =	sbarrier.arrive $0xFFFF;
	s2 =	simm.s32 @!p0 $0x1C05  }
0x66: {  	[timem:s3], [sflag:s2] =	dma.local @!p0 [hbm:s0], s1  }
0x67: {  	s0 =	simm.s32 @!p0 $0x5  }
0x68: {  	_ =	swait.ge @!p0 [sflag:s0], s1  }
0x69: {  	s1 =	ssub.s32 @!p0 $0x0, s1;
	[sflag:s0] =	ssyncset.done @!p0 $0x0  }
0x6a: {  	[sflag:s0] =	ssyncadd.s32 @!p0 s1  }
0x6b: {  	[bflag:$0x3] =	sbarrier.arrive $0xFFFF  }
0x6c: {  	_ =	shalt  }

// kernel: kernel.15.cloned.1.call-start
scs
__scs_entry_jumppad:
0x0: {  	(pc) =	sbr.rel $0x88, $3  }
0x1: {  	(tag) =	ssettag $0x0;
	lr =	simm.s32 $0x1  }
0x2: {  	[smem:$0x3F93] =	sst lr;
	_ =	strace $0xD0000000  }
0x3: {  	_ = 	snop  }
0x4: {  	_ = 	snop  }
0x5: {  	_ = 	snop  }
0x6: {  	_ = 	snop  }
0x7: {  	_ = 	snop  }
__scs_overlays_trampoline_lowered:
0x8: {  	[smem:$0x3FA2] =	sst s0  }
0x9: {  	[smem:$0x3FA3] =	sst s1  }
0xa: {  	[smem:$0x3FA4] =	sst s2  }
0xb: {  	[smem:$0x3FA5] =	sst s3  }
0xc: {  	[smem:$0x3FA6] =	sst s4  }
0xd: {  	[smem:$0x3FA7] =	sst s5  }
0xe: {  	[smem:$0x3FA8] =	sst s6  }
0xf: {  	[smem:$0x3FA9] =	sst s7  }
0x10: {  	[smem:$0x3FAA] =	sst s8  }
0x11: {  	[smem:$0x3FAB] =	sst s9;
	s0 =	simm.s32 @!p0 $0x0  }
0x12: {  	s1 =	sld [smem:$0x3F91];
	s0 =	simm.s32 @p0 $0x1  }
0x13: {  	[smem:$0x3FAC] =	sst s0;
	s0 =	simm.s32 @!p1 $0x0  }
0x14: {  	s2 =	sld [smem:$0x3F90];
	s0 =	simm.s32 @p1 $0x1  }
0x15: {  	[smem:$0x3FAD] =	sst s0;
	s0 =	simm.s32 @!p2 $0x0  }
0x16: {  	s3 =	sld [smem:$0x3FDB];
	s0 =	simm.s32 @p2 $0x1  }
0x17: {  	s4 =	simm.s32 $0x1BF5;
	[smem:$0x3FAF] =	sst s0  }
0x18: {  	s0 =	sld [smem:$0x3F92];
	_ =	swait.ge [sflag:s4], $0x0  }
0x19: {  	s7 =	sld [smem:$0x3F93]  }
0x1a: {  	s8 =	sadd.s32 $0xFFFFE003, lr  }
0x1b: {  	s9 =	sadd.s32 $0xFFFFFEF7, lr;
	s5 =	simm.s32 $0xFFFFFFFF;
	p2 =	slt.u32 s8, $0xFFFFF086  }
0x1c: {  	p1 =	slt.u32 s9, $0xF7A;
	s5 =	simm.s32 @!p2 $0x0  }
0x1d: {  	s5 =	simm.s32 @p1 $0x1;
	p0 =	seq.s32 s7, s2  }
0x1e: {  	s7 =	smul.u32 @!p0 $0xF7A, s2;
	p2 =	seq.s32 @!p0 s5, $0x0  }
0x1f: {  	s9 =	smul.u32 $0xF7A, s1;
	s8 =	simm.s32 @!p0 $0x1BF5;
	p2 =	por !p2, p0  }
0x20: {  	[sflag:s8] =	ssyncset.s32 @!p0 $0xFFFFF086;
	s6 =	sadd.s32 @!p0 s3, s7;
	s7 =	simm.s32 @!p0 $0x108  }
0x21: {  	s3 =	sadd.s32 s3, s9;
	s6 =	sadd.s32 @!p0 $0x88, s6;
	s7 =	simm.s32 @p2 $0x1082  }
0x22: {  	[simem:s7], [sflag:s8] =	dma.local @!p0 [hbm:s6], $0xF7A  }
0x23: {  	s9 =	sor.u32 $0xD0000000, s2;
	s6 =	simm.s32 $0x108;
	_ =	swait.ge @!p0 [sflag:s8], $0x0  }
0x24: {  	s3 =	sadd.s32 $0x88, s3;
	s6 =	simm.s32 @!p1 $0x1082;
	[sflag:s4] =	ssyncset.s32 $0xFFFFF086  }
0x25: {  	[simem:s6], [sflag:s4] =	dma.local [hbm:s3], $0xF7A  }
0x26: {  	[smem:$0x3F93] =	sst s1;
	(tag) =	ssettag s2;
	_ =	strace s9  }
0x27: {  	s1 =	sld [smem:$0x3FA3]  }
0x28: {  	s2 =	sld [smem:$0x3FA4]  }
0x29: {  	s4 =	sld [smem:$0x3FA6]  }
0x2a: {  	p0 =	seq.s32 s5, $0x0;
	s5 =	sld [smem:$0x3FA7]  }
0x2b: {  	s6 =	sld [smem:$0x3FA8]  }
0x2c: {  	s7 =	sld [smem:$0x3FA9]  }
0x2d: {  	s3 =	simm.s32 $0x108;
	s8 =	sld [smem:$0x3FAA]  }
0x2e: {  	s3 =	simm.s32 @!p0 $0x1082;
	s9 =	sld [smem:$0x3FAB]  }
0x2f: {  	lr =	sadd.s32 s0, s3;
	s0 =	sld [smem:$0x3FA2]  }
0x30: {  	s3 =	sld [smem:$0x3FA5]  }
0x31: {  	[smem:$0x3FAE] =	sst s10  }
0x32: {  	s10 =	sld [smem:$0x3FAC];
	_ =	sdelay $0x3  }
0x33: {  	p0 =	seq.s32 s10, $0x1;
	s10 =	sld [smem:$0x3FAE];
	_ =	sdelay $0x3  }
0x34: {  	[smem:$0x3FAE] =	sst s10  }
0x35: {  	s10 =	sld [smem:$0x3FAD];
	_ =	sdelay $0x3  }
0x36: {  	p1 =	seq.s32 s10, $0x1;
	s10 =	sld [smem:$0x3FAE];
	_ =	sdelay $0x3  }
0x37: {  	[smem:$0x3FAE] =	sst s10  }
0x38: {  	s10 =	sld [smem:$0x3FAF]  }
0x39: {  	_ = 	snop;
	(pc) =	sbr.ind lr, $3  }
0x3a: {  	_ = 	snop  }
0x3b: {  	_ = 	snop  }
0x3c: {  	p2 =	seq.s32 s10, $0x1;
	s10 =	sld [smem:$0x3FAE]  }
0x3d: {  	_ =	shalt  }
0x3e: {  	_ =	shalt  }
0x3f: {  	_ =	shalt  }
0x40: {  	_ =	shalt  }
0x41: {  	_ =	shalt  }
0x42: {  	_ =	shalt  }
0x43: {  	_ =	shalt  }
0x44: {  	_ =	shalt  }
0x45: {  	_ =	shalt  }
0x46: {  	_ =	shalt  }
0x47: {  	_ =	shalt  }
0x48: {  	_ =	shalt  }
0x49: {  	_ =	shalt  }
0x4a: {  	_ =	shalt  }
0x4b: {  	_ =	shalt  }
0x4c: {  	_ =	shalt  }
0x4d: {  	_ =	shalt  }
0x4e: {  	_ =	shalt  }
0x4f: {  	_ =	shalt  }
0x50: {  	_ =	shalt  }
0x51: {  	_ =	shalt  }
0x52: {  	_ =	shalt  }
0x53: {  	_ =	shalt  }
0x54: {  	_ =	shalt  }
0x55: {  	_ =	shalt  }
0x56: {  	_ =	shalt  }
0x57: {  	_ =	shalt  }
0x58: {  	_ =	shalt  }
0x59: {  	_ =	shalt  }
0x5a: {  	_ =	shalt  }
0x5b: {  	_ =	shalt  }
0x5c: {  	_ =	shalt  }
0x5d: {  	_ =	shalt  }
0x5e: {  	_ =	shalt  }
0x5f: {  	_ =	shalt  }
0x60: {  	_ =	shalt  }
0x61: {  	_ =	shalt  }
0x62: {  	_ =	shalt  }
0x63: {  	_ =	shalt  }
0x64: {  	_ =	shalt  }
0x65: {  	_ =	shalt  }
0x66: {  	_ =	shalt  }
0x67: {  	_ =	shalt  }
0x68: {  	_ =	shalt  }
0x69: {  	_ =	shalt  }
0x6a: {  	_ =	shalt  }
0x6b: {  	_ =	shalt  }
0x6c: {  	_ =	shalt  }
0x6d: {  	_ =	shalt  }
0x6e: {  	_ =	shalt  }
0x6f: {  	_ =	shalt  }
0x70: {  	_ =	shalt  }
0x71: {  	_ =	shalt  }
0x72: {  	_ =	shalt  }
0x73: {  	_ =	shalt  }
0x74: {  	_ =	shalt  }
0x75: {  	_ =	shalt  }
0x76: {  	_ =	shalt  }
0x77: {  	_ =	shalt  }
0x78: {  	_ =	shalt  }
0x79: {  	_ =	shalt  }
0x7a: {  	_ =	shalt  }
0x7b: {  	_ =	shalt  }
0x7c: {  	_ =	shalt  }
0x7d: {  	_ =	shalt  }
0x7e: {  	_ =	shalt  }
0x7f: {  	_ =	shalt  }
0x80: {  	_ =	shalt  }
0x81: {  	_ =	shalt  }
0x82: {  	_ =	shalt  }
0x83: {  	_ =	shalt  }
0x84: {  	_ =	shalt  }
0x85: {  	_ =	shalt  }
0x86: {  	_ =	shalt  }
0x87: {  	_ =	shalt  }
.Lfunc_end0:
.L_simem_size_0:
called_computation.1_lowered:
.L_overlay_start_0:
0x88: {  	s2 =	sld [smem:$0x3FD9]  }
0x89: {  	s3 =	sld [smem:$0x3FFE];
	_ =	sdelay $0x1  }
0x8a: {  	s1 =	srdreg.scid  }
0x8b: {  	s0 =	sand.u32 $0x1, s1  }
0x8c: {  	s16 =	sshll.u32 s0, $0xA;
	s2 =	sadd.s32 s3, s2  }
0x8d: {  	s2 =	sadd.s32 s2, s16  }
0x8e: {  	[smem:$0x3FBA] =	sst s2  }
0x8f: {  	_ = 	snop  }
0x90: {  	(tm) =	ssettm $0x1  }
0x91: {  	s17 =	sld [smem:$0x3FFB];
	_ =	sdelay $0x3  }
0x92: {  	_ =	strace s17  }
0x93: {  	s2 =	sld [smem:$0x3FFC];
	_ =	sdelay $0x3  }
0x94: {  	_ =	strace s2  }
0x95: {  	s2 =	sld [smem:$0x3FFD];
	_ =	sdelay $0x3  }
0x96: {  	_ =	strace s2  }
0x97: {  	_ =	strace $0x8FFFFFFF  }
0x98: {  	s18 =	sld [smem:$0x3FDB];
	_ =	sdelay $0x1  }
0x99: {  	s19 =	simm.s32 $_scs_section_size  }
0x9a: {  	s4 =	simm.s32 $_size__tile_overlayer_lowered;
	s5 =	simm.s32 $_tile_overlayer_lowered  }
0x9b: {  	s22 =	simm.s32 $0x1BFF;
	s21 =	sshll.u32 s5, $0x1;
	s2 =	sadd.s32 s19, s18  }
0x9c: {  	s6 =	simm.s32 $0x0;
	s20 =	sshll.u32 s4, $0x1;
	s4 =	sadd.s32 s21, s2  }
0x9d: {  	[timem:s6], [sflag:s22] =	dma.local [hbm:s4], s20  }
0x9e: {  	_ =	swait.ge [sflag:s22], s20  }
0x9f: {  	s3 =	ssub.s32 $0x0, s20;
	[sflag:s22] =	ssyncset.done $0x0  }
0xa0: {  	[sflag:s22] =	ssyncadd.s32 s3;
	_ =	sdelay $0x1  }
0xa1: {  	s23 =	simm.s32 $0x1B8B  }
0xa2: {  	_ =	swait.ge [sflag:s23], $0x1  }
0xa3: {  	[sflag:s23] =	ssyncset.done $0x0  }
0xa4: {  	s25 =	simm.s32 $0x1B8E;
	s24 =	sld [smem:$0x3FFE];
	[sflag:s23] =	ssyncadd.s32 $0xFFFFFFFF  }
0xa5: {  	s26 =	simm.s32 $execute0_lowered;
	[smem:$0x3FD2] =	sst s25  }
0xa6: {  	s4 =	sshll.u32 s26, $0x1;
	_ =	strace $0x80000049;
	[dreg:$0x1] =	wrdreg $0xFFFFFFFF  }
0xa7: {  	s28 =	simm.s32 $_size_execute0_lowered;
	s2 =	sadd.s32 s2, s4;
	[dreg:$0x0] =	wrdreg $0x0  }
0xa8: {  	s4 =	sshll.u32 s28, $0x1;
	[dreg:$0x2] =	wrdreg s2  }
0xa9: {  	[dreg:$0x3] =	wrdreg s4  }
0xaa: {  	[dreg:$0x4] =	wrdreg $0xC0  }
0xab: {  	_ =	task [dreg:s6], $0x5FFFF  }
0xac: {  	[dreg:$0x1] =	wrdreg $0xFFFFFFFF  }
0xad: {  	[dreg:$0x0] =	wrdreg $0x60  }
0xae: {  	[dreg:$0x2] =	wrdreg s24  }
0xaf: {  	[dreg:$0x3] =	wrdreg $0x82000  }
0xb0: {  	[dreg:$0x4] =	wrdreg $0x9  }
0xb1: {  	_ =	task.clear_ibuf [dreg:s6], $0x5FFFF;
	_ =	strace $0x90000049  }
0xb2: {  	s29 =	simm.s32 $0x9;
	_ =	strace $0x8000004B  }
0xb3: {  	_ =	swait.ge [sflag:s29], $0x1  }
0xb4: {  	[sflag:s29] =	ssyncadd.s32 $0xFFFFFFFF  }
0xb5: {  	_ =	strace $0x9000004B  }
0xb6: {  	_ =	sfence  }
0xb7: {  	s30 =	sld [smem:$0x0];
	_ =	sdelay $0x2  }
0xb8: {  	s31 =	sshll.u32 s1, $0xD;
	s1 =	sshrl.u32 s1, $0x2  }
0xb9: {  	s3 =	sand.u32 $0x4000, s31;
	s1 =	sadd.s32 s1, s30  }
0xba: {  	s0 =	sor.u32 s3, s0;
	s1 =	sshll.u32 s1, $0x11  }
0xbb: {  	s0 =	sor.u32 s1, s0  }
0xbc: {  	s0 =	sadd.s32 $0x8F2B, s0  }
0xbd: {  	[sflag:s0] =	ssyncadd.remote.s32 $0x1  }
0xbe: {  	_ =	sfence.sel $0xFFFF  }
0xbf: {  	[dreg:$0x0] =	wrdreg $0xFFFFFFFF;
	(pc) =	sbr.abs _section_cstart, $3  }
0xc0: {  	[dreg:$0x1] =	wrdreg $0xFFFFFFFF  }
0xc1: {  	_ =	task.clear_ibuf [dreg:s6], $0x2FFFF;
	_ =	strace $0x9FFFFFFF  }
0xc2: {  	(tm) =	ssettm $0x7FFFFFFF  }
0xc3: {  	_ =	shalt  }
tec
execute0_lowered:
.L_overlay_start_1:
0x0: {  	(tag) =	ssettag $0x1  }
0x1: {  	s1 =	srdreg.scid  }
0x2: {  	s0 =	stileid.u32;
	s5 =	rddreg [dreg:$0x0]  }
0x3: {  	s2 =	rddreg [dreg:$0x1];
	s3 =	simm.s32 $0x0;
	s13 =	simm.s32 $0x80  }
0x4: {  	s14 =	simm.s32 $0x100;
	s15 =	simm.s32 $0x180;
	s16 =	simm.s32 $0x5  }
0x5: {  	s17 =	simm.s32 $0x200;
	s18 =	simm.s32 $0x7;
	s19 =	simm.s32 $0x4200  }
0x6: {  	s20 =	simm.s32 $0x1;
	s21 =	simm.s32 $0x6;
	s7 =	smul.u32 $0x2800, s0  }
0x7: {  	s22 =	simm.s32 $0x2;
	s23 =	simm.s32 $0x8;
	s10 =	smul.u32 $0x14000, s0  }
0x8: {  	s24 =	simm.s32 $0x3;
	s6 =	sand.u32 $0x1, s1;
	s28 =	smul.u32 $0x50000, s0  }
0x9: {  	s25 =	simm.s32 $0x4;
	s26 =	simm.s32 $0x0;
	s4 =	smul.u32 $0x28000, s6  }
0xa: {  	[smem:$0x7FF] =	sst s3;
	s31 =	sshll.u32 s0, $0x6;
	s8 =	smul.u32 $0x140000, s6  }
0xb: {  	_ =	strace $0x8000004A;
	s12 =	ssub.s32 $0x2, s6;
	p0 =	seq.s32 s6, $0x0  }
0xc: {  	s29 =	sshrl.u32 s12, $0x1;
	s9 =	sadd.s32 s7, s4;
	s4 =	sadd.s32 $0x2B800, s5  }
0xd: {  	s8 =	sadd.s32 s10, s8;
	s10 =	sadd.s32 $0x3800, s5;
	s9 =	sshrl.u32 s9, $0x3  }
0xe: {  	s8 =	sshrl.u32 s8, $0x3;
	s10 =	smov.u32 @p0 s4;
	s11 =	sadd.s32 s9, s5  }
0xf: {  	s5 =	sadd.s32 s8, s5;
	s9 =	sshrl.u32 s28, $0x2;
	s8 =	ssub.s32 s12, s29  }
0x10: {  	s7 =	sadd.s32 s10, s7;
	s12 =	simm.s32 $0x9;
	s30 =	sadd.s32 s9, s2  }
0x11: {  	s5 =	sadd.s32 $0x53800, s5;
	s6 =	smax.u32 s8, $0x1;
	s8 =	sor.u32 $0x1C09, s31  }
0x12: {  	s9 =	sadd.s32 $0xAD800, s11;
	s10 =	sadd.s32 $0xA3800, s11;
	s11 =	sshrl.u32 s30, $0x3  }
.LBB2_1:
0x13: {  	[spmem:s11], [sflag:s8] =	dma.local [hbm:s7], $0x2800  }
0x14: {  	_ =	swait.ge [sflag:s12], $0x2800  }
0x15: {  	[sflag:s12] =	ssyncset.done $0x0  }
0x16: {  	[sflag:s12] =	ssyncadd.s32 $0xFFFFD800  }
0x17: {  	s28 =	sadd.s32 $0x0, s9;
	[bflag:$0x0] =	sbarrier.arrive $0xFFFF  }
0x18: {  	[tilespmem:s3], [sflag:$0x5] =	stream.linear.gather [hbm4b:s28+s3], $0x80, $0x38;
	[tilespmem:$0x1C200] =	vst v63  }
0x19: {  	s29 =	sadd.s32 $0x0, s10  }
0x1a: {  	[tilespmem:s13], [sflag:$0x6] =	stream.linear.gather [hbm4b:s29+s3], $0x80, $0x38;
	[tilespmem:$0x1C200] =	vst v63  }
0x1b: {  	s28 =	sadd.s32 $0x10, s28  }
0x1c: {  	[tilespmem:s14], [sflag:$0x7] =	stream.linear.gather [hbm4b:s28+s3], $0x80, $0x38;
	[tilespmem:$0x1C200] =	vst v63  }
0x1d: {  	s28 =	sadd.s32 $0x10, s29  }
0x1e: {  	[tilespmem:s15], [sflag:$0x8] =	stream.linear.gather [hbm4b:s28+s3], $0x80, $0x38;
	[tilespmem:$0x1C200] =	vst v63  }
0x1f: {  	_ =	swait.ge [sflag:s16], $0x80  }
0x20: {  	[sflag:s16] =	ssyncset.done $0x0  }
0x21: {  	[sflag:s16] =	ssyncadd.s32 $0xFFFFFF80  }
0x22: {  	[tilespmem:s17], [sflag:$0x1] =	stream.indirect.gather [hbm4b:s4+s13], $0x80, s3, s13, $0xb8;
	[tilespmem:$0x1C200] =	vst v63  }
0x23: {  	_ =	swait.ge [sflag:s18], $0x80  }
0x24: {  	[sflag:s18] =	ssyncset.done $0x0  }
0x25: {  	[sflag:s18] =	ssyncadd.s32 $0xFFFFFF80  }
0x26: {  	[tilespmem:s19], [sflag:$0x2] =	stream.indirect.gather [hbm4b:s4+s13], $0x80, s14, s13, $0xb8;
	[tilespmem:$0x1C200] =	vst v63  }
0x27: {  	_ =	swait.ge [sflag:s20], $0x4000  }
0x28: {  	[sflag:s20] =	ssyncset.done $0x0  }
0x29: {  	[sflag:s20] =	ssyncadd.s32 $0xFFFFC000  }
0x2a: {  	_ =	swait.ge [sflag:s21], $0x80  }
0x2b: {  	[sflag:s21] =	ssyncset.done $0x0  }
0x2c: {  	[sflag:s21] =	ssyncadd.s32 $0xFFFFFF80  }
0x2d: {  	[spmem:s2] =	stream.indirect.scatter.add.f32 [tilespmem:s17], [sflag:$0x3], $0x80, s13, s13, $0xb8;
	[tilespmem:$0x1C200] =	vst v63  }
0x2e: {  	_ =	swait.ge [sflag:s22], $0x4000  }
0x2f: {  	[sflag:s22] =	ssyncset.done $0x0  }
0x30: {  	[sflag:s22] =	ssyncadd.s32 $0xFFFFC000  }
0x31: {  	_ =	swait.ge [sflag:s23], $0x80  }
0x32: {  	[sflag:s23] =	ssyncset.done $0x0  }
0x33: {  	[sflag:s23] =	ssyncadd.s32 $0xFFFFFF80  }
0x34: {  	[spmem:s2] =	stream.indirect.scatter.add.f32 [tilespmem:s19], [sflag:$0x4], $0x80, s15, s13, $0xb8;
	[tilespmem:$0x1C200] =	vst v63  }
0x35: {  	_ =	swait.ge [sflag:s24], $0x4000  }
0x36: {  	[sflag:s24] =	ssyncset.done $0x0  }
0x37: {  	[sflag:s24] =	ssyncadd.s32 $0xFFFFC000  }
0x38: {  	_ =	swait.ge [sflag:s25], $0x4000  }
0x39: {  	s30 =	simm.s32 $0x40;
	s28 =	simm.s32 $0x20;
	[sflag:s25] =	ssyncset.done $0x0  }
.LBB2_2:
0x3a: {  	s31 =	sadd.s32 s28, s9  }
0x3b: {  	[sflag:s25] =	ssyncadd.s32 $0xFFFFC000;
	s1 =	smov.u32 s30;
	s29 =	sadd.s32 $0x20, s30  }
0x3c: {  	[tilespmem:s3], [sflag:$0x5] =	stream.linear.gather [hbm4b:s31+s3], $0x80, $0x38;
	[tilespmem:$0x1C200] =	vst v63  }
0x3d: {  	p0 =	sne.s32 s30, $0x4E0;
	s30 =	sadd.s32 s28, s10;
	s28 =	smov.u32 s1  }
0x3e: {  	[tilespmem:s13], [sflag:$0x6] =	stream.linear.gather [hbm4b:s30+s3], $0x80, $0x38;
	[tilespmem:$0x1C200] =	vst v63  }
0x3f: {  	s1 =	sadd.s32 $0x10, s31  }
0x40: {  	[tilespmem:s14], [sflag:$0x7] =	stream.linear.gather [hbm4b:s1+s3], $0x80, $0x38;
	[tilespmem:$0x1C200] =	vst v63  }
0x41: {  	s1 =	sadd.s32 $0x10, s30  }
0x42: {  	[tilespmem:s15], [sflag:$0x8] =	stream.linear.gather [hbm4b:s1+s3], $0x80, $0x38;
	[tilespmem:$0x1C200] =	vst v63  }
0x43: {  	_ =	swait.ge [sflag:s16], $0x80  }
0x44: {  	[sflag:s16] =	ssyncset.done $0x0  }
0x45: {  	[sflag:s16] =	ssyncadd.s32 $0xFFFFFF80  }
0x46: {  	[tilespmem:s17], [sflag:$0x1] =	stream.indirect.gather [hbm4b:s4+s13], $0x80, s3, s13, $0xb8;
	[tilespmem:$0x1C200] =	vst v63  }
0x47: {  	_ =	swait.ge [sflag:s18], $0x80  }
0x48: {  	[sflag:s18] =	ssyncset.done $0x0  }
0x49: {  	[sflag:s18] =	ssyncadd.s32 $0xFFFFFF80  }
0x4a: {  	[tilespmem:s19], [sflag:$0x2] =	stream.indirect.gather [hbm4b:s4+s13], $0x80, s14, s13, $0xb8;
	[tilespmem:$0x1C200] =	vst v63  }
0x4b: {  	_ =	swait.ge [sflag:s20], $0x4000  }
0x4c: {  	[sflag:s20] =	ssyncset.done $0x0  }
0x4d: {  	[sflag:s20] =	ssyncadd.s32 $0xFFFFC000  }
0x4e: {  	_ =	swait.ge [sflag:s21], $0x80  }
0x4f: {  	[sflag:s21] =	ssyncset.done $0x0  }
0x50: {  	[sflag:s21] =	ssyncadd.s32 $0xFFFFFF80  }
0x51: {  	[spmem:s2] =	stream.indirect.scatter.add.f32 [tilespmem:s17], [sflag:$0x3], $0x80, s13, s13, $0xb8;
	[tilespmem:$0x1C200] =	vst v63  }
0x52: {  	_ =	swait.ge [sflag:s22], $0x4000  }
0x53: {  	[sflag:s22] =	ssyncset.done $0x0  }
0x54: {  	[sflag:s22] =	ssyncadd.s32 $0xFFFFC000  }
0x55: {  	_ =	swait.ge [sflag:s23], $0x80  }
0x56: {  	[sflag:s23] =	ssyncset.done $0x0  }
0x57: {  	[sflag:s23] =	ssyncadd.s32 $0xFFFFFF80  }
0x58: {  	[spmem:s2] =	stream.indirect.scatter.add.f32 [tilespmem:s19], [sflag:$0x4], $0x80, s15, s13, $0xb8;
	[tilespmem:$0x1C200] =	vst v63  }
.Ltmp0:
0x59: {  	_ =	swait.ge [sflag:s24], $0x4000;
	(pc) =	sbr.rel @p0 .LBB2_2-.Ltmp0, $4  }
0x5a: {  	[sflag:s24] =	ssyncset.done $0x0  }
0x5b: {  	[sflag:s24] =	ssyncadd.s32 $0xFFFFC000  }
0x5c: {  	_ =	swait.ge [sflag:s25], $0x4000  }
0x5d: {  	s30 =	smov.u32 s29;
	[sflag:s25] =	ssyncset.done $0x0  }
0x5e: {  	s1 =	sadd.s32 s28, s9;
	[sflag:s25] =	ssyncadd.s32 $0xFFFFC000  }
0x5f: {  	[tilespmem:s3], [sflag:$0x5] =	stream.linear.gather [hbm4b:s1+s3], $0x80, $0x38;
	[tilespmem:$0x1C200] =	vst v63  }
0x60: {  	s30 =	sadd.s32 s28, s10  }
0x61: {  	[tilespmem:s13], [sflag:$0x6] =	stream.linear.gather [hbm4b:s30+s3], $0x80, $0x38;
	[tilespmem:$0x1C200] =	vst v63  }
0x62: {  	s1 =	sadd.s32 $0x10, s1  }
0x63: {  	[tilespmem:s14], [sflag:$0x7] =	stream.linear.gather [hbm4b:s1+s3], $0x80, $0x38;
	[tilespmem:$0x1C200] =	vst v63  }
0x64: {  	s31 =	sadd.s32 $0x10, s30  }
0x65: {  	[tilespmem:s15], [sflag:$0x8] =	stream.linear.gather [hbm4b:s31+s3], $0x80, $0x38;
	[tilespmem:$0x1C200] =	vst v63  }
0x66: {  	_ =	swait.ge [sflag:s16], $0x80  }
0x67: {  	[sflag:s16] =	ssyncset.done $0x0  }
0x68: {  	[sflag:s16] =	ssyncadd.s32 $0xFFFFFF80  }
0x69: {  	[tilespmem:s17], [sflag:$0x1] =	stream.indirect.gather [hbm4b:s4+s13], $0x80, s3, s13, $0xb8;
	[tilespmem:$0x1C200] =	vst v63  }
0x6a: {  	_ =	swait.ge [sflag:s18], $0x80  }
0x6b: {  	[sflag:s18] =	ssyncset.done $0x0  }
0x6c: {  	[sflag:s18] =	ssyncadd.s32 $0xFFFFFF80  }
0x6d: {  	[tilespmem:s19], [sflag:$0x2] =	stream.indirect.gather [hbm4b:s4+s13], $0x80, s14, s13, $0xb8;
	[tilespmem:$0x1C200] =	vst v63  }
0x6e: {  	_ =	swait.ge [sflag:s20], $0x4000  }
0x6f: {  	[sflag:s20] =	ssyncset.done $0x0  }
0x70: {  	[sflag:s20] =	ssyncadd.s32 $0xFFFFC000  }
0x71: {  	_ =	swait.ge [sflag:s21], $0x80  }
0x72: {  	[sflag:s21] =	ssyncset.done $0x0  }
0x73: {  	[sflag:s21] =	ssyncadd.s32 $0xFFFFFF80  }
0x74: {  	[spmem:s2] =	stream.indirect.scatter.add.f32 [tilespmem:s17], [sflag:$0x3], $0x80, s13, s13, $0xb8;
	[tilespmem:$0x1C200] =	vst v63  }
0x75: {  	_ =	swait.ge [sflag:s22], $0x4000  }
0x76: {  	[sflag:s22] =	ssyncset.done $0x0  }
0x77: {  	[sflag:s22] =	ssyncadd.s32 $0xFFFFC000  }
0x78: {  	_ =	swait.ge [sflag:s23], $0x80  }
0x79: {  	[sflag:s23] =	ssyncset.done $0x0  }
0x7a: {  	[sflag:s23] =	ssyncadd.s32 $0xFFFFFF80  }
0x7b: {  	[spmem:s2] =	stream.indirect.scatter.add.f32 [tilespmem:s19], [sflag:$0x4], $0x80, s15, s13, $0xb8;
	[tilespmem:$0x1C200] =	vst v63  }
0x7c: {  	_ =	swait.ge [sflag:s24], $0x4000  }
0x7d: {  	[sflag:s24] =	ssyncset.done $0x0  }
0x7e: {  	[sflag:s24] =	ssyncadd.s32 $0xFFFFC000  }
0x7f: {  	_ =	swait.ge [sflag:s25], $0x4000  }
0x80: {  	s26 =	sadd.s32 $0x1, s26;
	[sflag:s25] =	ssyncset.done $0x0  }
0x81: {  	p0 =	sne.s32 s26, s6;
	[sflag:s25] =	ssyncadd.s32 $0xFFFFC000  }
.Ltmp1:
0x82: {  	[bflag:$0x0] =	sbarrier.arrive $0xFFFF;
	(pc) =	sbr.rel @p0 .LBB2_1-.Ltmp1, $4  }
0x83: {  	[hbm:s5], [sflag:s8] =	dma.local [spmem:s11], $0x2800  }
0x84: {  	_ =	swait.ge [sflag:s12], $0x2800  }
0x85: {  	[sflag:s12] =	ssyncset.done $0x0  }
0x86: {  	[sflag:s12] =	ssyncadd.s32 $0xFFFFD800  }
0x87: {  	_ =	sfence.sel $0x180000  }
0x88: {  	[bflag:$0x0] =	sbarrier.arrive $0xFFFF  }
0x89: {  	_ =	strace $0x9000004A  }
0x8a: {  	[bflag:$0x2] =	sbarrier.arrive $0xFFFF  }
0x8b: {  	p0 =	sne.s32 s0, $0x0;
	s0 =	rddreg [dreg:$0x2]  }
0x8c: {  	s0 =	sadd.s32 @!p0 $0x100000, s0  }
0x8d: {  	[sflag:s0] =	ssyncadd.tile.s32 @!p0 $0x1;
	_ =	shalt  }
.Lfunc_end2:
_tile_overlayer_lowered:
.L_overlay_start_2:
0x8e: {  	(tag) =	ssettag $0x2  }
0x8f: {  	s0 =	rddreg [dreg:$0x0];
	s2 =	stileid.u32  }
0x90: {  	s1 =	rddreg [dreg:$0x1];
	p0 =	sne.s32 s2, $0x0  }
0x91: {  	s3 =	rddreg [dreg:$0x2];
	[bflag:$0x3] =	sbarrier.arrive $0xFFFF;
	s2 =	simm.s32 @!p0 $0x1C09  }
0x92: {  	[timem:s3], [sflag:s2] =	dma.local @!p0 [hbm:s0], s1  }
0x93: {  	s0 =	simm.s32 @!p0 $0x9  }
0x94: {  	_ =	swait.ge @!p0 [sflag:s0], s1  }
0x95: {  	s1 =	ssub.s32 @!p0 $0x0, s1;
	[sflag:s0] =	ssyncset.done @!p0 $0x0  }
0x96: {  	[sflag:s0] =	ssyncadd.s32 @!p0 s1  }
0x97: {  	[bflag:$0x3] =	sbarrier.arrive $0xFFFF  }
0x98: {  	_ =	shalt  }

// kernel: kernel.18.cloned.1.call-start
scs
__scs_entry_jumppad:
0x0: {  	(pc) =	sbr.rel $0x88, $3  }
0x1: {  	(tag) =	ssettag $0x0;
	lr =	simm.s32 $0x1  }
0x2: {  	[smem:$0x3F93] =	sst lr;
	_ =	strace $0xD0000000  }
0x3: {  	_ = 	snop  }
0x4: {  	_ = 	snop  }
0x5: {  	_ = 	snop  }
0x6: {  	_ = 	snop  }
0x7: {  	_ = 	snop  }
__scs_overlays_trampoline_lowered:
0x8: {  	[smem:$0x3FA2] =	sst s0  }
0x9: {  	[smem:$0x3FA3] =	sst s1  }
0xa: {  	[smem:$0x3FA4] =	sst s2  }
0xb: {  	[smem:$0x3FA5] =	sst s3  }
0xc: {  	[smem:$0x3FA6] =	sst s4  }
0xd: {  	[smem:$0x3FA7] =	sst s5  }
0xe: {  	[smem:$0x3FA8] =	sst s6  }
0xf: {  	[smem:$0x3FA9] =	sst s7  }
0x10: {  	[smem:$0x3FAA] =	sst s8  }
0x11: {  	[smem:$0x3FAB] =	sst s9;
	s0 =	simm.s32 @!p0 $0x0  }
0x12: {  	s1 =	sld [smem:$0x3F91];
	s0 =	simm.s32 @p0 $0x1  }
0x13: {  	[smem:$0x3FAC] =	sst s0;
	s0 =	simm.s32 @!p1 $0x0  }
0x14: {  	s2 =	sld [smem:$0x3F90];
	s0 =	simm.s32 @p1 $0x1  }
0x15: {  	[smem:$0x3FAD] =	sst s0;
	s0 =	simm.s32 @!p2 $0x0  }
0x16: {  	s3 =	sld [smem:$0x3FDB];
	s0 =	simm.s32 @p2 $0x1  }
0x17: {  	s4 =	simm.s32 $0x1BF5;
	[smem:$0x3FAF] =	sst s0  }
0x18: {  	s0 =	sld [smem:$0x3F92];
	_ =	swait.ge [sflag:s4], $0x0  }
0x19: {  	s7 =	sld [smem:$0x3F93]  }
0x1a: {  	s8 =	sadd.s32 $0xFFFFE003, lr  }
0x1b: {  	s9 =	sadd.s32 $0xFFFFFEF7, lr;
	s5 =	simm.s32 $0xFFFFFFFF;
	p2 =	slt.u32 s8, $0xFFFFF086  }
0x1c: {  	p1 =	slt.u32 s9, $0xF7A;
	s5 =	simm.s32 @!p2 $0x0  }
0x1d: {  	s5 =	simm.s32 @p1 $0x1;
	p0 =	seq.s32 s7, s2  }
0x1e: {  	s7 =	smul.u32 @!p0 $0xF7A, s2;
	p2 =	seq.s32 @!p0 s5, $0x0  }
0x1f: {  	s9 =	smul.u32 $0xF7A, s1;
	s8 =	simm.s32 @!p0 $0x1BF5;
	p2 =	por !p2, p0  }
0x20: {  	[sflag:s8] =	ssyncset.s32 @!p0 $0xFFFFF086;
	s6 =	sadd.s32 @!p0 s3, s7;
	s7 =	simm.s32 @!p0 $0x108  }
0x21: {  	s3 =	sadd.s32 s3, s9;
	s6 =	sadd.s32 @!p0 $0x88, s6;
	s7 =	simm.s32 @p2 $0x1082  }
0x22: {  	[simem:s7], [sflag:s8] =	dma.local @!p0 [hbm:s6], $0xF7A  }
0x23: {  	s9 =	sor.u32 $0xD0000000, s2;
	s6 =	simm.s32 $0x108;
	_ =	swait.ge @!p0 [sflag:s8], $0x0  }
0x24: {  	s3 =	sadd.s32 $0x88, s3;
	s6 =	simm.s32 @!p1 $0x1082;
	[sflag:s4] =	ssyncset.s32 $0xFFFFF086  }
0x25: {  	[simem:s6], [sflag:s4] =	dma.local [hbm:s3], $0xF7A  }
0x26: {  	[smem:$0x3F93] =	sst s1;
	(tag) =	ssettag s2;
	_ =	strace s9  }
0x27: {  	s1 =	sld [smem:$0x3FA3]  }
0x28: {  	s2 =	sld [smem:$0x3FA4]  }
0x29: {  	s4 =	sld [smem:$0x3FA6]  }
0x2a: {  	p0 =	seq.s32 s5, $0x0;
	s5 =	sld [smem:$0x3FA7]  }
0x2b: {  	s6 =	sld [smem:$0x3FA8]  }
0x2c: {  	s7 =	sld [smem:$0x3FA9]  }
0x2d: {  	s3 =	simm.s32 $0x108;
	s8 =	sld [smem:$0x3FAA]  }
0x2e: {  	s3 =	simm.s32 @!p0 $0x1082;
	s9 =	sld [smem:$0x3FAB]  }
0x2f: {  	lr =	sadd.s32 s0, s3;
	s0 =	sld [smem:$0x3FA2]  }
0x30: {  	s3 =	sld [smem:$0x3FA5]  }
0x31: {  	[smem:$0x3FAE] =	sst s10  }
0x32: {  	s10 =	sld [smem:$0x3FAC];
	_ =	sdelay $0x3  }
0x33: {  	p0 =	seq.s32 s10, $0x1;
	s10 =	sld [smem:$0x3FAE];
	_ =	sdelay $0x3  }
0x34: {  	[smem:$0x3FAE] =	sst s10  }
0x35: {  	s10 =	sld [smem:$0x3FAD];
	_ =	sdelay $0x3  }
0x36: {  	p1 =	seq.s32 s10, $0x1;
	s10 =	sld [smem:$0x3FAE];
	_ =	sdelay $0x3  }
0x37: {  	[smem:$0x3FAE] =	sst s10  }
0x38: {  	s10 =	sld [smem:$0x3FAF]  }
0x39: {  	_ = 	snop;
	(pc) =	sbr.ind lr, $3  }
0x3a: {  	_ = 	snop  }
0x3b: {  	_ = 	snop  }
0x3c: {  	p2 =	seq.s32 s10, $0x1;
	s10 =	sld [smem:$0x3FAE]  }
0x3d: {  	_ =	shalt  }
0x3e: {  	_ =	shalt  }
0x3f: {  	_ =	shalt  }
0x40: {  	_ =	shalt  }
0x41: {  	_ =	shalt  }
0x42: {  	_ =	shalt  }
0x43: {  	_ =	shalt  }
0x44: {  	_ =	shalt  }
0x45: {  	_ =	shalt  }
0x46: {  	_ =	shalt  }
0x47: {  	_ =	shalt  }
0x48: {  	_ =	shalt  }
0x49: {  	_ =	shalt  }
0x4a: {  	_ =	shalt  }
0x4b: {  	_ =	shalt  }
0x4c: {  	_ =	shalt  }
0x4d: {  	_ =	shalt  }
0x4e: {  	_ =	shalt  }
0x4f: {  	_ =	shalt  }
0x50: {  	_ =	shalt  }
0x51: {  	_ =	shalt  }
0x52: {  	_ =	shalt  }
0x53: {  	_ =	shalt  }
0x54: {  	_ =	shalt  }
0x55: {  	_ =	shalt  }
0x56: {  	_ =	shalt  }
0x57: {  	_ =	shalt  }
0x58: {  	_ =	shalt  }
0x59: {  	_ =	shalt  }
0x5a: {  	_ =	shalt  }
0x5b: {  	_ =	shalt  }
0x5c: {  	_ =	shalt  }
0x5d: {  	_ =	shalt  }
0x5e: {  	_ =	shalt  }
0x5f: {  	_ =	shalt  }
0x60: {  	_ =	shalt  }
0x61: {  	_ =	shalt  }
0x62: {  	_ =	shalt  }
0x63: {  	_ =	shalt  }
0x64: {  	_ =	shalt  }
0x65: {  	_ =	shalt  }
0x66: {  	_ =	shalt  }
0x67: {  	_ =	shalt  }
0x68: {  	_ =	shalt  }
0x69: {  	_ =	shalt  }
0x6a: {  	_ =	shalt  }
0x6b: {  	_ =	shalt  }
0x6c: {  	_ =	shalt  }
0x6d: {  	_ =	shalt  }
0x6e: {  	_ =	shalt  }
0x6f: {  	_ =	shalt  }
0x70: {  	_ =	shalt  }
0x71: {  	_ =	shalt  }
0x72: {  	_ =	shalt  }
0x73: {  	_ =	shalt  }
0x74: {  	_ =	shalt  }
0x75: {  	_ =	shalt  }
0x76: {  	_ =	shalt  }
0x77: {  	_ =	shalt  }
0x78: {  	_ =	shalt  }
0x79: {  	_ =	shalt  }
0x7a: {  	_ =	shalt  }
0x7b: {  	_ =	shalt  }
0x7c: {  	_ =	shalt  }
0x7d: {  	_ =	shalt  }
0x7e: {  	_ =	shalt  }
0x7f: {  	_ =	shalt  }
0x80: {  	_ =	shalt  }
0x81: {  	_ =	shalt  }
0x82: {  	_ =	shalt  }
0x83: {  	_ =	shalt  }
0x84: {  	_ =	shalt  }
0x85: {  	_ =	shalt  }
0x86: {  	_ =	shalt  }
0x87: {  	_ =	shalt  }
.Lfunc_end0:
.L_simem_size_0:
called_computation.2_lowered:
.L_overlay_start_0:
0x88: {  	s2 =	sld [smem:$0x3FD9]  }
0x89: {  	s3 =	sld [smem:$0x3FFE];
	_ =	sdelay $0x1  }
0x8a: {  	s1 =	srdreg.scid  }
0x8b: {  	s0 =	sand.u32 $0x1, s1  }
0x8c: {  	s16 =	sshll.u32 s0, $0xA;
	s2 =	sadd.s32 s3, s2  }
0x8d: {  	s2 =	sadd.s32 s2, s16  }
0x8e: {  	[smem:$0x3FBA] =	sst s2  }
0x8f: {  	_ = 	snop  }
0x90: {  	(tm) =	ssettm $0x1  }
0x91: {  	s17 =	sld [smem:$0x3FFB];
	_ =	sdelay $0x3  }
0x92: {  	_ =	strace s17  }
0x93: {  	s2 =	sld [smem:$0x3FFC];
	_ =	sdelay $0x3  }
0x94: {  	_ =	strace s2  }
0x95: {  	s2 =	sld [smem:$0x3FFD];
	_ =	sdelay $0x3  }
0x96: {  	_ =	strace s2  }
0x97: {  	_ =	strace $0x8FFFFFFF  }
0x98: {  	s18 =	sld [smem:$0x3FDB];
	_ =	sdelay $0x1  }
0x99: {  	s19 =	simm.s32 $_scs_section_size  }
0x9a: {  	s4 =	simm.s32 $_size__tile_overlayer_lowered;
	s5 =	simm.s32 $_tile_overlayer_lowered  }
0x9b: {  	s22 =	simm.s32 $0x1BFF;
	s21 =	sshll.u32 s5, $0x1;
	s2 =	sadd.s32 s19, s18  }
0x9c: {  	s6 =	simm.s32 $0x0;
	s20 =	sshll.u32 s4, $0x1;
	s4 =	sadd.s32 s21, s2  }
0x9d: {  	[timem:s6], [sflag:s22] =	dma.local [hbm:s4], s20  }
0x9e: {  	_ =	swait.ge [sflag:s22], s20  }
0x9f: {  	s3 =	ssub.s32 $0x0, s20;
	[sflag:s22] =	ssyncset.done $0x0  }
0xa0: {  	[sflag:s22] =	ssyncadd.s32 s3;
	_ =	sdelay $0x1  }
0xa1: {  	s23 =	simm.s32 $0x1B8B  }
0xa2: {  	_ =	swait.ge [sflag:s23], $0x1  }
0xa3: {  	[sflag:s23] =	ssyncset.done $0x0  }
0xa4: {  	s25 =	simm.s32 $0x1B8E;
	s24 =	sld [smem:$0x3FFE];
	[sflag:s23] =	ssyncadd.s32 $0xFFFFFFFF  }
0xa5: {  	s26 =	simm.s32 $execute0_lowered;
	[smem:$0x3FD2] =	sst s25  }
0xa6: {  	s4 =	sshll.u32 s26, $0x1;
	_ =	strace $0x8000004C;
	[dreg:$0x1] =	wrdreg $0xFFFFFFFF  }
0xa7: {  	s28 =	simm.s32 $_size_execute0_lowered;
	s2 =	sadd.s32 s2, s4;
	[dreg:$0x0] =	wrdreg $0x0  }
0xa8: {  	s4 =	sshll.u32 s28, $0x1;
	[dreg:$0x2] =	wrdreg s2  }
0xa9: {  	[dreg:$0x3] =	wrdreg s4  }
0xaa: {  	[dreg:$0x4] =	wrdreg $0xC0  }
0xab: {  	_ =	task [dreg:s6], $0x5FFFF  }
0xac: {  	[dreg:$0x1] =	wrdreg $0xFFFFFFFF  }
0xad: {  	[dreg:$0x0] =	wrdreg $0x60  }
0xae: {  	[dreg:$0x2] =	wrdreg s24  }
0xaf: {  	[dreg:$0x3] =	wrdreg $0x82000  }
0xb0: {  	[dreg:$0x4] =	wrdreg $0x9  }
0xb1: {  	_ =	task.clear_ibuf [dreg:s6], $0x5FFFF;
	_ =	strace $0x9000004C  }
0xb2: {  	s29 =	simm.s32 $0x9;
	_ =	strace $0x8000004E  }
0xb3: {  	_ =	swait.ge [sflag:s29], $0x1  }
0xb4: {  	[sflag:s29] =	ssyncadd.s32 $0xFFFFFFFF  }
0xb5: {  	_ =	strace $0x9000004E  }
0xb6: {  	_ =	sfence  }
0xb7: {  	s30 =	sld [smem:$0x0];
	_ =	sdelay $0x2  }
0xb8: {  	s31 =	sshll.u32 s1, $0xD;
	s1 =	sshrl.u32 s1, $0x2  }
0xb9: {  	s3 =	sand.u32 $0x4000, s31;
	s1 =	sadd.s32 s1, s30  }
0xba: {  	s0 =	sor.u32 s3, s0;
	s1 =	sshll.u32 s1, $0x11  }
0xbb: {  	s0 =	sor.u32 s1, s0  }
0xbc: {  	s0 =	sadd.s32 $0x8F2B, s0  }
0xbd: {  	[sflag:s0] =	ssyncadd.remote.s32 $0x1  }
0xbe: {  	_ =	sfence.sel $0xFFFF  }
0xbf: {  	[dreg:$0x0] =	wrdreg $0xFFFFFFFF;
	(pc) =	sbr.abs _section_cstart, $3  }
0xc0: {  	[dreg:$0x1] =	wrdreg $0xFFFFFFFF  }
0xc1: {  	_ =	task.clear_ibuf [dreg:s6], $0x2FFFF;
	_ =	strace $0x9FFFFFFF  }
0xc2: {  	(tm) =	ssettm $0x7FFFFFFF  }
0xc3: {  	_ =	shalt  }
tec
execute0_lowered:
.L_overlay_start_1:
0x0: {  	(tag) =	ssettag $0x1  }
0x1: {  	s1 =	srdreg.scid  }
0x2: {  	s0 =	stileid.u32;
	s5 =	rddreg [dreg:$0x0]  }
0x3: {  	s2 =	rddreg [dreg:$0x1];
	s3 =	simm.s32 $0x0;
	s13 =	simm.s32 $0x80  }
0x4: {  	s14 =	simm.s32 $0x100;
	s15 =	simm.s32 $0x180;
	s16 =	simm.s32 $0x5  }
0x5: {  	s17 =	simm.s32 $0x200;
	s18 =	simm.s32 $0x7;
	s19 =	simm.s32 $0x4200  }
0x6: {  	s20 =	simm.s32 $0x1;
	s21 =	simm.s32 $0x6;
	s7 =	smul.u32 $0x2800, s0  }
0x7: {  	s22 =	simm.s32 $0x2;
	s23 =	simm.s32 $0x8;
	s10 =	smul.u32 $0x14000, s0  }
0x8: {  	s24 =	simm.s32 $0x3;
	s6 =	sand.u32 $0x1, s1;
	s28 =	smul.u32 $0x50000, s0  }
0x9: {  	s25 =	simm.s32 $0x4;
	s26 =	simm.s32 $0x0;
	s4 =	smul.u32 $0x28000, s6  }
0xa: {  	[smem:$0x7FF] =	sst s3;
	s31 =	sshll.u32 s0, $0x6;
	s8 =	smul.u32 $0x140000, s6  }
0xb: {  	_ =	strace $0x8000004D;
	s12 =	ssub.s32 $0x2, s6;
	p0 =	seq.s32 s6, $0x0  }
0xc: {  	s29 =	sshrl.u32 s12, $0x1;
	s9 =	sadd.s32 s7, s4;
	s4 =	sadd.s32 $0x2B800, s5  }
0xd: {  	s8 =	sadd.s32 s10, s8;
	s10 =	sadd.s32 $0x3800, s5;
	s9 =	sshrl.u32 s9, $0x3  }
0xe: {  	s8 =	sshrl.u32 s8, $0x3;
	s10 =	smov.u32 @p0 s4;
	s11 =	sadd.s32 s9, s5  }
0xf: {  	s5 =	sadd.s32 s8, s5;
	s9 =	sshrl.u32 s28, $0x2;
	s8 =	ssub.s32 s12, s29  }
0x10: {  	s7 =	sadd.s32 s10, s7;
	s12 =	simm.s32 $0x9;
	s30 =	sadd.s32 s9, s2  }
0x11: {  	s5 =	sadd.s32 $0x53800, s5;
	s6 =	smax.u32 s8, $0x1;
	s8 =	sor.u32 $0x1C09, s31  }
0x12: {  	s9 =	sadd.s32 $0xAD800, s11;
	s10 =	sadd.s32 $0xA3800, s11;
	s11 =	sshrl.u32 s30, $0x3  }
.LBB2_1:
0x13: {  	[spmem:s11], [sflag:s8] =	dma.local [hbm:s7], $0x2800  }
0x14: {  	_ =	swait.ge [sflag:s12], $0x2800  }
0x15: {  	[sflag:s12] =	ssyncset.done $0x0  }
0x16: {  	[sflag:s12] =	ssyncadd.s32 $0xFFFFD800  }
0x17: {  	s28 =	sadd.s32 $0x0, s9;
	[bflag:$0x0] =	sbarrier.arrive $0xFFFF  }
0x18: {  	[tilespmem:s3], [sflag:$0x5] =	stream.linear.gather [hbm4b:s28+s3], $0x80, $0x38;
	[tilespmem:$0x1C200] =	vst v63  }
0x19: {  	s29 =	sadd.s32 $0x0, s10  }
0x1a: {  	[tilespmem:s13], [sflag:$0x6] =	stream.linear.gather [hbm4b:s29+s3], $0x80, $0x38;
	[tilespmem:$0x1C200] =	vst v63  }
0x1b: {  	s28 =	sadd.s32 $0x10, s28  }
0x1c: {  	[tilespmem:s14], [sflag:$0x7] =	stream.linear.gather [hbm4b:s28+s3], $0x80, $0x38;
	[tilespmem:$0x1C200] =	vst v63  }
0x1d: {  	s28 =	sadd.s32 $0x10, s29  }
0x1e: {  	[tilespmem:s15], [sflag:$0x8] =	stream.linear.gather [hbm4b:s28+s3], $0x80, $0x38;
	[tilespmem:$0x1C200] =	vst v63  }
0x1f: {  	_ =	swait.ge [sflag:s16], $0x80  }
0x20: {  	[sflag:s16] =	ssyncset.done $0x0  }
0x21: {  	[sflag:s16] =	ssyncadd.s32 $0xFFFFFF80  }
0x22: {  	[tilespmem:s17], [sflag:$0x1] =	stream.indirect.gather [hbm4b:s4+s13], $0x80, s3, s13, $0xb8;
	[tilespmem:$0x1C200] =	vst v63  }
0x23: {  	_ =	swait.ge [sflag:s18], $0x80  }
0x24: {  	[sflag:s18] =	ssyncset.done $0x0  }
0x25: {  	[sflag:s18] =	ssyncadd.s32 $0xFFFFFF80  }
0x26: {  	[tilespmem:s19], [sflag:$0x2] =	stream.indirect.gather [hbm4b:s4+s13], $0x80, s14, s13, $0xb8;
	[tilespmem:$0x1C200] =	vst v63  }
0x27: {  	_ =	swait.ge [sflag:s20], $0x4000  }
0x28: {  	[sflag:s20] =	ssyncset.done $0x0  }
0x29: {  	[sflag:s20] =	ssyncadd.s32 $0xFFFFC000  }
0x2a: {  	_ =	swait.ge [sflag:s21], $0x80  }
0x2b: {  	[sflag:s21] =	ssyncset.done $0x0  }
0x2c: {  	[sflag:s21] =	ssyncadd.s32 $0xFFFFFF80  }
0x2d: {  	[spmem:s2] =	stream.indirect.scatter.add.f32 [tilespmem:s17], [sflag:$0x3], $0x80, s13, s13, $0xb8;
	[tilespmem:$0x1C200] =	vst v63  }
0x2e: {  	_ =	swait.ge [sflag:s22], $0x4000  }
0x2f: {  	[sflag:s22] =	ssyncset.done $0x0  }
0x30: {  	[sflag:s22] =	ssyncadd.s32 $0xFFFFC000  }
0x31: {  	_ =	swait.ge [sflag:s23], $0x80  }
0x32: {  	[sflag:s23] =	ssyncset.done $0x0  }
0x33: {  	[sflag:s23] =	ssyncadd.s32 $0xFFFFFF80  }
0x34: {  	[spmem:s2] =	stream.indirect.scatter.add.f32 [tilespmem:s19], [sflag:$0x4], $0x80, s15, s13, $0xb8;
	[tilespmem:$0x1C200] =	vst v63  }
0x35: {  	_ =	swait.ge [sflag:s24], $0x4000  }
0x36: {  	[sflag:s24] =	ssyncset.done $0x0  }
0x37: {  	[sflag:s24] =	ssyncadd.s32 $0xFFFFC000  }
0x38: {  	_ =	swait.ge [sflag:s25], $0x4000  }
0x39: {  	s30 =	simm.s32 $0x40;
	s28 =	simm.s32 $0x20;
	[sflag:s25] =	ssyncset.done $0x0  }
.LBB2_2:
0x3a: {  	s31 =	sadd.s32 s28, s9  }
0x3b: {  	[sflag:s25] =	ssyncadd.s32 $0xFFFFC000;
	s1 =	smov.u32 s30;
	s29 =	sadd.s32 $0x20, s30  }
0x3c: {  	[tilespmem:s3], [sflag:$0x5] =	stream.linear.gather [hbm4b:s31+s3], $0x80, $0x38;
	[tilespmem:$0x1C200] =	vst v63  }
0x3d: {  	p0 =	sne.s32 s30, $0x4E0;
	s30 =	sadd.s32 s28, s10;
	s28 =	smov.u32 s1  }
0x3e: {  	[tilespmem:s13], [sflag:$0x6] =	stream.linear.gather [hbm4b:s30+s3], $0x80, $0x38;
	[tilespmem:$0x1C200] =	vst v63  }
0x3f: {  	s1 =	sadd.s32 $0x10, s31  }
0x40: {  	[tilespmem:s14], [sflag:$0x7] =	stream.linear.gather [hbm4b:s1+s3], $0x80, $0x38;
	[tilespmem:$0x1C200] =	vst v63  }
0x41: {  	s1 =	sadd.s32 $0x10, s30  }
0x42: {  	[tilespmem:s15], [sflag:$0x8] =	stream.linear.gather [hbm4b:s1+s3], $0x80, $0x38;
	[tilespmem:$0x1C200] =	vst v63  }
0x43: {  	_ =	swait.ge [sflag:s16], $0x80  }
0x44: {  	[sflag:s16] =	ssyncset.done $0x0  }
0x45: {  	[sflag:s16] =	ssyncadd.s32 $0xFFFFFF80  }
0x46: {  	[tilespmem:s17], [sflag:$0x1] =	stream.indirect.gather [hbm4b:s4+s13], $0x80, s3, s13, $0xb8;
	[tilespmem:$0x1C200] =	vst v63  }
0x47: {  	_ =	swait.ge [sflag:s18], $0x80  }
0x48: {  	[sflag:s18] =	ssyncset.done $0x0  }
0x49: {  	[sflag:s18] =	ssyncadd.s32 $0xFFFFFF80  }
0x4a: {  	[tilespmem:s19], [sflag:$0x2] =	stream.indirect.gather [hbm4b:s4+s13], $0x80, s14, s13, $0xb8;
	[tilespmem:$0x1C200] =	vst v63  }
0x4b: {  	_ =	swait.ge [sflag:s20], $0x4000  }
0x4c: {  	[sflag:s20] =	ssyncset.done $0x0  }
0x4d: {  	[sflag:s20] =	ssyncadd.s32 $0xFFFFC000  }
0x4e: {  	_ =	swait.ge [sflag:s21], $0x80  }
0x4f: {  	[sflag:s21] =	ssyncset.done $0x0  }
0x50: {  	[sflag:s21] =	ssyncadd.s32 $0xFFFFFF80  }
0x51: {  	[spmem:s2] =	stream.indirect.scatter.add.f32 [tilespmem:s17], [sflag:$0x3], $0x80, s13, s13, $0xb8;
	[tilespmem:$0x1C200] =	vst v63  }
0x52: {  	_ =	swait.ge [sflag:s22], $0x4000  }
0x53: {  	[sflag:s22] =	ssyncset.done $0x0  }
0x54: {  	[sflag:s22] =	ssyncadd.s32 $0xFFFFC000  }
0x55: {  	_ =	swait.ge [sflag:s23], $0x80  }
0x56: {  	[sflag:s23] =	ssyncset.done $0x0  }
0x57: {  	[sflag:s23] =	ssyncadd.s32 $0xFFFFFF80  }
0x58: {  	[spmem:s2] =	stream.indirect.scatter.add.f32 [tilespmem:s19], [sflag:$0x4], $0x80, s15, s13, $0xb8;
	[tilespmem:$0x1C200] =	vst v63  }
.Ltmp0:
0x59: {  	_ =	swait.ge [sflag:s24], $0x4000;
	(pc) =	sbr.rel @p0 .LBB2_2-.Ltmp0, $4  }
0x5a: {  	[sflag:s24] =	ssyncset.done $0x0  }
0x5b: {  	[sflag:s24] =	ssyncadd.s32 $0xFFFFC000  }
0x5c: {  	_ =	swait.ge [sflag:s25], $0x4000  }
0x5d: {  	s30 =	smov.u32 s29;
	[sflag:s25] =	ssyncset.done $0x0  }
0x5e: {  	s1 =	sadd.s32 s28, s9;
	[sflag:s25] =	ssyncadd.s32 $0xFFFFC000  }
0x5f: {  	[tilespmem:s3], [sflag:$0x5] =	stream.linear.gather [hbm4b:s1+s3], $0x80, $0x38;
	[tilespmem:$0x1C200] =	vst v63  }
0x60: {  	s30 =	sadd.s32 s28, s10  }
0x61: {  	[tilespmem:s13], [sflag:$0x6] =	stream.linear.gather [hbm4b:s30+s3], $0x80, $0x38;
	[tilespmem:$0x1C200] =	vst v63  }
0x62: {  	s1 =	sadd.s32 $0x10, s1  }
0x63: {  	[tilespmem:s14], [sflag:$0x7] =	stream.linear.gather [hbm4b:s1+s3], $0x80, $0x38;
	[tilespmem:$0x1C200] =	vst v63  }
0x64: {  	s31 =	sadd.s32 $0x10, s30  }
0x65: {  	[tilespmem:s15], [sflag:$0x8] =	stream.linear.gather [hbm4b:s31+s3], $0x80, $0x38;
	[tilespmem:$0x1C200] =	vst v63  }
0x66: {  	_ =	swait.ge [sflag:s16], $0x80  }
0x67: {  	[sflag:s16] =	ssyncset.done $0x0  }
0x68: {  	[sflag:s16] =	ssyncadd.s32 $0xFFFFFF80  }
0x69: {  	[tilespmem:s17], [sflag:$0x1] =	stream.indirect.gather [hbm4b:s4+s13], $0x80, s3, s13, $0xb8;
	[tilespmem:$0x1C200] =	vst v63  }
0x6a: {  	_ =	swait.ge [sflag:s18], $0x80  }
0x6b: {  	[sflag:s18] =	ssyncset.done $0x0  }
0x6c: {  	[sflag:s18] =	ssyncadd.s32 $0xFFFFFF80  }
0x6d: {  	[tilespmem:s19], [sflag:$0x2] =	stream.indirect.gather [hbm4b:s4+s13], $0x80, s14, s13, $0xb8;
	[tilespmem:$0x1C200] =	vst v63  }
0x6e: {  	_ =	swait.ge [sflag:s20], $0x4000  }
0x6f: {  	[sflag:s20] =	ssyncset.done $0x0  }
0x70: {  	[sflag:s20] =	ssyncadd.s32 $0xFFFFC000  }
0x71: {  	_ =	swait.ge [sflag:s21], $0x80  }
0x72: {  	[sflag:s21] =	ssyncset.done $0x0  }
0x73: {  	[sflag:s21] =	ssyncadd.s32 $0xFFFFFF80  }
0x74: {  	[spmem:s2] =	stream.indirect.scatter.add.f32 [tilespmem:s17], [sflag:$0x3], $0x80, s13, s13, $0xb8;
	[tilespmem:$0x1C200] =	vst v63  }
0x75: {  	_ =	swait.ge [sflag:s22], $0x4000  }
0x76: {  	[sflag:s22] =	ssyncset.done $0x0  }
0x77: {  	[sflag:s22] =	ssyncadd.s32 $0xFFFFC000  }
0x78: {  	_ =	swait.ge [sflag:s23], $0x80  }
0x79: {  	[sflag:s23] =	ssyncset.done $0x0  }
0x7a: {  	[sflag:s23] =	ssyncadd.s32 $0xFFFFFF80  }
0x7b: {  	[spmem:s2] =	stream.indirect.scatter.add.f32 [tilespmem:s19], [sflag:$0x4], $0x80, s15, s13, $0xb8;
	[tilespmem:$0x1C200] =	vst v63  }
0x7c: {  	_ =	swait.ge [sflag:s24], $0x4000  }
0x7d: {  	[sflag:s24] =	ssyncset.done $0x0  }
0x7e: {  	[sflag:s24] =	ssyncadd.s32 $0xFFFFC000  }
0x7f: {  	_ =	swait.ge [sflag:s25], $0x4000  }
0x80: {  	s26 =	sadd.s32 $0x1, s26;
	[sflag:s25] =	ssyncset.done $0x0  }
0x81: {  	p0 =	sne.s32 s26, s6;
	[sflag:s25] =	ssyncadd.s32 $0xFFFFC000  }
.Ltmp1:
0x82: {  	[bflag:$0x0] =	sbarrier.arrive $0xFFFF;
	(pc) =	sbr.rel @p0 .LBB2_1-.Ltmp1, $4  }
0x83: {  	[hbm:s5], [sflag:s8] =	dma.local [spmem:s11], $0x2800  }
0x84: {  	_ =	swait.ge [sflag:s12], $0x2800  }
0x85: {  	[sflag:s12] =	ssyncset.done $0x0  }
0x86: {  	[sflag:s12] =	ssyncadd.s32 $0xFFFFD800  }
0x87: {  	_ =	sfence.sel $0x180000  }
0x88: {  	[bflag:$0x0] =	sbarrier.arrive $0xFFFF  }
0x89: {  	_ =	strace $0x9000004D  }
0x8a: {  	[bflag:$0x2] =	sbarrier.arrive $0xFFFF  }
0x8b: {  	p0 =	sne.s32 s0, $0x0;
	s0 =	rddreg [dreg:$0x2]  }
0x8c: {  	s0 =	sadd.s32 @!p0 $0x100000, s0  }
0x8d: {  	[sflag:s0] =	ssyncadd.tile.s32 @!p0 $0x1;
	_ =	shalt  }
.Lfunc_end2:
_tile_overlayer_lowered:
.L_overlay_start_2:
0x8e: {  	(tag) =	ssettag $0x2  }
0x8f: {  	s0 =	rddreg [dreg:$0x0];
	s2 =	stileid.u32  }
0x90: {  	s1 =	rddreg [dreg:$0x1];
	p0 =	sne.s32 s2, $0x0  }
0x91: {  	s3 =	rddreg [dreg:$0x2];
	[bflag:$0x3] =	sbarrier.arrive $0xFFFF;
	s2 =	simm.s32 @!p0 $0x1C09  }
0x92: {  	[timem:s3], [sflag:s2] =	dma.local @!p0 [hbm:s0], s1  }
0x93: {  	s0 =	simm.s32 @!p0 $0x9  }
0x94: {  	_ =	swait.ge @!p0 [sflag:s0], s1  }
0x95: {  	s1 =	ssub.s32 @!p0 $0x0, s1;
	[sflag:s0] =	ssyncset.done @!p0 $0x0  }
0x96: {  	[sflag:s0] =	ssyncadd.s32 @!p0 s1  }
0x97: {  	[bflag:$0x3] =	sbarrier.arrive $0xFFFF  }
0x98: {  	_ =	shalt  }

// kernel: kernel.21.cloned.1.call-start
scs
__scs_entry_jumppad:
0x0: {  	(pc) =	sbr.rel $0x88, $3  }
0x1: {  	(tag) =	ssettag $0x0;
	lr =	simm.s32 $0x1  }
0x2: {  	[smem:$0x3F93] =	sst lr;
	_ =	strace $0xD0000000  }
0x3: {  	_ = 	snop  }
0x4: {  	_ = 	snop  }
0x5: {  	_ = 	snop  }
0x6: {  	_ = 	snop  }
0x7: {  	_ = 	snop  }
__scs_overlays_trampoline_lowered:
0x8: {  	[smem:$0x3FA2] =	sst s0  }
0x9: {  	[smem:$0x3FA3] =	sst s1  }
0xa: {  	[smem:$0x3FA4] =	sst s2  }
0xb: {  	[smem:$0x3FA5] =	sst s3  }
0xc: {  	[smem:$0x3FA6] =	sst s4  }
0xd: {  	[smem:$0x3FA7] =	sst s5  }
0xe: {  	[smem:$0x3FA8] =	sst s6  }
0xf: {  	[smem:$0x3FA9] =	sst s7  }
0x10: {  	[smem:$0x3FAA] =	sst s8  }
0x11: {  	[smem:$0x3FAB] =	sst s9;
	s0 =	simm.s32 @!p0 $0x0  }
0x12: {  	s1 =	sld [smem:$0x3F91];
	s0 =	simm.s32 @p0 $0x1  }
0x13: {  	[smem:$0x3FAC] =	sst s0;
	s0 =	simm.s32 @!p1 $0x0  }
0x14: {  	s2 =	sld [smem:$0x3F90];
	s0 =	simm.s32 @p1 $0x1  }
0x15: {  	[smem:$0x3FAD] =	sst s0;
	s0 =	simm.s32 @!p2 $0x0  }
0x16: {  	s3 =	sld [smem:$0x3FDB];
	s0 =	simm.s32 @p2 $0x1  }
0x17: {  	s4 =	simm.s32 $0x1BF5;
	[smem:$0x3FAF] =	sst s0  }
0x18: {  	s0 =	sld [smem:$0x3F92];
	_ =	swait.ge [sflag:s4], $0x0  }
0x19: {  	s7 =	sld [smem:$0x3F93]  }
0x1a: {  	s8 =	sadd.s32 $0xFFFFE003, lr  }
0x1b: {  	s9 =	sadd.s32 $0xFFFFFEF7, lr;
	s5 =	simm.s32 $0xFFFFFFFF;
	p2 =	slt.u32 s8, $0xFFFFF086  }
0x1c: {  	p1 =	slt.u32 s9, $0xF7A;
	s5 =	simm.s32 @!p2 $0x0  }
0x1d: {  	s5 =	simm.s32 @p1 $0x1;
	p0 =	seq.s32 s7, s2  }
0x1e: {  	s7 =	smul.u32 @!p0 $0xF7A, s2;
	p2 =	seq.s32 @!p0 s5, $0x0  }
0x1f: {  	s9 =	smul.u32 $0xF7A, s1;
	s8 =	simm.s32 @!p0 $0x1BF5;
	p2 =	por !p2, p0  }
0x20: {  	[sflag:s8] =	ssyncset.s32 @!p0 $0xFFFFF086;
	s6 =	sadd.s32 @!p0 s3, s7;
	s7 =	simm.s32 @!p0 $0x108  }
0x21: {  	s3 =	sadd.s32 s3, s9;
	s6 =	sadd.s32 @!p0 $0x88, s6;
	s7 =	simm.s32 @p2 $0x1082  }
0x22: {  	[simem:s7], [sflag:s8] =	dma.local @!p0 [hbm:s6], $0xF7A  }
0x23: {  	s9 =	sor.u32 $0xD0000000, s2;
	s6 =	simm.s32 $0x108;
	_ =	swait.ge @!p0 [sflag:s8], $0x0  }
0x24: {  	s3 =	sadd.s32 $0x88, s3;
	s6 =	simm.s32 @!p1 $0x1082;
	[sflag:s4] =	ssyncset.s32 $0xFFFFF086  }
0x25: {  	[simem:s6], [sflag:s4] =	dma.local [hbm:s3], $0xF7A  }
0x26: {  	[smem:$0x3F93] =	sst s1;
	(tag) =	ssettag s2;
	_ =	strace s9  }
0x27: {  	s1 =	sld [smem:$0x3FA3]  }
0x28: {  	s2 =	sld [smem:$0x3FA4]  }
0x29: {  	s4 =	sld [smem:$0x3FA6]  }
0x2a: {  	p0 =	seq.s32 s5, $0x0;
	s5 =	sld [smem:$0x3FA7]  }
0x2b: {  	s6 =	sld [smem:$0x3FA8]  }
0x2c: {  	s7 =	sld [smem:$0x3FA9]  }
0x2d: {  	s3 =	simm.s32 $0x108;
	s8 =	sld [smem:$0x3FAA]  }
0x2e: {  	s3 =	simm.s32 @!p0 $0x1082;
	s9 =	sld [smem:$0x3FAB]  }
0x2f: {  	lr =	sadd.s32 s0, s3;
	s0 =	sld [smem:$0x3FA2]  }
0x30: {  	s3 =	sld [smem:$0x3FA5]  }
0x31: {  	[smem:$0x3FAE] =	sst s10  }
0x32: {  	s10 =	sld [smem:$0x3FAC];
	_ =	sdelay $0x3  }
0x33: {  	p0 =	seq.s32 s10, $0x1;
	s10 =	sld [smem:$0x3FAE];
	_ =	sdelay $0x3  }
0x34: {  	[smem:$0x3FAE] =	sst s10  }
0x35: {  	s10 =	sld [smem:$0x3FAD];
	_ =	sdelay $0x3  }
0x36: {  	p1 =	seq.s32 s10, $0x1;
	s10 =	sld [smem:$0x3FAE];
	_ =	sdelay $0x3  }
0x37: {  	[smem:$0x3FAE] =	sst s10  }
0x38: {  	s10 =	sld [smem:$0x3FAF]  }
0x39: {  	_ = 	snop;
	(pc) =	sbr.ind lr, $3  }
0x3a: {  	_ = 	snop  }
0x3b: {  	_ = 	snop  }
0x3c: {  	p2 =	seq.s32 s10, $0x1;
	s10 =	sld [smem:$0x3FAE]  }
0x3d: {  	_ =	shalt  }
0x3e: {  	_ =	shalt  }
0x3f: {  	_ =	shalt  }
0x40: {  	_ =	shalt  }
0x41: {  	_ =	shalt  }
0x42: {  	_ =	shalt  }
0x43: {  	_ =	shalt  }
0x44: {  	_ =	shalt  }
0x45: {  	_ =	shalt  }
0x46: {  	_ =	shalt  }
0x47: {  	_ =	shalt  }
0x48: {  	_ =	shalt  }
0x49: {  	_ =	shalt  }
0x4a: {  	_ =	shalt  }
0x4b: {  	_ =	shalt  }
0x4c: {  	_ =	shalt  }
0x4d: {  	_ =	shalt  }
0x4e: {  	_ =	shalt  }
0x4f: {  	_ =	shalt  }
0x50: {  	_ =	shalt  }
0x51: {  	_ =	shalt  }
0x52: {  	_ =	shalt  }
0x53: {  	_ =	shalt  }
0x54: {  	_ =	shalt  }
0x55: {  	_ =	shalt  }
0x56: {  	_ =	shalt  }
0x57: {  	_ =	shalt  }
0x58: {  	_ =	shalt  }
0x59: {  	_ =	shalt  }
0x5a: {  	_ =	shalt  }
0x5b: {  	_ =	shalt  }
0x5c: {  	_ =	shalt  }
0x5d: {  	_ =	shalt  }
0x5e: {  	_ =	shalt  }
0x5f: {  	_ =	shalt  }
0x60: {  	_ =	shalt  }
0x61: {  	_ =	shalt  }
0x62: {  	_ =	shalt  }
0x63: {  	_ =	shalt  }
0x64: {  	_ =	shalt  }
0x65: {  	_ =	shalt  }
0x66: {  	_ =	shalt  }
0x67: {  	_ =	shalt  }
0x68: {  	_ =	shalt  }
0x69: {  	_ =	shalt  }
0x6a: {  	_ =	shalt  }
0x6b: {  	_ =	shalt  }
0x6c: {  	_ =	shalt  }
0x6d: {  	_ =	shalt  }
0x6e: {  	_ =	shalt  }
0x6f: {  	_ =	shalt  }
0x70: {  	_ =	shalt  }
0x71: {  	_ =	shalt  }
0x72: {  	_ =	shalt  }
0x73: {  	_ =	shalt  }
0x74: {  	_ =	shalt  }
0x75: {  	_ =	shalt  }
0x76: {  	_ =	shalt  }
0x77: {  	_ =	shalt  }
0x78: {  	_ =	shalt  }
0x79: {  	_ =	shalt  }
0x7a: {  	_ =	shalt  }
0x7b: {  	_ =	shalt  }
0x7c: {  	_ =	shalt  }
0x7d: {  	_ =	shalt  }
0x7e: {  	_ =	shalt  }
0x7f: {  	_ =	shalt  }
0x80: {  	_ =	shalt  }
0x81: {  	_ =	shalt  }
0x82: {  	_ =	shalt  }
0x83: {  	_ =	shalt  }
0x84: {  	_ =	shalt  }
0x85: {  	_ =	shalt  }
0x86: {  	_ =	shalt  }
0x87: {  	_ =	shalt  }
.Lfunc_end0:
.L_simem_size_0:
called_computation.3_lowered:
.L_overlay_start_0:
0x88: {  	s2 =	sld [smem:$0x3FD9]  }
0x89: {  	s3 =	sld [smem:$0x3FFE];
	_ =	sdelay $0x1  }
0x8a: {  	s1 =	srdreg.scid  }
0x8b: {  	s0 =	sand.u32 $0x1, s1  }
0x8c: {  	s16 =	sshll.u32 s0, $0xA;
	s2 =	sadd.s32 s3, s2  }
0x8d: {  	s2 =	sadd.s32 s2, s16  }
0x8e: {  	[smem:$0x3FBA] =	sst s2  }
0x8f: {  	_ = 	snop  }
0x90: {  	(tm) =	ssettm $0x1  }
0x91: {  	s17 =	sld [smem:$0x3FFB];
	_ =	sdelay $0x3  }
0x92: {  	_ =	strace s17  }
0x93: {  	s2 =	sld [smem:$0x3FFC];
	_ =	sdelay $0x3  }
0x94: {  	_ =	strace s2  }
0x95: {  	s2 =	sld [smem:$0x3FFD];
	_ =	sdelay $0x3  }
0x96: {  	_ =	strace s2  }
0x97: {  	_ =	strace $0x8FFFFFFF  }
0x98: {  	s18 =	sld [smem:$0x3FDB];
	_ =	sdelay $0x1  }
0x99: {  	s19 =	simm.s32 $_scs_section_size  }
0x9a: {  	s4 =	simm.s32 $_size__tile_overlayer_lowered;
	s5 =	simm.s32 $_tile_overlayer_lowered  }
0x9b: {  	s22 =	simm.s32 $0x1BFF;
	s21 =	sshll.u32 s5, $0x1;
	s2 =	sadd.s32 s19, s18  }
0x9c: {  	s6 =	simm.s32 $0x0;
	s20 =	sshll.u32 s4, $0x1;
	s4 =	sadd.s32 s21, s2  }
0x9d: {  	[timem:s6], [sflag:s22] =	dma.local [hbm:s4], s20  }
0x9e: {  	_ =	swait.ge [sflag:s22], s20  }
0x9f: {  	s3 =	ssub.s32 $0x0, s20;
	[sflag:s22] =	ssyncset.done $0x0  }
0xa0: {  	[sflag:s22] =	ssyncadd.s32 s3;
	_ =	sdelay $0x1  }
0xa1: {  	s23 =	simm.s32 $0x1B8B  }
0xa2: {  	_ =	swait.ge [sflag:s23], $0x1  }
0xa3: {  	[sflag:s23] =	ssyncset.done $0x0  }
0xa4: {  	s25 =	simm.s32 $0x1B8E;
	s24 =	sld [smem:$0x3FFE];
	[sflag:s23] =	ssyncadd.s32 $0xFFFFFFFF  }
0xa5: {  	s26 =	simm.s32 $execute0_lowered;
	[smem:$0x3FD2] =	sst s25  }
0xa6: {  	s4 =	sshll.u32 s26, $0x1;
	_ =	strace $0x8000004F;
	[dreg:$0x1] =	wrdreg $0xFFFFFFFF  }
0xa7: {  	s28 =	simm.s32 $_size_execute0_lowered;
	s2 =	sadd.s32 s2, s4;
	[dreg:$0x0] =	wrdreg $0x0  }
0xa8: {  	s4 =	sshll.u32 s28, $0x1;
	[dreg:$0x2] =	wrdreg s2  }
0xa9: {  	[dreg:$0x3] =	wrdreg s4  }
0xaa: {  	[dreg:$0x4] =	wrdreg $0xC0  }
0xab: {  	_ =	task [dreg:s6], $0x5FFFF  }
0xac: {  	[dreg:$0x1] =	wrdreg $0xFFFFFFFF  }
0xad: {  	[dreg:$0x0] =	wrdreg $0x60  }
0xae: {  	[dreg:$0x2] =	wrdreg s24  }
0xaf: {  	[dreg:$0x3] =	wrdreg $0x82000  }
0xb0: {  	[dreg:$0x4] =	wrdreg $0x9  }
0xb1: {  	_ =	task.clear_ibuf [dreg:s6], $0x5FFFF;
	_ =	strace $0x9000004F  }
0xb2: {  	s29 =	simm.s32 $0x9;
	_ =	strace $0x80000051  }
0xb3: {  	_ =	swait.ge [sflag:s29], $0x1  }
0xb4: {  	[sflag:s29] =	ssyncadd.s32 $0xFFFFFFFF  }
0xb5: {  	_ =	strace $0x90000051  }
0xb6: {  	_ =	sfence  }
0xb7: {  	s30 =	sld [smem:$0x0];
	_ =	sdelay $0x2  }
0xb8: {  	s31 =	sshll.u32 s1, $0xD;
	s1 =	sshrl.u32 s1, $0x2  }
0xb9: {  	s3 =	sand.u32 $0x4000, s31;
	s1 =	sadd.s32 s1, s30  }
0xba: {  	s0 =	sor.u32 s3, s0;
	s1 =	sshll.u32 s1, $0x11  }
0xbb: {  	s0 =	sor.u32 s1, s0  }
0xbc: {  	s0 =	sadd.s32 $0x8F2B, s0  }
0xbd: {  	[sflag:s0] =	ssyncadd.remote.s32 $0x1  }
0xbe: {  	_ =	sfence.sel $0xFFFF  }
0xbf: {  	[dreg:$0x0] =	wrdreg $0xFFFFFFFF;
	(pc) =	sbr.abs _section_cstart, $3  }
0xc0: {  	[dreg:$0x1] =	wrdreg $0xFFFFFFFF  }
0xc1: {  	_ =	task.clear_ibuf [dreg:s6], $0x2FFFF;
	_ =	strace $0x9FFFFFFF  }
0xc2: {  	(tm) =	ssettm $0x7FFFFFFF  }
0xc3: {  	_ =	shalt  }
tec
execute0_lowered:
.L_overlay_start_1:
0x0: {  	(tag) =	ssettag $0x1  }
0x1: {  	s1 =	srdreg.scid  }
0x2: {  	s0 =	stileid.u32;
	s5 =	rddreg [dreg:$0x0]  }
0x3: {  	s2 =	rddreg [dreg:$0x1];
	s3 =	simm.s32 $0x0;
	s13 =	simm.s32 $0x80  }
0x4: {  	s14 =	simm.s32 $0x100;
	s15 =	simm.s32 $0x180;
	s16 =	simm.s32 $0x5  }
0x5: {  	s17 =	simm.s32 $0x200;
	s18 =	simm.s32 $0x7;
	s19 =	simm.s32 $0x4200  }
0x6: {  	s20 =	simm.s32 $0x1;
	s21 =	simm.s32 $0x6;
	s7 =	smul.u32 $0x2800, s0  }
0x7: {  	s22 =	simm.s32 $0x2;
	s23 =	simm.s32 $0x8;
	s10 =	smul.u32 $0x14000, s0  }
0x8: {  	s24 =	simm.s32 $0x3;
	s6 =	sand.u32 $0x1, s1;
	s28 =	smul.u32 $0x50000, s0  }
0x9: {  	s25 =	simm.s32 $0x4;
	s26 =	simm.s32 $0x0;
	s4 =	smul.u32 $0x28000, s6  }
0xa: {  	[smem:$0x7FF] =	sst s3;
	s31 =	sshll.u32 s0, $0x6;
	s8 =	smul.u32 $0x140000, s6  }
0xb: {  	_ =	strace $0x80000050;
	s12 =	ssub.s32 $0x2, s6;
	p0 =	seq.s32 s6, $0x0  }
0xc: {  	s29 =	sshrl.u32 s12, $0x1;
	s9 =	sadd.s32 s7, s4;
	s4 =	sadd.s32 $0x2B800, s5  }
0xd: {  	s8 =	sadd.s32 s10, s8;
	s10 =	sadd.s32 $0x3800, s5;
	s9 =	sshrl.u32 s9, $0x3  }
0xe: {  	s8 =	sshrl.u32 s8, $0x3;
	s10 =	smov.u32 @p0 s4;
	s11 =	sadd.s32 s9, s5  }
0xf: {  	s5 =	sadd.s32 s8, s5;
	s9 =	sshrl.u32 s28, $0x2;
	s8 =	ssub.s32 s12, s29  }
0x10: {  	s7 =	sadd.s32 s10, s7;
	s12 =	simm.s32 $0x9;
	s30 =	sadd.s32 s9, s2  }
0x11: {  	s5 =	sadd.s32 $0x53800, s5;
	s6 =	smax.u32 s8, $0x1;
	s8 =	sor.u32 $0x1C09, s31  }
0x12: {  	s9 =	sadd.s32 $0xAD800, s11;
	s10 =	sadd.s32 $0xA3800, s11;
	s11 =	sshrl.u32 s30, $0x3  }
.LBB2_1:
0x13: {  	[spmem:s11], [sflag:s8] =	dma.local [hbm:s7], $0x2800  }
0x14: {  	_ =	swait.ge [sflag:s12], $0x2800  }
0x15: {  	[sflag:s12] =	ssyncset.done $0x0  }
0x16: {  	[sflag:s12] =	ssyncadd.s32 $0xFFFFD800  }
0x17: {  	s28 =	sadd.s32 $0x0, s9;
	[bflag:$0x0] =	sbarrier.arrive $0xFFFF  }
0x18: {  	[tilespmem:s3], [sflag:$0x5] =	stream.linear.gather [hbm4b:s28+s3], $0x80, $0x38;
	[tilespmem:$0x1C200] =	vst v63  }
0x19: {  	s29 =	sadd.s32 $0x0, s10  }
0x1a: {  	[tilespmem:s13], [sflag:$0x6] =	stream.linear.gather [hbm4b:s29+s3], $0x80, $0x38;
	[tilespmem:$0x1C200] =	vst v63  }
0x1b: {  	s28 =	sadd.s32 $0x10, s28  }
0x1c: {  	[tilespmem:s14], [sflag:$0x7] =	stream.linear.gather [hbm4b:s28+s3], $0x80, $0x38;
	[tilespmem:$0x1C200] =	vst v63  }
0x1d: {  	s28 =	sadd.s32 $0x10, s29  }
0x1e: {  	[tilespmem:s15], [sflag:$0x8] =	stream.linear.gather [hbm4b:s28+s3], $0x80, $0x38;
	[tilespmem:$0x1C200] =	vst v63  }
0x1f: {  	_ =	swait.ge [sflag:s16], $0x80  }
0x20: {  	[sflag:s16] =	ssyncset.done $0x0  }
0x21: {  	[sflag:s16] =	ssyncadd.s32 $0xFFFFFF80  }
0x22: {  	[tilespmem:s17], [sflag:$0x1] =	stream.indirect.gather [hbm4b:s4+s13], $0x80, s3, s13, $0xb8;
	[tilespmem:$0x1C200] =	vst v63  }
0x23: {  	_ =	swait.ge [sflag:s18], $0x80  }
0x24: {  	[sflag:s18] =	ssyncset.done $0x0  }
0x25: {  	[sflag:s18] =	ssyncadd.s32 $0xFFFFFF80  }
0x26: {  	[tilespmem:s19], [sflag:$0x2] =	stream.indirect.gather [hbm4b:s4+s13], $0x80, s14, s13, $0xb8;
	[tilespmem:$0x1C200] =	vst v63  }
0x27: {  	_ =	swait.ge [sflag:s20], $0x4000  }
0x28: {  	[sflag:s20] =	ssyncset.done $0x0  }
0x29: {  	[sflag:s20] =	ssyncadd.s32 $0xFFFFC000  }
0x2a: {  	_ =	swait.ge [sflag:s21], $0x80  }
0x2b: {  	[sflag:s21] =	ssyncset.done $0x0  }
0x2c: {  	[sflag:s21] =	ssyncadd.s32 $0xFFFFFF80  }
0x2d: {  	[spmem:s2] =	stream.indirect.scatter.add.f32 [tilespmem:s17], [sflag:$0x3], $0x80, s13, s13, $0xb8;
	[tilespmem:$0x1C200] =	vst v63  }
0x2e: {  	_ =	swait.ge [sflag:s22], $0x4000  }
0x2f: {  	[sflag:s22] =	ssyncset.done $0x0  }
0x30: {  	[sflag:s22] =	ssyncadd.s32 $0xFFFFC000  }
0x31: {  	_ =	swait.ge [sflag:s23], $0x80  }
0x32: {  	[sflag:s23] =	ssyncset.done $0x0  }
0x33: {  	[sflag:s23] =	ssyncadd.s32 $0xFFFFFF80  }
0x34: {  	[spmem:s2] =	stream.indirect.scatter.add.f32 [tilespmem:s19], [sflag:$0x4], $0x80, s15, s13, $0xb8;
	[tilespmem:$0x1C200] =	vst v63  }
0x35: {  	_ =	swait.ge [sflag:s24], $0x4000  }
0x36: {  	[sflag:s24] =	ssyncset.done $0x0  }
0x37: {  	[sflag:s24] =	ssyncadd.s32 $0xFFFFC000  }
0x38: {  	_ =	swait.ge [sflag:s25], $0x4000  }
0x39: {  	s30 =	simm.s32 $0x40;
	s28 =	simm.s32 $0x20;
	[sflag:s25] =	ssyncset.done $0x0  }
.LBB2_2:
0x3a: {  	s31 =	sadd.s32 s28, s9  }
0x3b: {  	[sflag:s25] =	ssyncadd.s32 $0xFFFFC000;
	s1 =	smov.u32 s30;
	s29 =	sadd.s32 $0x20, s30  }
0x3c: {  	[tilespmem:s3], [sflag:$0x5] =	stream.linear.gather [hbm4b:s31+s3], $0x80, $0x38;
	[tilespmem:$0x1C200] =	vst v63  }
0x3d: {  	p0 =	sne.s32 s30, $0x4E0;
	s30 =	sadd.s32 s28, s10;
	s28 =	smov.u32 s1  }
0x3e: {  	[tilespmem:s13], [sflag:$0x6] =	stream.linear.gather [hbm4b:s30+s3], $0x80, $0x38;
	[tilespmem:$0x1C200] =	vst v63  }
0x3f: {  	s1 =	sadd.s32 $0x10, s31  }
0x40: {  	[tilespmem:s14], [sflag:$0x7] =	stream.linear.gather [hbm4b:s1+s3], $0x80, $0x38;
	[tilespmem:$0x1C200] =	vst v63  }
0x41: {  	s1 =	sadd.s32 $0x10, s30  }
0x42: {  	[tilespmem:s15], [sflag:$0x8] =	stream.linear.gather [hbm4b:s1+s3], $0x80, $0x38;
	[tilespmem:$0x1C200] =	vst v63  }
0x43: {  	_ =	swait.ge [sflag:s16], $0x80  }
0x44: {  	[sflag:s16] =	ssyncset.done $0x0  }
0x45: {  	[sflag:s16] =	ssyncadd.s32 $0xFFFFFF80  }
0x46: {  	[tilespmem:s17], [sflag:$0x1] =	stream.indirect.gather [hbm4b:s4+s13], $0x80, s3, s13, $0xb8;
	[tilespmem:$0x1C200] =	vst v63  }
0x47: {  	_ =	swait.ge [sflag:s18], $0x80  }
0x48: {  	[sflag:s18] =	ssyncset.done $0x0  }
0x49: {  	[sflag:s18] =	ssyncadd.s32 $0xFFFFFF80  }
0x4a: {  	[tilespmem:s19], [sflag:$0x2] =	stream.indirect.gather [hbm4b:s4+s13], $0x80, s14, s13, $0xb8;
	[tilespmem:$0x1C200] =	vst v63  }
0x4b: {  	_ =	swait.ge [sflag:s20], $0x4000  }
0x4c: {  	[sflag:s20] =	ssyncset.done $0x0  }
0x4d: {  	[sflag:s20] =	ssyncadd.s32 $0xFFFFC000  }
0x4e: {  	_ =	swait.ge [sflag:s21], $0x80  }
0x4f: {  	[sflag:s21] =	ssyncset.done $0x0  }
0x50: {  	[sflag:s21] =	ssyncadd.s32 $0xFFFFFF80  }
0x51: {  	[spmem:s2] =	stream.indirect.scatter.add.f32 [tilespmem:s17], [sflag:$0x3], $0x80, s13, s13, $0xb8;
	[tilespmem:$0x1C200] =	vst v63  }
0x52: {  	_ =	swait.ge [sflag:s22], $0x4000  }
0x53: {  	[sflag:s22] =	ssyncset.done $0x0  }
0x54: {  	[sflag:s22] =	ssyncadd.s32 $0xFFFFC000  }
0x55: {  	_ =	swait.ge [sflag:s23], $0x80  }
0x56: {  	[sflag:s23] =	ssyncset.done $0x0  }
0x57: {  	[sflag:s23] =	ssyncadd.s32 $0xFFFFFF80  }
0x58: {  	[spmem:s2] =	stream.indirect.scatter.add.f32 [tilespmem:s19], [sflag:$0x4], $0x80, s15, s13, $0xb8;
	[tilespmem:$0x1C200] =	vst v63  }
.Ltmp0:
0x59: {  	_ =	swait.ge [sflag:s24], $0x4000;
	(pc) =	sbr.rel @p0 .LBB2_2-.Ltmp0, $4  }
0x5a: {  	[sflag:s24] =	ssyncset.done $0x0  }
0x5b: {  	[sflag:s24] =	ssyncadd.s32 $0xFFFFC000  }
0x5c: {  	_ =	swait.ge [sflag:s25], $0x4000  }
0x5d: {  	s30 =	smov.u32 s29;
	[sflag:s25] =	ssyncset.done $0x0  }
0x5e: {  	s1 =	sadd.s32 s28, s9;
	[sflag:s25] =	ssyncadd.s32 $0xFFFFC000  }
0x5f: {  	[tilespmem:s3], [sflag:$0x5] =	stream.linear.gather [hbm4b:s1+s3], $0x80, $0x38;
	[tilespmem:$0x1C200] =	vst v63  }
0x60: {  	s30 =	sadd.s32 s28, s10  }
0x61: {  	[tilespmem:s13], [sflag:$0x6] =	stream.linear.gather [hbm4b:s30+s3], $0x80, $0x38;
	[tilespmem:$0x1C200] =	vst v63  }
0x62: {  	s1 =	sadd.s32 $0x10, s1  }
0x63: {  	[tilespmem:s14], [sflag:$0x7] =	stream.linear.gather [hbm4b:s1+s3], $0x80, $0x38;
	[tilespmem:$0x1C200] =	vst v63  }
0x64: {  	s31 =	sadd.s32 $0x10, s30  }
0x65: {  	[tilespmem:s15], [sflag:$0x8] =	stream.linear.gather [hbm4b:s31+s3], $0x80, $0x38;
	[tilespmem:$0x1C200] =	vst v63  }
0x66: {  	_ =	swait.ge [sflag:s16], $0x80  }
0x67: {  	[sflag:s16] =	ssyncset.done $0x0  }
0x68: {  	[sflag:s16] =	ssyncadd.s32 $0xFFFFFF80  }
0x69: {  	[tilespmem:s17], [sflag:$0x1] =	stream.indirect.gather [hbm4b:s4+s13], $0x80, s3, s13, $0xb8;
	[tilespmem:$0x1C200] =	vst v63  }
0x6a: {  	_ =	swait.ge [sflag:s18], $0x80  }
0x6b: {  	[sflag:s18] =	ssyncset.done $0x0  }
0x6c: {  	[sflag:s18] =	ssyncadd.s32 $0xFFFFFF80  }
0x6d: {  	[tilespmem:s19], [sflag:$0x2] =	stream.indirect.gather [hbm4b:s4+s13], $0x80, s14, s13, $0xb8;
	[tilespmem:$0x1C200] =	vst v63  }
0x6e: {  	_ =	swait.ge [sflag:s20], $0x4000  }
0x6f: {  	[sflag:s20] =	ssyncset.done $0x0  }
0x70: {  	[sflag:s20] =	ssyncadd.s32 $0xFFFFC000  }
0x71: {  	_ =	swait.ge [sflag:s21], $0x80  }
0x72: {  	[sflag:s21] =	ssyncset.done $0x0  }
0x73: {  	[sflag:s21] =	ssyncadd.s32 $0xFFFFFF80  }
0x74: {  	[spmem:s2] =	stream.indirect.scatter.add.f32 [tilespmem:s17], [sflag:$0x3], $0x80, s13, s13, $0xb8;
	[tilespmem:$0x1C200] =	vst v63  }
0x75: {  	_ =	swait.ge [sflag:s22], $0x4000  }
0x76: {  	[sflag:s22] =	ssyncset.done $0x0  }
0x77: {  	[sflag:s22] =	ssyncadd.s32 $0xFFFFC000  }
0x78: {  	_ =	swait.ge [sflag:s23], $0x80  }
0x79: {  	[sflag:s23] =	ssyncset.done $0x0  }
0x7a: {  	[sflag:s23] =	ssyncadd.s32 $0xFFFFFF80  }
0x7b: {  	[spmem:s2] =	stream.indirect.scatter.add.f32 [tilespmem:s19], [sflag:$0x4], $0x80, s15, s13, $0xb8;
	[tilespmem:$0x1C200] =	vst v63  }
0x7c: {  	_ =	swait.ge [sflag:s24], $0x4000  }
0x7d: {  	[sflag:s24] =	ssyncset.done $0x0  }
0x7e: {  	[sflag:s24] =	ssyncadd.s32 $0xFFFFC000  }
0x7f: {  	_ =	swait.ge [sflag:s25], $0x4000  }
0x80: {  	s26 =	sadd.s32 $0x1, s26;
	[sflag:s25] =	ssyncset.done $0x0  }
0x81: {  	p0 =	sne.s32 s26, s6;
	[sflag:s25] =	ssyncadd.s32 $0xFFFFC000  }
.Ltmp1:
0x82: {  	[bflag:$0x0] =	sbarrier.arrive $0xFFFF;
	(pc) =	sbr.rel @p0 .LBB2_1-.Ltmp1, $4  }
0x83: {  	[hbm:s5], [sflag:s8] =	dma.local [spmem:s11], $0x2800  }
0x84: {  	_ =	swait.ge [sflag:s12], $0x2800  }
0x85: {  	[sflag:s12] =	ssyncset.done $0x0  }
0x86: {  	[sflag:s12] =	ssyncadd.s32 $0xFFFFD800  }
0x87: {  	_ =	sfence.sel $0x180000  }
0x88: {  	[bflag:$0x0] =	sbarrier.arrive $0xFFFF  }
0x89: {  	_ =	strace $0x90000050  }
0x8a: {  	[bflag:$0x2] =	sbarrier.arrive $0xFFFF  }
0x8b: {  	p0 =	sne.s32 s0, $0x0;
	s0 =	rddreg [dreg:$0x2]  }
0x8c: {  	s0 =	sadd.s32 @!p0 $0x100000, s0  }
0x8d: {  	[sflag:s0] =	ssyncadd.tile.s32 @!p0 $0x1;
	_ =	shalt  }
.Lfunc_end2:
_tile_overlayer_lowered:
.L_overlay_start_2:
0x8e: {  	(tag) =	ssettag $0x2  }
0x8f: {  	s0 =	rddreg [dreg:$0x0];
	s2 =	stileid.u32  }
0x90: {  	s1 =	rddreg [dreg:$0x1];
	p0 =	sne.s32 s2, $0x0  }
0x91: {  	s3 =	rddreg [dreg:$0x2];
	[bflag:$0x3] =	sbarrier.arrive $0xFFFF;
	s2 =	simm.s32 @!p0 $0x1C09  }
0x92: {  	[timem:s3], [sflag:s2] =	dma.local @!p0 [hbm:s0], s1  }
0x93: {  	s0 =	simm.s32 @!p0 $0x9  }
0x94: {  	_ =	swait.ge @!p0 [sflag:s0], s1  }
0x95: {  	s1 =	ssub.s32 @!p0 $0x0, s1;
	[sflag:s0] =	ssyncset.done @!p0 $0x0  }
0x96: {  	[sflag:s0] =	ssyncadd.s32 @!p0 s1  }
0x97: {  	[bflag:$0x3] =	sbarrier.arrive $0xFFFF  }
0x98: {  	_ =	shalt  }

</sc_bundles>
